<compile_context>
chip_gen: v7x
topology: tpu7x:2x2x1
jax: 0.10.2.dev20260603
libtpu: 0.0.44.dev20260713+nightly
codegen_flags: <defaults>
</compile_context>

<pallas_src>
import jax
import jax.numpy as jnp
from jax import lax
from jax.experimental import pallas as pl
from jax.experimental.pallas import tpu as pltpu
from jax.experimental.pallas import tpu_sc as plsc

_N = 10000
_E = 320000
_D = 128
_H = 16
_G = 16
_O = 2

_NC = 2
_NS = 16
_NW = _NC * _NS
_EPW = _E // _NW
_CH = 2000
_NCHUNK = _EPW // _CH
_CHD = 1000
_NCHUNKD = _EPW // _CHD
_NPAD = 10240
_RPT = _NPAD // _NS
_PR = _NPAD * _H // 128

_sc_mesh = plsc.VectorSubcoreMesh(core_axis_name="c", subcore_axis_name="s")
_sc_params = pltpu.CompilerParams(use_tc_tiling_on_sc=False)


def _deg_body(edge_hbm, ones_hbm, zeros_hbm, out_hbm,
              idx0, idx1, ones_v, ssem0, ssem1, acc):
    c = lax.axis_index("c")
    s = lax.axis_index("s")
    w = s * _NC + c
    ebase = w * _EPW
    idx = [idx0, idx1]
    ssem = [ssem0, ssem1]

    pltpu.sync_copy(zeros_hbm.at[pl.ds(s * _RPT, _RPT)],
                    acc.at[pl.ds(s * _RPT, _RPT)])
    pltpu.sync_copy(ones_hbm.at[pl.ds(0, _CHD)], ones_v)
    plsc.subcore_barrier()

    scat = [None, None]
    pltpu.sync_copy(edge_hbm.at[1, pl.ds(ebase, _CHD)], idx[0])
    for k in range(_NCHUNKD):
        cur = k % 2
        nxt = 1 - cur
        if k + 1 < _NCHUNKD:
            if scat[nxt] is not None:
                scat[nxt].wait()
            pltpu.sync_copy(edge_hbm.at[1, pl.ds(ebase + (k + 1) * _CHD, _CHD)],
                            idx[nxt])
        scat[cur] = pltpu.async_copy(ones_v, acc.at[idx[cur]],
                                     ssem[cur], add=True)
    for d in scat:
        if d is not None:
            d.wait()
    plsc.subcore_barrier()
    pltpu.sync_copy(acc.at[pl.ds(s * _RPT, _RPT)],
                    out_hbm.at[c, pl.ds(s * _RPT, _RPT)])


_deg_kernel = pl.kernel(
    _deg_body,
    out_type=jax.ShapeDtypeStruct((_NC, _NPAD, _H), jnp.float32),
    mesh=_sc_mesh,
    scratch_types=[
        pltpu.VMEM((_CHD,), jnp.int32),
        pltpu.VMEM((_CHD,), jnp.int32),
        pltpu.VMEM((_CHD, _H), jnp.float32),
        pltpu.SemaphoreType.DMA,
        pltpu.SemaphoreType.DMA,
        pltpu.VMEM_SHARED((_NPAD, _H), jnp.float32),
    ],
    compiler_params=_sc_params,
)


def _agg_body(vtab_hbm, edge_hbm, zeros_hbm, out_hbm,
              isrc0, isrc1, idst0, idst1, rows0, rows1,
              gsem0, gsem1, ssem0, ssem1, acc):
    c = lax.axis_index("c")
    s = lax.axis_index("s")
    w = s * _NC + c
    ebase = w * _EPW
    isrc = [isrc0, isrc1]
    idst = [idst0, idst1]
    rows = [rows0, rows1]
    gsem = [gsem0, gsem1]
    ssem = [ssem0, ssem1]

    pltpu.sync_copy(zeros_hbm.at[pl.ds(s * _RPT, _RPT)],
                    acc.at[pl.ds(s * _RPT, _RPT)])
    plsc.subcore_barrier()

    scat = [None, None]
    pltpu.sync_copy(edge_hbm.at[0, pl.ds(ebase, _CH)], isrc[0])
    pltpu.sync_copy(edge_hbm.at[1, pl.ds(ebase, _CH)], idst[0])
    gat = pltpu.async_copy(vtab_hbm.at[isrc[0]], rows[0], gsem[0])
    for k in range(_NCHUNK):
        cur = k % 2
        nxt = 1 - cur
        ngat = None
        if k + 1 < _NCHUNK:
            if scat[nxt] is not None:
                scat[nxt].wait()
            base = ebase + (k + 1) * _CH
            pltpu.sync_copy(edge_hbm.at[0, pl.ds(base, _CH)], isrc[nxt])
            pltpu.sync_copy(edge_hbm.at[1, pl.ds(base, _CH)], idst[nxt])
            ngat = pltpu.async_copy(vtab_hbm.at[isrc[nxt]], rows[nxt],
                                    gsem[nxt])
        gat.wait()
        scat[cur] = pltpu.async_copy(rows[cur], acc.at[idst[cur]],
                                     ssem[cur], add=True)
        gat = ngat
    for d in scat:
        if d is not None:
            d.wait()

    plsc.subcore_barrier()
    pltpu.sync_copy(acc.at[pl.ds(s * _RPT, _RPT)],
                    out_hbm.at[c, pl.ds(s * _RPT, _RPT)])


_agg_kernel = pl.kernel(
    _agg_body,
    out_type=jax.ShapeDtypeStruct((_NC, _NPAD, _H), jnp.float32),
    mesh=_sc_mesh,
    scratch_types=[
        pltpu.VMEM((_CH,), jnp.int32),
        pltpu.VMEM((_CH,), jnp.int32),
        pltpu.VMEM((_CH,), jnp.int32),
        pltpu.VMEM((_CH,), jnp.int32),
        pltpu.VMEM((_CH, _H), jnp.float32),
        pltpu.VMEM((_CH, _H), jnp.float32),
        pltpu.SemaphoreType.DMA,
        pltpu.SemaphoreType.DMA,
        pltpu.SemaphoreType.DMA,
        pltpu.SemaphoreType.DMA,
        pltpu.VMEM_SHARED((_NPAD, _H), jnp.float32),
    ],
    compiler_params=_sc_params,
)


def _tc1a_body(x_ref, w1_ref, h0_ref):
    h = jnp.dot(x_ref[...], w1_ref[...], preferred_element_type=jnp.float32)
    h0_ref[...] = jnp.concatenate(
        [h, jnp.zeros((_NPAD - _N, _H), jnp.float32)], axis=0)


_tc1a = pl.pallas_call(
    _tc1a_body,
    out_shape=jax.ShapeDtypeStruct((_NPAD, _H), jnp.float32),
)


def _tc1b_body(degp_ref, h0_ref, v1_ref, dinv_ref):
    deg = degp_ref[0] + degp_ref[1] + 1.0
    dinv = lax.rsqrt(deg)
    v1_ref[...] = h0_ref[...] * dinv
    dinv_ref[...] = dinv


_tc1b = pl.pallas_call(
    _tc1b_body,
    out_shape=[
        jax.ShapeDtypeStruct((_PR, 128), jnp.float32),
        jax.ShapeDtypeStruct((_PR, 128), jnp.float32),
    ],
)


def _tc2_body(accp_ref, v1_ref, dinv_ref, b1_ref, a_ref, u_ref):
    dinv = dinv_ref[...]
    s = accp_ref[0] + accp_ref[1] + v1_ref[...]
    h1 = s * dinv + b1_ref[...].reshape(1, 128)
    h1p = jnp.where(h1 >= 0.0, h1, a_ref[0] * h1)
    u_ref[...] = h1p * dinv


_tc2 = pl.pallas_call(
    _tc2_body,
    out_shape=jax.ShapeDtypeStruct((_PR, 128), jnp.float32),
)


def _tc3_body(accp_ref, u_ref, dinv_ref, bbp_ref, w2_ref, b2_ref, out_ref):
    yp = (accp_ref[0] + accp_ref[1] + u_ref[...]) * dinv_ref[...]
    bb = bbp_ref[...]
    mrows = []
    for g in range(_G):
        m = bb == g
        s128 = jnp.sum(jnp.where(m, yp, 0.0), axis=0, keepdims=True)
        c128 = jnp.sum(jnp.where(m, 1.0, 0.0), axis=0, keepdims=True)
        s16 = s128[:, 0:_H]
        c16 = c128[:, 0:_H]
        for j in range(1, 128 // _H):
            s16 = s16 + s128[:, _H * j:_H * (j + 1)]
            c16 = c16 + c128[:, _H * j:_H * (j + 1)]
        mrows.append(s16 / jnp.maximum(c16, 1.0))
    mean = jnp.concatenate(mrows, axis=0)
    out_ref[...] = (
        jnp.dot(mean, w2_ref[...], preferred_element_type=jnp.float32)
        + b2_ref[...].reshape(1, _O)
    )


_tc3 = pl.pallas_call(
    _tc3_body,
    out_shape=jax.ShapeDtypeStruct((_G, _O), jnp.float32),
)


def kernel(x, edge_index, batch_idx, W1, b1, prelu_a, W2, b2):
    zeros2d = jnp.zeros((_NPAD, _H), jnp.float32)
    ones2d = jnp.ones((_CHD, _H), jnp.float32)

    deg16 = _deg_kernel(edge_index, ones2d, zeros2d)
    deg16p = deg16.reshape(_NC, _PR, 128)
    h0 = _tc1a(x, W1)
    h0p = h0.reshape(_PR, 128)
    v1p, dinv16p = _tc1b(deg16p, h0p)
    v1 = v1p.reshape(_NPAD, _H)
    accp1 = _agg_kernel(v1, edge_index, zeros2d).reshape(_NC, _PR, 128)
    up = _tc2(accp1, v1p, dinv16p, jnp.tile(b1, 128 // _H), prelu_a)
    u = up.reshape(_NPAD, _H)
    accp2 = _agg_kernel(u, edge_index, zeros2d).reshape(_NC, _PR, 128)
    bpad = jnp.concatenate(
        [batch_idx, jnp.full((_NPAD - _N,), -1, jnp.int32)])
    bbp = jnp.broadcast_to(bpad[:, None], (_NPAD, _H)).reshape(_PR, 128)
    out = _tc3(accp2, up, dinv16p, bbp, W2, b2)
    return out

# --- scband reference (transcript-rebuilt; emitter-appended) ---
"""Pipeline reference for scband-gcn-easy-17008070492798 (READ-ONLY COPY).

The authoritative reference and input builder live on the scoring server;
editing this copy changes nothing except your own understanding.
"""

import jax, jax.numpy as jnp
import numpy as np

N = 10000
E = 320000
D = 128
H = 16
O = 2
G = 16


def setup_inputs(seed: int = 0) -> dict:
    key = jax.random.key(seed)
    ks = jax.random.split(key, 8)
    x = jax.random.normal(ks[0], (N, D), dtype=jnp.float32)
    edge_index = jax.random.randint(ks[1], (2, E), 0, N, dtype=jnp.int32)
    batch_idx = jnp.sort(jax.random.randint(ks[2], (N,), 0, G, dtype=jnp.int32))
    W1 = jax.random.normal(ks[3], (D, H), dtype=jnp.float32) * (1.0 / np.sqrt(D))
    b1 = jnp.zeros((H,), dtype=jnp.float32)
    prelu_a = jnp.full((1,), 0.25, dtype=jnp.float32)
    W2 = jax.random.normal(ks[4], (H, O), dtype=jnp.float32) * (1.0 / np.sqrt(H))
    b2 = jnp.zeros((O,), dtype=jnp.float32)
    return {"x": x, "edge_index": edge_index, "batch_idx": batch_idx,
            "W1": W1, "b1": b1, "prelu_a": prelu_a, "W2": W2, "b2": b2}


def _gcn_conv(x, edge_index, W, b):
    # GCNConv: x' = D^{-1/2} (A + I) D^{-1/2} X W + b  (add_self_loops=True, normalize=True)
    n = x.shape[0]
    loop = jnp.arange(n, dtype=edge_index.dtype)
    src = jnp.concatenate([edge_index[0], loop])
    dst = jnp.concatenate([edge_index[1], loop])
    deg = jnp.zeros((n,), dtype=x.dtype).at[dst].add(1.0)
    dinv = jax.lax.rsqrt(jnp.maximum(deg, 1.0))
    norm = dinv[src] * dinv[dst]
    h = x @ W
    msg = jnp.take(h, src, axis=0) * norm[:, None]
    out = jnp.zeros((n, W.shape[1]), dtype=x.dtype).at[dst].add(msg)
    return out + b


def _global_mean_pool(x, batch_idx, num_graphs):
    s = jax.ops.segment_sum(x, batch_idx, num_segments=num_graphs)
    cnt = jax.ops.segment_sum(jnp.ones((x.shape[0], 1), dtype=x.dtype), batch_idx, num_segments=num_graphs)
    return s / jnp.maximum(cnt, 1.0)


def reference(x, edge_index, batch_idx, W1, b1, prelu_a, W2, b2):
    h = _gcn_conv(x, edge_index, W1, b1)
    h = jnp.where(h >= 0, h, prelu_a * h)  # PReLU with single shared parameter
    h = _gcn_conv(h, edge_index, W2, b2)
    return _global_mean_pool(h, batch_idx, G)

if __name__ == "__main__":
    import jax
    _d = setup_inputs()
    print(jax.jit(kernel)(*tuple(_d.values())))

</pallas_src>

<mosaic_0001>
#map = affine_map<(d0, d1) -> (0, 0)>
#map1 = affine_map<(d0, d1) -> (0, 0, 0)>
module attributes {stable_mosaic.version = 14 : i64} {
  func.func @_deg_body(%arg0: i32, %arg1: i32, %arg2: memref<2x320000xi32, #tpu.memory_space<hbm>>, %arg3: memref<1000x16xf32, #tpu.memory_space<hbm>>, %arg4: memref<10240x16xf32, #tpu.memory_space<hbm>>, %arg5: memref<2x10240x16xf32, #tpu.memory_space<hbm>>, %arg6: memref<1000xi32, #tpu.memory_space<vmem>>, %arg7: memref<1000xi32, #tpu.memory_space<vmem>>, %arg8: memref<1000x16xf32, #tpu.memory_space<vmem>>, %arg9: memref<!tpu.dma_semaphore, #tpu.memory_space<semaphore_mem>>, %arg10: memref<!tpu.dma_semaphore, #tpu.memory_space<semaphore_mem>>, %arg11: memref<10240x16xf32, #tpu.memory_space<vmem_shared>>) attributes {dimension_semantics = [#tpu.dimension_semantics<core_parallel>, #tpu.dimension_semantics<subcore_parallel>], iteration_bounds = array<i64: 2, 16>, scalar_prefetch = 0 : i64, scratch_operands = 6 : i64, tpu.core_type = #tpu.core_type<sc_vector_subcore>, window_params = [{transform_indices = #map}, {transform_indices = #map}, {transform_indices = #map}, {transform_indices = #map1}]} {
    %mul3A = arith.constant 2 : i32
    %mul3A_0 = arith.muli %arg1, %mul3A : i32
    %add3A = arith.addi %mul3A_0, %arg0 : i32
    %mul3A_1 = arith.constant 10000 : i32
    %mul3A_2 = arith.muli %add3A, %mul3A_1 : i32
    %mul3A_3 = arith.constant 640 : i32
    %mul3A_4 = arith.muli %arg1, %mul3A_3 : i32
    %mul3A_5 = arith.constant 640 : i32
    %mul3A_6 = arith.muli %arg1, %mul3A_5 : i32
    "tpu.region"() ({
      %run_scoped3A_97 = tpu.sem_alloc : memref<!tpu.dma_semaphore, #tpu.memory_space<semaphore_mem>>
      %dma_start3A_98 = arith.constant 0 : i32
      %dma_start3A_99 = tpu.memref_slice %arg11[%mul3A_6, %dma_start3A_98] : memref<10240x16xf32, #tpu.memory_space<vmem_shared>> -> memref<640x16xf32, #tpu.memory_space<vmem_shared>>
      %dma_start3A_100 = arith.constant 0 : i32
      %dma_start3A_101 = tpu.memref_slice %arg4[%mul3A_4, %dma_start3A_100] : memref<10240x16xf32, #tpu.memory_space<hbm>> -> memref<640x16xf32, #tpu.memory_space<hbm>>
      tpu.enqueue_dma source(%dma_start3A_101 : memref<640x16xf32, #tpu.memory_space<hbm>>) target(%dma_start3A_99 : memref<640x16xf32, #tpu.memory_space<vmem_shared>>) target_semaphore(%run_scoped3A_97 : memref<!tpu.dma_semaphore, #tpu.memory_space<semaphore_mem>>)
      %dma_wait3A_102 = arith.constant 0 : i32
      %dma_wait3A_103 = tpu.memref_slice %arg11[%mul3A_6, %dma_wait3A_102] : memref<10240x16xf32, #tpu.memory_space<vmem_shared>> -> memref<640x16xf32, #tpu.memory_space<vmem_shared>>
      %dma_wait3A_104 = arith.constant 0 : i32
      %dma_wait3A_105 = tpu.memref_slice %arg4[%mul3A_4, %dma_wait3A_104] : memref<10240x16xf32, #tpu.memory_space<hbm>> -> memref<640x16xf32, #tpu.memory_space<hbm>>
      tpu.wait_dma2 semaphore(%run_scoped3A_97 : memref<!tpu.dma_semaphore, #tpu.memory_space<semaphore_mem>>) src(%dma_wait3A_105 : memref<640x16xf32, #tpu.memory_space<hbm>>) dst(%dma_wait3A_103 : memref<640x16xf32, #tpu.memory_space<vmem_shared>>)
      tpu.yield
    }) : () -> ()
    "tpu.region"() ({
      %run_scoped3A_97 = tpu.sem_alloc : memref<!tpu.dma_semaphore, #tpu.memory_space<semaphore_mem>>
      %dma_start3A_98 = arith.constant 0 : i32
      %dma_start3A_99 = arith.constant 0 : i32
      %dma_start3A_100 = tpu.memref_slice %arg3[%dma_start3A_98, %dma_start3A_99] : memref<1000x16xf32, #tpu.memory_space<hbm>> -> memref<1000x16xf32, #tpu.memory_space<hbm>>
      %dma_start3A_101 = arith.constant 0 : i32
      %dma_start3A_102 = arith.constant 0 : i32
      %dma_start3A_103 = tpu.memref_slice %arg3[%dma_start3A_101, %dma_start3A_102] : memref<1000x16xf32, #tpu.memory_space<hbm>> -> memref<1000x16xf32, #tpu.memory_space<hbm>>
      tpu.enqueue_dma source(%dma_start3A_103 : memref<1000x16xf32, #tpu.memory_space<hbm>>) target(%arg8 : memref<1000x16xf32, #tpu.memory_space<vmem>>) target_semaphore(%run_scoped3A_97 : memref<!tpu.dma_semaphore, #tpu.memory_space<semaphore_mem>>)
      %dma_wait3A_104 = arith.constant 0 : i32
      %dma_wait3A_105 = arith.constant 0 : i32
      %dma_wait3A_106 = tpu.memref_slice %arg3[%dma_wait3A_104, %dma_wait3A_105] : memref<1000x16xf32, #tpu.memory_space<hbm>> -> memref<1000x16xf32, #tpu.memory_space<hbm>>
      %dma_wait3A_107 = arith.constant 0 : i32
      %dma_wait3A_108 = arith.constant 0 : i32
      %dma_wait3A_109 = tpu.memref_slice %arg3[%dma_wait3A_107, %dma_wait3A_108] : memref<1000x16xf32, #tpu.memory_space<hbm>> -> memref<1000x16xf32, #tpu.memory_space<hbm>>
      tpu.wait_dma2 semaphore(%run_scoped3A_97 : memref<!tpu.dma_semaphore, #tpu.memory_space<semaphore_mem>>) src(%dma_wait3A_109 : memref<1000x16xf32, #tpu.memory_space<hbm>>) dst(%arg8 : memref<1000x16xf32, #tpu.memory_space<vmem>>)
      tpu.yield
    }) : () -> ()
    %barrier3A = arith.constant 0 : index
    tpu.barrier barrier_id(%barrier3A)
    %run_scoped3A = arith.constant 1 : i32
    "tpu.region"() ({
      %run_scoped3A_97 = tpu.sem_alloc : memref<!tpu.dma_semaphore, #tpu.memory_space<semaphore_mem>>
      %dma_start3A_98 = tpu.memref_slice %arg2[%run_scoped3A, %mul3A_2] : memref<2x320000xi32, #tpu.memory_space<hbm>> -> memref<1x1000xi32, #tpu.memory_space<hbm>>
      %dma_start3A_99 = tpu.memref_squeeze %dma_start3A_98 : memref<1x1000xi32, #tpu.memory_space<hbm>> -> memref<1000xi32, #tpu.memory_space<hbm>>
      %dma_start3A_100 = tpu.memref_slice %arg2[%run_scoped3A, %mul3A_2] : memref<2x320000xi32, #tpu.memory_space<hbm>> -> memref<1x1000xi32, #tpu.memory_space<hbm>>
      %dma_start3A_101 = tpu.memref_squeeze %dma_start3A_100 : memref<1x1000xi32, #tpu.memory_space<hbm>> -> memref<1000xi32, #tpu.memory_space<hbm>>
      tpu.enqueue_dma source(%dma_start3A_101 : memref<1000xi32, #tpu.memory_space<hbm>>) target(%arg6 : memref<1000xi32, #tpu.memory_space<vmem>>) target_semaphore(%run_scoped3A_97 : memref<!tpu.dma_semaphore, #tpu.memory_space<semaphore_mem>>)
      %dma_wait3A_102 = tpu.memref_slice %arg2[%run_scoped3A, %mul3A_2] : memref<2x320000xi32, #tpu.memory_space<hbm>> -> memref<1x1000xi32, #tpu.memory_space<hbm>>
      %dma_wait3A_103 = tpu.memref_squeeze %dma_wait3A_102 : memref<1x1000xi32, #tpu.memory_space<hbm>> -> memref<1000xi32, #tpu.memory_space<hbm>>
      %dma_wait3A_104 = tpu.memref_slice %arg2[%run_scoped3A, %mul3A_2] : memref<2x320000xi32, #tpu.memory_space<hbm>> -> memref<1x1000xi32, #tpu.memory_space<hbm>>
      %dma_wait3A_105 = tpu.memref_squeeze %dma_wait3A_104 : memref<1x1000xi32, #tpu.memory_space<hbm>> -> memref<1000xi32, #tpu.memory_space<hbm>>
      tpu.wait_dma2 semaphore(%run_scoped3A_97 : memref<!tpu.dma_semaphore, #tpu.memory_space<semaphore_mem>>) src(%dma_wait3A_105 : memref<1000xi32, #tpu.memory_space<hbm>>) dst(%arg6 : memref<1000xi32, #tpu.memory_space<vmem>>)
      tpu.yield
    }) : () -> ()
    %add3A_7 = arith.constant 1000 : i32
    %add3A_8 = arith.addi %mul3A_2, %add3A_7 : i32
    %run_scoped3A_9 = arith.constant 1 : i32
    "tpu.region"() ({
      %run_scoped3A_97 = tpu.sem_alloc : memref<!tpu.dma_semaphore, #tpu.memory_space<semaphore_mem>>
      %dma_start3A_98 = tpu.memref_slice %arg2[%run_scoped3A_9, %add3A_8] : memref<2x320000xi32, #tpu.memory_space<hbm>> -> memref<1x1000xi32, #tpu.memory_space<hbm>>
      %dma_start3A_99 = tpu.memref_squeeze %dma_start3A_98 : memref<1x1000xi32, #tpu.memory_space<hbm>> -> memref<1000xi32, #tpu.memory_space<hbm>>
      %dma_start3A_100 = tpu.memref_slice %arg2[%run_scoped3A_9, %add3A_8] : memref<2x320000xi32, #tpu.memory_space<hbm>> -> memref<1x1000xi32, #tpu.memory_space<hbm>>
      %dma_start3A_101 = tpu.memref_squeeze %dma_start3A_100 : memref<1x1000xi32, #tpu.memory_space<hbm>> -> memref<1000xi32, #tpu.memory_space<hbm>>
      tpu.enqueue_dma source(%dma_start3A_101 : memref<1000xi32, #tpu.memory_space<hbm>>) target(%arg7 : memref<1000xi32, #tpu.memory_space<vmem>>) target_semaphore(%run_scoped3A_97 : memref<!tpu.dma_semaphore, #tpu.memory_space<semaphore_mem>>)
      %dma_wait3A_102 = tpu.memref_slice %arg2[%run_scoped3A_9, %add3A_8] : memref<2x320000xi32, #tpu.memory_space<hbm>> -> memref<1x1000xi32, #tpu.memory_space<hbm>>
      %dma_wait3A_103 = tpu.memref_squeeze %dma_wait3A_102 : memref<1x1000xi32, #tpu.memory_space<hbm>> -> memref<1000xi32, #tpu.memory_space<hbm>>
      %dma_wait3A_104 = tpu.memref_slice %arg2[%run_scoped3A_9, %add3A_8] : memref<2x320000xi32, #tpu.memory_space<hbm>> -> memref<1x1000xi32, #tpu.memory_space<hbm>>
      %dma_wait3A_105 = tpu.memref_squeeze %dma_wait3A_104 : memref<1x1000xi32, #tpu.memory_space<hbm>> -> memref<1000xi32, #tpu.memory_space<hbm>>
      tpu.wait_dma2 semaphore(%run_scoped3A_97 : memref<!tpu.dma_semaphore, #tpu.memory_space<semaphore_mem>>) src(%dma_wait3A_105 : memref<1000xi32, #tpu.memory_space<hbm>>) dst(%arg7 : memref<1000xi32, #tpu.memory_space<vmem>>)
      tpu.yield
    }) : () -> ()
    %dma_start3A = arith.constant 0 : i32
    %dma_start3A_10 = arith.constant 0 : i32
    %dma_start3A_11 = tpu.memref_slice %arg11[%dma_start3A, %dma_start3A_10] : memref<10240x16xf32, #tpu.memory_space<vmem_shared>> -> memref<10240x16xf32, #tpu.memory_space<vmem_shared>>
    tpu.enqueue_indirect_dma source(%arg8 : memref<1000x16xf32, #tpu.memory_space<vmem>>) target(%dma_start3A_11 : memref<10240x16xf32, #tpu.memory_space<vmem_shared>>) offsets(%arg6 : memref<1000xi32, #tpu.memory_space<vmem>>) semaphore(%arg9 : memref<!tpu.dma_semaphore, #tpu.memory_space<semaphore_mem>>) {add = true}
    %dma_wait3A = arith.constant 0 : i32
    %dma_wait3A_12 = arith.constant 0 : i32
    %dma_wait3A_13 = tpu.memref_slice %arg11[%dma_wait3A, %dma_wait3A_12] : memref<10240x16xf32, #tpu.memory_space<vmem_shared>> -> memref<10240x16xf32, #tpu.memory_space<vmem_shared>>
    tpu.wait_indirect_dma semaphore(%arg9 : memref<!tpu.dma_semaphore, #tpu.memory_space<semaphore_mem>>) src(%arg8 : memref<1000x16xf32, #tpu.memory_space<vmem>>) dst(%dma_wait3A_13 : memref<10240x16xf32, #tpu.memory_space<vmem_shared>>)
    %add3A_14 = arith.constant 2000 : i32
    %add3A_15 = arith.addi %mul3A_2, %add3A_14 : i32
    %run_scoped3A_16 = arith.constant 1 : i32
    "tpu.region"() ({
      %run_scoped3A_97 = tpu.sem_alloc : memref<!tpu.dma_semaphore, #tpu.memory_space<semaphore_mem>>
      %dma_start3A_98 = tpu.memref_slice %arg2[%run_scoped3A_16, %add3A_15] : memref<2x320000xi32, #tpu.memory_space<hbm>> -> memref<1x1000xi32, #tpu.memory_space<hbm>>
      %dma_start3A_99 = tpu.memref_squeeze %dma_start3A_98 : memref<1x1000xi32, #tpu.memory_space<hbm>> -> memref<1000xi32, #tpu.memory_space<hbm>>
      %dma_start3A_100 = tpu.memref_slice %arg2[%run_scoped3A_16, %add3A_15] : memref<2x320000xi32, #tpu.memory_space<hbm>> -> memref<1x1000xi32, #tpu.memory_space<hbm>>
      %dma_start3A_101 = tpu.memref_squeeze %dma_start3A_100 : memref<1x1000xi32, #tpu.memory_space<hbm>> -> memref<1000xi32, #tpu.memory_space<hbm>>
      tpu.enqueue_dma source(%dma_start3A_101 : memref<1000xi32, #tpu.memory_space<hbm>>) target(%arg6 : memref<1000xi32, #tpu.memory_space<vmem>>) target_semaphore(%run_scoped3A_97 : memref<!tpu.dma_semaphore, #tpu.memory_space<semaphore_mem>>)
      %dma_wait3A_102 = tpu.memref_slice %arg2[%run_scoped3A_16, %add3A_15] : memref<2x320000xi32, #tpu.memory_space<hbm>> -> memref<1x1000xi32, #tpu.memory_space<hbm>>
      %dma_wait3A_103 = tpu.memref_squeeze %dma_wait3A_102 : memref<1x1000xi32, #tpu.memory_space<hbm>> -> memref<1000xi32, #tpu.memory_space<hbm>>
      %dma_wait3A_104 = tpu.memref_slice %arg2[%run_scoped3A_16, %add3A_15] : memref<2x320000xi32, #tpu.memory_space<hbm>> -> memref<1x1000xi32, #tpu.memory_space<hbm>>
      %dma_wait3A_105 = tpu.memref_squeeze %dma_wait3A_104 : memref<1x1000xi32, #tpu.memory_space<hbm>> -> memref<1000xi32, #tpu.memory_space<hbm>>
      tpu.wait_dma2 semaphore(%run_scoped3A_97 : memref<!tpu.dma_semaphore, #tpu.memory_space<semaphore_mem>>) src(%dma_wait3A_105 : memref<1000xi32, #tpu.memory_space<hbm>>) dst(%arg6 : memref<1000xi32, #tpu.memory_space<vmem>>)
      tpu.yield
    }) : () -> ()
    %dma_start3A_17 = arith.constant 0 : i32
    %dma_start3A_18 = arith.constant 0 : i32
    %dma_start3A_19 = tpu.memref_slice %arg11[%dma_start3A_17, %dma_start3A_18] : memref<10240x16xf32, #tpu.memory_space<vmem_shared>> -> memref<10240x16xf32, #tpu.memory_space<vmem_shared>>
    tpu.enqueue_indirect_dma source(%arg8 : memref<1000x16xf32, #tpu.memory_space<vmem>>) target(%dma_start3A_19 : memref<10240x16xf32, #tpu.memory_space<vmem_shared>>) offsets(%arg7 : memref<1000xi32, #tpu.memory_space<vmem>>) semaphore(%arg10 : memref<!tpu.dma_semaphore, #tpu.memory_space<semaphore_mem>>) {add = true}
    %dma_wait3A_20 = arith.constant 0 : i32
    %dma_wait3A_21 = arith.constant 0 : i32
    %dma_wait3A_22 = tpu.memref_slice %arg11[%dma_wait3A_20, %dma_wait3A_21] : memref<10240x16xf32, #tpu.memory_space<vmem_shared>> -> memref<10240x16xf32, #tpu.memory_space<vmem_shared>>
    tpu.wait_indirect_dma semaphore(%arg10 : memref<!tpu.dma_semaphore, #tpu.memory_space<semaphore_mem>>) src(%arg8 : memref<1000x16xf32, #tpu.memory_space<vmem>>) dst(%dma_wait3A_22 : memref<10240x16xf32, #tpu.memory_space<vmem_shared>>)
    %add3A_23 = arith.constant 3000 : i32
    %add3A_24 = arith.addi %mul3A_2, %add3A_23 : i32
    %run_scoped3A_25 = arith.constant 1 : i32
    "tpu.region"() ({
      %run_scoped3A_97 = tpu.sem_alloc : memref<!tpu.dma_semaphore, #tpu.memory_space<semaphore_mem>>
      %dma_start3A_98 = tpu.memref_slice %arg2[%run_scoped3A_25, %add3A_24] : memref<2x320000xi32, #tpu.memory_space<hbm>> -> memref<1x1000xi32, #tpu.memory_space<hbm>>
      %dma_start3A_99 = tpu.memref_squeeze %dma_start3A_98 : memref<1x1000xi32, #tpu.memory_space<hbm>> -> memref<1000xi32, #tpu.memory_space<hbm>>
      %dma_start3A_100 = tpu.memref_slice %arg2[%run_scoped3A_25, %add3A_24] : memref<2x320000xi32, #tpu.memory_space<hbm>> -> memref<1x1000xi32, #tpu.memory_space<hbm>>
      %dma_start3A_101 = tpu.memref_squeeze %dma_start3A_100 : memref<1x1000xi32, #tpu.memory_space<hbm>> -> memref<1000xi32, #tpu.memory_space<hbm>>
      tpu.enqueue_dma source(%dma_start3A_101 : memref<1000xi32, #tpu.memory_space<hbm>>) target(%arg7 : memref<1000xi32, #tpu.memory_space<vmem>>) target_semaphore(%run_scoped3A_97 : memref<!tpu.dma_semaphore, #tpu.memory_space<semaphore_mem>>)
      %dma_wait3A_102 = tpu.memref_slice %arg2[%run_scoped3A_25, %add3A_24] : memref<2x320000xi32, #tpu.memory_space<hbm>> -> memref<1x1000xi32, #tpu.memory_space<hbm>>
      %dma_wait3A_103 = tpu.memref_squeeze %dma_wait3A_102 : memref<1x1000xi32, #tpu.memory_space<hbm>> -> memref<1000xi32, #tpu.memory_space<hbm>>
      %dma_wait3A_104 = tpu.memref_slice %arg2[%run_scoped3A_25, %add3A_24] : memref<2x320000xi32, #tpu.memory_space<hbm>> -> memref<1x1000xi32, #tpu.memory_space<hbm>>
      %dma_wait3A_105 = tpu.memref_squeeze %dma_wait3A_104 : memref<1x1000xi32, #tpu.memory_space<hbm>> -> memref<1000xi32, #tpu.memory_space<hbm>>
      tpu.wait_dma2 semaphore(%run_scoped3A_97 : memref<!tpu.dma_semaphore, #tpu.memory_space<semaphore_mem>>) src(%dma_wait3A_105 : memref<1000xi32, #tpu.memory_space<hbm>>) dst(%arg7 : memref<1000xi32, #tpu.memory_space<vmem>>)
      tpu.yield
    }) : () -> ()
    %dma_start3A_26 = arith.constant 0 : i32
    %dma_start3A_27 = arith.constant 0 : i32
    %dma_start3A_28 = tpu.memref_slice %arg11[%dma_start3A_26, %dma_start3A_27] : memref<10240x16xf32, #tpu.memory_space<vmem_shared>> -> memref<10240x16xf32, #tpu.memory_space<vmem_shared>>
    tpu.enqueue_indirect_dma source(%arg8 : memref<1000x16xf32, #tpu.memory_space<vmem>>) target(%dma_start3A_28 : memref<10240x16xf32, #tpu.memory_space<vmem_shared>>) offsets(%arg6 : memref<1000xi32, #tpu.memory_space<vmem>>) semaphore(%arg9 : memref<!tpu.dma_semaphore, #tpu.memory_space<semaphore_mem>>) {add = true}
    %dma_wait3A_29 = arith.constant 0 : i32
    %dma_wait3A_30 = arith.constant 0 : i32
    %dma_wait3A_31 = tpu.memref_slice %arg11[%dma_wait3A_29, %dma_wait3A_30] : memref<10240x16xf32, #tpu.memory_space<vmem_shared>> -> memref<10240x16xf32, #tpu.memory_space<vmem_shared>>
    tpu.wait_indirect_dma semaphore(%arg9 : memref<!tpu.dma_semaphore, #tpu.memory_space<semaphore_mem>>) src(%arg8 : memref<1000x16xf32, #tpu.memory_space<vmem>>) dst(%dma_wait3A_31 : memref<10240x16xf32, #tpu.memory_space<vmem_shared>>)
    %add3A_32 = arith.constant 4000 : i32
    %add3A_33 = arith.addi %mul3A_2, %add3A_32 : i32
    %run_scoped3A_34 = arith.constant 1 : i32
    "tpu.region"() ({
      %run_scoped3A_97 = tpu.sem_alloc : memref<!tpu.dma_semaphore, #tpu.memory_space<semaphore_mem>>
      %dma_start3A_98 = tpu.memref_slice %arg2[%run_scoped3A_34, %add3A_33] : memref<2x320000xi32, #tpu.memory_space<hbm>> -> memref<1x1000xi32, #tpu.memory_space<hbm>>
      %dma_start3A_99 = tpu.memref_squeeze %dma_start3A_98 : memref<1x1000xi32, #tpu.memory_space<hbm>> -> memref<1000xi32, #tpu.memory_space<hbm>>
      %dma_start3A_100 = tpu.memref_slice %arg2[%run_scoped3A_34, %add3A_33] : memref<2x320000xi32, #tpu.memory_space<hbm>> -> memref<1x1000xi32, #tpu.memory_space<hbm>>
      %dma_start3A_101 = tpu.memref_squeeze %dma_start3A_100 : memref<1x1000xi32, #tpu.memory_space<hbm>> -> memref<1000xi32, #tpu.memory_space<hbm>>
      tpu.enqueue_dma source(%dma_start3A_101 : memref<1000xi32, #tpu.memory_space<hbm>>) target(%arg6 : memref<1000xi32, #tpu.memory_space<vmem>>) target_semaphore(%run_scoped3A_97 : memref<!tpu.dma_semaphore, #tpu.memory_space<semaphore_mem>>)
      %dma_wait3A_102 = tpu.memref_slice %arg2[%run_scoped3A_34, %add3A_33] : memref<2x320000xi32, #tpu.memory_space<hbm>> -> memref<1x1000xi32, #tpu.memory_space<hbm>>
      %dma_wait3A_103 = tpu.memref_squeeze %dma_wait3A_102 : memref<1x1000xi32, #tpu.memory_space<hbm>> -> memref<1000xi32, #tpu.memory_space<hbm>>
      %dma_wait3A_104 = tpu.memref_slice %arg2[%run_scoped3A_34, %add3A_33] : memref<2x320000xi32, #tpu.memory_space<hbm>> -> memref<1x1000xi32, #tpu.memory_space<hbm>>
      %dma_wait3A_105 = tpu.memref_squeeze %dma_wait3A_104 : memref<1x1000xi32, #tpu.memory_space<hbm>> -> memref<1000xi32, #tpu.memory_space<hbm>>
      tpu.wait_dma2 semaphore(%run_scoped3A_97 : memref<!tpu.dma_semaphore, #tpu.memory_space<semaphore_mem>>) src(%dma_wait3A_105 : memref<1000xi32, #tpu.memory_space<hbm>>) dst(%arg6 : memref<1000xi32, #tpu.memory_space<vmem>>)
      tpu.yield
    }) : () -> ()
    %dma_start3A_35 = arith.constant 0 : i32
    %dma_start3A_36 = arith.constant 0 : i32
    %dma_start3A_37 = tpu.memref_slice %arg11[%dma_start3A_35, %dma_start3A_36] : memref<10240x16xf32, #tpu.memory_space<vmem_shared>> -> memref<10240x16xf32, #tpu.memory_space<vmem_shared>>
    tpu.enqueue_indirect_dma source(%arg8 : memref<1000x16xf32, #tpu.memory_space<vmem>>) target(%dma_start3A_37 : memref<10240x16xf32, #tpu.memory_space<vmem_shared>>) offsets(%arg7 : memref<1000xi32, #tpu.memory_space<vmem>>) semaphore(%arg10 : memref<!tpu.dma_semaphore, #tpu.memory_space<semaphore_mem>>) {add = true}
    %dma_wait3A_38 = arith.constant 0 : i32
    %dma_wait3A_39 = arith.constant 0 : i32
    %dma_wait3A_40 = tpu.memref_slice %arg11[%dma_wait3A_38, %dma_wait3A_39] : memref<10240x16xf32, #tpu.memory_space<vmem_shared>> -> memref<10240x16xf32, #tpu.memory_space<vmem_shared>>
    tpu.wait_indirect_dma semaphore(%arg10 : memref<!tpu.dma_semaphore, #tpu.memory_space<semaphore_mem>>) src(%arg8 : memref<1000x16xf32, #tpu.memory_space<vmem>>) dst(%dma_wait3A_40 : memref<10240x16xf32, #tpu.memory_space<vmem_shared>>)
    %add3A_41 = arith.constant 5000 : i32
    %add3A_42 = arith.addi %mul3A_2, %add3A_41 : i32
    %run_scoped3A_43 = arith.constant 1 : i32
    "tpu.region"() ({
      %run_scoped3A_97 = tpu.sem_alloc : memref<!tpu.dma_semaphore, #tpu.memory_space<semaphore_mem>>
      %dma_start3A_98 = tpu.memref_slice %arg2[%run_scoped3A_43, %add3A_42] : memref<2x320000xi32, #tpu.memory_space<hbm>> -> memref<1x1000xi32, #tpu.memory_space<hbm>>
      %dma_start3A_99 = tpu.memref_squeeze %dma_start3A_98 : memref<1x1000xi32, #tpu.memory_space<hbm>> -> memref<1000xi32, #tpu.memory_space<hbm>>
      %dma_start3A_100 = tpu.memref_slice %arg2[%run_scoped3A_43, %add3A_42] : memref<2x320000xi32, #tpu.memory_space<hbm>> -> memref<1x1000xi32, #tpu.memory_space<hbm>>
      %dma_start3A_101 = tpu.memref_squeeze %dma_start3A_100 : memref<1x1000xi32, #tpu.memory_space<hbm>> -> memref<1000xi32, #tpu.memory_space<hbm>>
      tpu.enqueue_dma source(%dma_start3A_101 : memref<1000xi32, #tpu.memory_space<hbm>>) target(%arg7 : memref<1000xi32, #tpu.memory_space<vmem>>) target_semaphore(%run_scoped3A_97 : memref<!tpu.dma_semaphore, #tpu.memory_space<semaphore_mem>>)
      %dma_wait3A_102 = tpu.memref_slice %arg2[%run_scoped3A_43, %add3A_42] : memref<2x320000xi32, #tpu.memory_space<hbm>> -> memref<1x1000xi32, #tpu.memory_space<hbm>>
      %dma_wait3A_103 = tpu.memref_squeeze %dma_wait3A_102 : memref<1x1000xi32, #tpu.memory_space<hbm>> -> memref<1000xi32, #tpu.memory_space<hbm>>
      %dma_wait3A_104 = tpu.memref_slice %arg2[%run_scoped3A_43, %add3A_42] : memref<2x320000xi32, #tpu.memory_space<hbm>> -> memref<1x1000xi32, #tpu.memory_space<hbm>>
      %dma_wait3A_105 = tpu.memref_squeeze %dma_wait3A_104 : memref<1x1000xi32, #tpu.memory_space<hbm>> -> memref<1000xi32, #tpu.memory_space<hbm>>
      tpu.wait_dma2 semaphore(%run_scoped3A_97 : memref<!tpu.dma_semaphore, #tpu.memory_space<semaphore_mem>>) src(%dma_wait3A_105 : memref<1000xi32, #tpu.memory_space<hbm>>) dst(%arg7 : memref<1000xi32, #tpu.memory_space<vmem>>)
      tpu.yield
    }) : () -> ()
    %dma_start3A_44 = arith.constant 0 : i32
    %dma_start3A_45 = arith.constant 0 : i32
    %dma_start3A_46 = tpu.memref_slice %arg11[%dma_start3A_44, %dma_start3A_45] : memref<10240x16xf32, #tpu.memory_space<vmem_shared>> -> memref<10240x16xf32, #tpu.memory_space<vmem_shared>>
    tpu.enqueue_indirect_dma source(%arg8 : memref<1000x16xf32, #tpu.memory_space<vmem>>) target(%dma_start3A_46 : memref<10240x16xf32, #tpu.memory_space<vmem_shared>>) offsets(%arg6 : memref<1000xi32, #tpu.memory_space<vmem>>) semaphore(%arg9 : memref<!tpu.dma_semaphore, #tpu.memory_space<semaphore_mem>>) {add = true}
    %dma_wait3A_47 = arith.constant 0 : i32
    %dma_wait3A_48 = arith.constant 0 : i32
    %dma_wait3A_49 = tpu.memref_slice %arg11[%dma_wait3A_47, %dma_wait3A_48] : memref<10240x16xf32, #tpu.memory_space<vmem_shared>> -> memref<10240x16xf32, #tpu.memory_space<vmem_shared>>
    tpu.wait_indirect_dma semaphore(%arg9 : memref<!tpu.dma_semaphore, #tpu.memory_space<semaphore_mem>>) src(%arg8 : memref<1000x16xf32, #tpu.memory_space<vmem>>) dst(%dma_wait3A_49 : memref<10240x16xf32, #tpu.memory_space<vmem_shared>>)
    %add3A_50 = arith.constant 6000 : i32
    %add3A_51 = arith.addi %mul3A_2, %add3A_50 : i32
    %run_scoped3A_52 = arith.constant 1 : i32
    "tpu.region"() ({
      %run_scoped3A_97 = tpu.sem_alloc : memref<!tpu.dma_semaphore, #tpu.memory_space<semaphore_mem>>
      %dma_start3A_98 = tpu.memref_slice %arg2[%run_scoped3A_52, %add3A_51] : memref<2x320000xi32, #tpu.memory_space<hbm>> -> memref<1x1000xi32, #tpu.memory_space<hbm>>
      %dma_start3A_99 = tpu.memref_squeeze %dma_start3A_98 : memref<1x1000xi32, #tpu.memory_space<hbm>> -> memref<1000xi32, #tpu.memory_space<hbm>>
      %dma_start3A_100 = tpu.memref_slice %arg2[%run_scoped3A_52, %add3A_51] : memref<2x320000xi32, #tpu.memory_space<hbm>> -> memref<1x1000xi32, #tpu.memory_space<hbm>>
      %dma_start3A_101 = tpu.memref_squeeze %dma_start3A_100 : memref<1x1000xi32, #tpu.memory_space<hbm>> -> memref<1000xi32, #tpu.memory_space<hbm>>
      tpu.enqueue_dma source(%dma_start3A_101 : memref<1000xi32, #tpu.memory_space<hbm>>) target(%arg6 : memref<1000xi32, #tpu.memory_space<vmem>>) target_semaphore(%run_scoped3A_97 : memref<!tpu.dma_semaphore, #tpu.memory_space<semaphore_mem>>)
      %dma_wait3A_102 = tpu.memref_slice %arg2[%run_scoped3A_52, %add3A_51] : memref<2x320000xi32, #tpu.memory_space<hbm>> -> memref<1x1000xi32, #tpu.memory_space<hbm>>
      %dma_wait3A_103 = tpu.memref_squeeze %dma_wait3A_102 : memref<1x1000xi32, #tpu.memory_space<hbm>> -> memref<1000xi32, #tpu.memory_space<hbm>>
      %dma_wait3A_104 = tpu.memref_slice %arg2[%run_scoped3A_52, %add3A_51] : memref<2x320000xi32, #tpu.memory_space<hbm>> -> memref<1x1000xi32, #tpu.memory_space<hbm>>
      %dma_wait3A_105 = tpu.memref_squeeze %dma_wait3A_104 : memref<1x1000xi32, #tpu.memory_space<hbm>> -> memref<1000xi32, #tpu.memory_space<hbm>>
      tpu.wait_dma2 semaphore(%run_scoped3A_97 : memref<!tpu.dma_semaphore, #tpu.memory_space<semaphore_mem>>) src(%dma_wait3A_105 : memref<1000xi32, #tpu.memory_space<hbm>>) dst(%arg6 : memref<1000xi32, #tpu.memory_space<vmem>>)
      tpu.yield
    }) : () -> ()
    %dma_start3A_53 = arith.constant 0 : i32
    %dma_start3A_54 = arith.constant 0 : i32
    %dma_start3A_55 = tpu.memref_slice %arg11[%dma_start3A_53, %dma_start3A_54] : memref<10240x16xf32, #tpu.memory_space<vmem_shared>> -> memref<10240x16xf32, #tpu.memory_space<vmem_shared>>
    tpu.enqueue_indirect_dma source(%arg8 : memref<1000x16xf32, #tpu.memory_space<vmem>>) target(%dma_start3A_55 : memref<10240x16xf32, #tpu.memory_space<vmem_shared>>) offsets(%arg7 : memref<1000xi32, #tpu.memory_space<vmem>>) semaphore(%arg10 : memref<!tpu.dma_semaphore, #tpu.memory_space<semaphore_mem>>) {add = true}
    %dma_wait3A_56 = arith.constant 0 : i32
    %dma_wait3A_57 = arith.constant 0 : i32
    %dma_wait3A_58 = tpu.memref_slice %arg11[%dma_wait3A_56, %dma_wait3A_57] : memref<10240x16xf32, #tpu.memory_space<vmem_shared>> -> memref<10240x16xf32, #tpu.memory_space<vmem_shared>>
    tpu.wait_indirect_dma semaphore(%arg10 : memref<!tpu.dma_semaphore, #tpu.memory_space<semaphore_mem>>) src(%arg8 : memref<1000x16xf32, #tpu.memory_space<vmem>>) dst(%dma_wait3A_58 : memref<10240x16xf32, #tpu.memory_space<vmem_shared>>)
    %add3A_59 = arith.constant 7000 : i32
    %add3A_60 = arith.addi %mul3A_2, %add3A_59 : i32
    %run_scoped3A_61 = arith.constant 1 : i32
    "tpu.region"() ({
      %run_scoped3A_97 = tpu.sem_alloc : memref<!tpu.dma_semaphore, #tpu.memory_space<semaphore_mem>>
      %dma_start3A_98 = tpu.memref_slice %arg2[%run_scoped3A_61, %add3A_60] : memref<2x320000xi32, #tpu.memory_space<hbm>> -> memref<1x1000xi32, #tpu.memory_space<hbm>>
      %dma_start3A_99 = tpu.memref_squeeze %dma_start3A_98 : memref<1x1000xi32, #tpu.memory_space<hbm>> -> memref<1000xi32, #tpu.memory_space<hbm>>
      %dma_start3A_100 = tpu.memref_slice %arg2[%run_scoped3A_61, %add3A_60] : memref<2x320000xi32, #tpu.memory_space<hbm>> -> memref<1x1000xi32, #tpu.memory_space<hbm>>
      %dma_start3A_101 = tpu.memref_squeeze %dma_start3A_100 : memref<1x1000xi32, #tpu.memory_space<hbm>> -> memref<1000xi32, #tpu.memory_space<hbm>>
      tpu.enqueue_dma source(%dma_start3A_101 : memref<1000xi32, #tpu.memory_space<hbm>>) target(%arg7 : memref<1000xi32, #tpu.memory_space<vmem>>) target_semaphore(%run_scoped3A_97 : memref<!tpu.dma_semaphore, #tpu.memory_space<semaphore_mem>>)
      %dma_wait3A_102 = tpu.memref_slice %arg2[%run_scoped3A_61, %add3A_60] : memref<2x320000xi32, #tpu.memory_space<hbm>> -> memref<1x1000xi32, #tpu.memory_space<hbm>>
      %dma_wait3A_103 = tpu.memref_squeeze %dma_wait3A_102 : memref<1x1000xi32, #tpu.memory_space<hbm>> -> memref<1000xi32, #tpu.memory_space<hbm>>
      %dma_wait3A_104 = tpu.memref_slice %arg2[%run_scoped3A_61, %add3A_60] : memref<2x320000xi32, #tpu.memory_space<hbm>> -> memref<1x1000xi32, #tpu.memory_space<hbm>>
      %dma_wait3A_105 = tpu.memref_squeeze %dma_wait3A_104 : memref<1x1000xi32, #tpu.memory_space<hbm>> -> memref<1000xi32, #tpu.memory_space<hbm>>
      tpu.wait_dma2 semaphore(%run_scoped3A_97 : memref<!tpu.dma_semaphore, #tpu.memory_space<semaphore_mem>>) src(%dma_wait3A_105 : memref<1000xi32, #tpu.memory_space<hbm>>) dst(%arg7 : memref<1000xi32, #tpu.memory_space<vmem>>)
      tpu.yield
    }) : () -> ()
    %dma_start3A_62 = arith.constant 0 : i32
    %dma_start3A_63 = arith.constant 0 : i32
    %dma_start3A_64 = tpu.memref_slice %arg11[%dma_start3A_62, %dma_start3A_63] : memref<10240x16xf32, #tpu.memory_space<vmem_shared>> -> memref<10240x16xf32, #tpu.memory_space<vmem_shared>>
    tpu.enqueue_indirect_dma source(%arg8 : memref<1000x16xf32, #tpu.memory_space<vmem>>) target(%dma_start3A_64 : memref<10240x16xf32, #tpu.memory_space<vmem_shared>>) offsets(%arg6 : memref<1000xi32, #tpu.memory_space<vmem>>) semaphore(%arg9 : memref<!tpu.dma_semaphore, #tpu.memory_space<semaphore_mem>>) {add = true}
    %dma_wait3A_65 = arith.constant 0 : i32
    %dma_wait3A_66 = arith.constant 0 : i32
    %dma_wait3A_67 = tpu.memref_slice %arg11[%dma_wait3A_65, %dma_wait3A_66] : memref<10240x16xf32, #tpu.memory_space<vmem_shared>> -> memref<10240x16xf32, #tpu.memory_space<vmem_shared>>
    tpu.wait_indirect_dma semaphore(%arg9 : memref<!tpu.dma_semaphore, #tpu.memory_space<semaphore_mem>>) src(%arg8 : memref<1000x16xf32, #tpu.memory_space<vmem>>) dst(%dma_wait3A_67 : memref<10240x16xf32, #tpu.memory_space<vmem_shared>>)
    %add3A_68 = arith.constant 8000 : i32
    %add3A_69 = arith.addi %mul3A_2, %add3A_68 : i32
    %run_scoped3A_70 = arith.constant 1 : i32
    "tpu.region"() ({
      %run_scoped3A_97 = tpu.sem_alloc : memref<!tpu.dma_semaphore, #tpu.memory_space<semaphore_mem>>
      %dma_start3A_98 = tpu.memref_slice %arg2[%run_scoped3A_70, %add3A_69] : memref<2x320000xi32, #tpu.memory_space<hbm>> -> memref<1x1000xi32, #tpu.memory_space<hbm>>
      %dma_start3A_99 = tpu.memref_squeeze %dma_start3A_98 : memref<1x1000xi32, #tpu.memory_space<hbm>> -> memref<1000xi32, #tpu.memory_space<hbm>>
      %dma_start3A_100 = tpu.memref_slice %arg2[%run_scoped3A_70, %add3A_69] : memref<2x320000xi32, #tpu.memory_space<hbm>> -> memref<1x1000xi32, #tpu.memory_space<hbm>>
      %dma_start3A_101 = tpu.memref_squeeze %dma_start3A_100 : memref<1x1000xi32, #tpu.memory_space<hbm>> -> memref<1000xi32, #tpu.memory_space<hbm>>
      tpu.enqueue_dma source(%dma_start3A_101 : memref<1000xi32, #tpu.memory_space<hbm>>) target(%arg6 : memref<1000xi32, #tpu.memory_space<vmem>>) target_semaphore(%run_scoped3A_97 : memref<!tpu.dma_semaphore, #tpu.memory_space<semaphore_mem>>)
      %dma_wait3A_102 = tpu.memref_slice %arg2[%run_scoped3A_70, %add3A_69] : memref<2x320000xi32, #tpu.memory_space<hbm>> -> memref<1x1000xi32, #tpu.memory_space<hbm>>
      %dma_wait3A_103 = tpu.memref_squeeze %dma_wait3A_102 : memref<1x1000xi32, #tpu.memory_space<hbm>> -> memref<1000xi32, #tpu.memory_space<hbm>>
      %dma_wait3A_104 = tpu.memref_slice %arg2[%run_scoped3A_70, %add3A_69] : memref<2x320000xi32, #tpu.memory_space<hbm>> -> memref<1x1000xi32, #tpu.memory_space<hbm>>
      %dma_wait3A_105 = tpu.memref_squeeze %dma_wait3A_104 : memref<1x1000xi32, #tpu.memory_space<hbm>> -> memref<1000xi32, #tpu.memory_space<hbm>>
      tpu.wait_dma2 semaphore(%run_scoped3A_97 : memref<!tpu.dma_semaphore, #tpu.memory_space<semaphore_mem>>) src(%dma_wait3A_105 : memref<1000xi32, #tpu.memory_space<hbm>>) dst(%arg6 : memref<1000xi32, #tpu.memory_space<vmem>>)
      tpu.yield
    }) : () -> ()
    %dma_start3A_71 = arith.constant 0 : i32
    %dma_start3A_72 = arith.constant 0 : i32
    %dma_start3A_73 = tpu.memref_slice %arg11[%dma_start3A_71, %dma_start3A_72] : memref<10240x16xf32, #tpu.memory_space<vmem_shared>> -> memref<10240x16xf32, #tpu.memory_space<vmem_shared>>
    tpu.enqueue_indirect_dma source(%arg8 : memref<1000x16xf32, #tpu.memory_space<vmem>>) target(%dma_start3A_73 : memref<10240x16xf32, #tpu.memory_space<vmem_shared>>) offsets(%arg7 : memref<1000xi32, #tpu.memory_space<vmem>>) semaphore(%arg10 : memref<!tpu.dma_semaphore, #tpu.memory_space<semaphore_mem>>) {add = true}
    %dma_wait3A_74 = arith.constant 0 : i32
    %dma_wait3A_75 = arith.constant 0 : i32
    %dma_wait3A_76 = tpu.memref_slice %arg11[%dma_wait3A_74, %dma_wait3A_75] : memref<10240x16xf32, #tpu.memory_space<vmem_shared>> -> memref<10240x16xf32, #tpu.memory_space<vmem_shared>>
    tpu.wait_indirect_dma semaphore(%arg10 : memref<!tpu.dma_semaphore, #tpu.memory_space<semaphore_mem>>) src(%arg8 : memref<1000x16xf32, #tpu.memory_space<vmem>>) dst(%dma_wait3A_76 : memref<10240x16xf32, #tpu.memory_space<vmem_shared>>)
    %add3A_77 = arith.constant 9000 : i32
    %add3A_78 = arith.addi %mul3A_2, %add3A_77 : i32
    %run_scoped3A_79 = arith.constant 1 : i32
    "tpu.region"() ({
      %run_scoped3A_97 = tpu.sem_alloc : memref<!tpu.dma_semaphore, #tpu.memory_space<semaphore_mem>>
      %dma_start3A_98 = tpu.memref_slice %arg2[%run_scoped3A_79, %add3A_78] : memref<2x320000xi32, #tpu.memory_space<hbm>> -> memref<1x1000xi32, #tpu.memory_space<hbm>>
      %dma_start3A_99 = tpu.memref_squeeze %dma_start3A_98 : memref<1x1000xi32, #tpu.memory_space<hbm>> -> memref<1000xi32, #tpu.memory_space<hbm>>
      %dma_start3A_100 = tpu.memref_slice %arg2[%run_scoped3A_79, %add3A_78] : memref<2x320000xi32, #tpu.memory_space<hbm>> -> memref<1x1000xi32, #tpu.memory_space<hbm>>
      %dma_start3A_101 = tpu.memref_squeeze %dma_start3A_100 : memref<1x1000xi32, #tpu.memory_space<hbm>> -> memref<1000xi32, #tpu.memory_space<hbm>>
      tpu.enqueue_dma source(%dma_start3A_101 : memref<1000xi32, #tpu.memory_space<hbm>>) target(%arg7 : memref<1000xi32, #tpu.memory_space<vmem>>) target_semaphore(%run_scoped3A_97 : memref<!tpu.dma_semaphore, #tpu.memory_space<semaphore_mem>>)
      %dma_wait3A_102 = tpu.memref_slice %arg2[%run_scoped3A_79, %add3A_78] : memref<2x320000xi32, #tpu.memory_space<hbm>> -> memref<1x1000xi32, #tpu.memory_space<hbm>>
      %dma_wait3A_103 = tpu.memref_squeeze %dma_wait3A_102 : memref<1x1000xi32, #tpu.memory_space<hbm>> -> memref<1000xi32, #tpu.memory_space<hbm>>
      %dma_wait3A_104 = tpu.memref_slice %arg2[%run_scoped3A_79, %add3A_78] : memref<2x320000xi32, #tpu.memory_space<hbm>> -> memref<1x1000xi32, #tpu.memory_space<hbm>>
      %dma_wait3A_105 = tpu.memref_squeeze %dma_wait3A_104 : memref<1x1000xi32, #tpu.memory_space<hbm>> -> memref<1000xi32, #tpu.memory_space<hbm>>
      tpu.wait_dma2 semaphore(%run_scoped3A_97 : memref<!tpu.dma_semaphore, #tpu.memory_space<semaphore_mem>>) src(%dma_wait3A_105 : memref<1000xi32, #tpu.memory_space<hbm>>) dst(%arg7 : memref<1000xi32, #tpu.memory_space<vmem>>)
      tpu.yield
    }) : () -> ()
    %dma_start3A_80 = arith.constant 0 : i32
    %dma_start3A_81 = arith.constant 0 : i32
    %dma_start3A_82 = tpu.memref_slice %arg11[%dma_start3A_80, %dma_start3A_81] : memref<10240x16xf32, #tpu.memory_space<vmem_shared>> -> memref<10240x16xf32, #tpu.memory_space<vmem_shared>>
    tpu.enqueue_indirect_dma source(%arg8 : memref<1000x16xf32, #tpu.memory_space<vmem>>) target(%dma_start3A_82 : memref<10240x16xf32, #tpu.memory_space<vmem_shared>>) offsets(%arg6 : memref<1000xi32, #tpu.memory_space<vmem>>) semaphore(%arg9 : memref<!tpu.dma_semaphore, #tpu.memory_space<semaphore_mem>>) {add = true}
    %dma_start3A_83 = arith.constant 0 : i32
    %dma_start3A_84 = arith.constant 0 : i32
    %dma_start3A_85 = tpu.memref_slice %arg11[%dma_start3A_83, %dma_start3A_84] : memref<10240x16xf32, #tpu.memory_space<vmem_shared>> -> memref<10240x16xf32, #tpu.memory_space<vmem_shared>>
    tpu.enqueue_indirect_dma source(%arg8 : memref<1000x16xf32, #tpu.memory_space<vmem>>) target(%dma_start3A_85 : memref<10240x16xf32, #tpu.memory_space<vmem_shared>>) offsets(%arg7 : memref<1000xi32, #tpu.memory_space<vmem>>) semaphore(%arg10 : memref<!tpu.dma_semaphore, #tpu.memory_space<semaphore_mem>>) {add = true}
    %dma_wait3A_86 = arith.constant 0 : i32
    %dma_wait3A_87 = arith.constant 0 : i32
    %dma_wait3A_88 = tpu.memref_slice %arg11[%dma_wait3A_86, %dma_wait3A_87] : memref<10240x16xf32, #tpu.memory_space<vmem_shared>> -> memref<10240x16xf32, #tpu.memory_space<vmem_shared>>
    tpu.wait_indirect_dma semaphore(%arg9 : memref<!tpu.dma_semaphore, #tpu.memory_space<semaphore_mem>>) src(%arg8 : memref<1000x16xf32, #tpu.memory_space<vmem>>) dst(%dma_wait3A_88 : memref<10240x16xf32, #tpu.memory_space<vmem_shared>>)
    %dma_wait3A_89 = arith.constant 0 : i32
    %dma_wait3A_90 = arith.constant 0 : i32
    %dma_wait3A_91 = tpu.memref_slice %arg11[%dma_wait3A_89, %dma_wait3A_90] : memref<10240x16xf32, #tpu.memory_space<vmem_shared>> -> memref<10240x16xf32, #tpu.memory_space<vmem_shared>>
    tpu.wait_indirect_dma semaphore(%arg10 : memref<!tpu.dma_semaphore, #tpu.memory_space<semaphore_mem>>) src(%arg8 : memref<1000x16xf32, #tpu.memory_space<vmem>>) dst(%dma_wait3A_91 : memref<10240x16xf32, #tpu.memory_space<vmem_shared>>)
    %barrier3A_92 = arith.constant 0 : index
    tpu.barrier barrier_id(%barrier3A_92)
    %mul3A_93 = arith.constant 640 : i32
    %mul3A_94 = arith.muli %arg1, %mul3A_93 : i32
    %mul3A_95 = arith.constant 640 : i32
    %mul3A_96 = arith.muli %arg1, %mul3A_95 : i32
    "tpu.region"() ({
      %run_scoped3A_97 = tpu.sem_alloc : memref<!tpu.dma_semaphore, #tpu.memory_space<semaphore_mem>>
      %dma_start3A_98 = arith.constant 0 : i32
      %dma_start3A_99 = tpu.memref_slice %arg5[%arg0, %mul3A_96, %dma_start3A_98] : memref<2x10240x16xf32, #tpu.memory_space<hbm>> -> memref<1x640x16xf32, #tpu.memory_space<hbm>>
      %dma_start3A_100 = tpu.memref_squeeze %dma_start3A_99 : memref<1x640x16xf32, #tpu.memory_space<hbm>> -> memref<640x16xf32, #tpu.memory_space<hbm>>
      %dma_start3A_101 = arith.constant 0 : i32
      %dma_start3A_102 = tpu.memref_slice %arg11[%mul3A_94, %dma_start3A_101] : memref<10240x16xf32, #tpu.memory_space<vmem_shared>> -> memref<640x16xf32, #tpu.memory_space<vmem_shared>>
      tpu.enqueue_dma source(%dma_start3A_102 : memref<640x16xf32, #tpu.memory_space<vmem_shared>>) target(%dma_start3A_100 : memref<640x16xf32, #tpu.memory_space<hbm>>) target_semaphore(%run_scoped3A_97 : memref<!tpu.dma_semaphore, #tpu.memory_space<semaphore_mem>>)
      %dma_wait3A_103 = arith.constant 0 : i32
      %dma_wait3A_104 = tpu.memref_slice %arg5[%arg0, %mul3A_96, %dma_wait3A_103] : memref<2x10240x16xf32, #tpu.memory_space<hbm>> -> memref<1x640x16xf32, #tpu.memory_space<hbm>>
      %dma_wait3A_105 = tpu.memref_squeeze %dma_wait3A_104 : memref<1x640x16xf32, #tpu.memory_space<hbm>> -> memref<640x16xf32, #tpu.memory_space<hbm>>
      %dma_wait3A_106 = arith.constant 0 : i32
      %dma_wait3A_107 = tpu.memref_slice %arg11[%mul3A_94, %dma_wait3A_106] : memref<10240x16xf32, #tpu.memory_space<vmem_shared>> -> memref<640x16xf32, #tpu.memory_space<vmem_shared>>
      tpu.wait_dma2 semaphore(%run_scoped3A_97 : memref<!tpu.dma_semaphore, #tpu.memory_space<semaphore_mem>>) src(%dma_wait3A_107 : memref<640x16xf32, #tpu.memory_space<vmem_shared>>) dst(%dma_wait3A_105 : memref<640x16xf32, #tpu.memory_space<hbm>>)
      tpu.yield
    }) : () -> ()
    return
  }
}

#map = affine_map<(d0, d1) -> (0, 0)>
#map1 = affine_map<(d0, d1) -> (0, 0, 0)>
module attributes {stable_mosaic.version = 14 : i64} {
  func.func @_agg_body(%arg0: i32, %arg1: i32, %arg2: memref<10240x16xf32, #tpu.memory_space<hbm>>, %arg3: memref<2x320000xi32, #tpu.memory_space<hbm>>, %arg4: memref<10240x16xf32, #tpu.memory_space<hbm>>, %arg5: memref<2x10240x16xf32, #tpu.memory_space<hbm>>, %arg6: memref<2000xi32, #tpu.memory_space<vmem>>, %arg7: memref<2000xi32, #tpu.memory_space<vmem>>, %arg8: memref<2000xi32, #tpu.memory_space<vmem>>, %arg9: memref<2000xi32, #tpu.memory_space<vmem>>, %arg10: memref<2000x16xf32, #tpu.memory_space<vmem>>, %arg11: memref<2000x16xf32, #tpu.memory_space<vmem>>, %arg12: memref<!tpu.dma_semaphore, #tpu.memory_space<semaphore_mem>>, %arg13: memref<!tpu.dma_semaphore, #tpu.memory_space<semaphore_mem>>, %arg14: memref<!tpu.dma_semaphore, #tpu.memory_space<semaphore_mem>>, %arg15: memref<!tpu.dma_semaphore, #tpu.memory_space<semaphore_mem>>, %arg16: memref<10240x16xf32, #tpu.memory_space<vmem_shared>>) attributes {dimension_semantics = [#tpu.dimension_semantics<core_parallel>, #tpu.dimension_semantics<subcore_parallel>], iteration_bounds = array<i64: 2, 16>, scalar_prefetch = 0 : i64, scratch_operands = 11 : i64, tpu.core_type = #tpu.core_type<sc_vector_subcore>, window_params = [{transform_indices = #map}, {transform_indices = #map}, {transform_indices = #map}, {transform_indices = #map1}]} {
    %mul3A = arith.constant 2 : i32
    %mul3A_0 = arith.muli %arg1, %mul3A : i32
    %add3A = arith.addi %mul3A_0, %arg0 : i32
    %mul3A_1 = arith.constant 10000 : i32
    %mul3A_2 = arith.muli %add3A, %mul3A_1 : i32
    %mul3A_3 = arith.constant 640 : i32
    %mul3A_4 = arith.muli %arg1, %mul3A_3 : i32
    %mul3A_5 = arith.constant 640 : i32
    %mul3A_6 = arith.muli %arg1, %mul3A_5 : i32
    "tpu.region"() ({
      %run_scoped3A_87 = tpu.sem_alloc : memref<!tpu.dma_semaphore, #tpu.memory_space<semaphore_mem>>
      %dma_start3A_88 = arith.constant 0 : i32
      %dma_start3A_89 = tpu.memref_slice %arg16[%mul3A_6, %dma_start3A_88] : memref<10240x16xf32, #tpu.memory_space<vmem_shared>> -> memref<640x16xf32, #tpu.memory_space<vmem_shared>>
      %dma_start3A_90 = arith.constant 0 : i32
      %dma_start3A_91 = tpu.memref_slice %arg4[%mul3A_4, %dma_start3A_90] : memref<10240x16xf32, #tpu.memory_space<hbm>> -> memref<640x16xf32, #tpu.memory_space<hbm>>
      tpu.enqueue_dma source(%dma_start3A_91 : memref<640x16xf32, #tpu.memory_space<hbm>>) target(%dma_start3A_89 : memref<640x16xf32, #tpu.memory_space<vmem_shared>>) target_semaphore(%run_scoped3A_87 : memref<!tpu.dma_semaphore, #tpu.memory_space<semaphore_mem>>)
      %dma_wait3A_92 = arith.constant 0 : i32
      %dma_wait3A_93 = tpu.memref_slice %arg16[%mul3A_6, %dma_wait3A_92] : memref<10240x16xf32, #tpu.memory_space<vmem_shared>> -> memref<640x16xf32, #tpu.memory_space<vmem_shared>>
      %dma_wait3A_94 = arith.constant 0 : i32
      %dma_wait3A_95 = tpu.memref_slice %arg4[%mul3A_4, %dma_wait3A_94] : memref<10240x16xf32, #tpu.memory_space<hbm>> -> memref<640x16xf32, #tpu.memory_space<hbm>>
      tpu.wait_dma2 semaphore(%run_scoped3A_87 : memref<!tpu.dma_semaphore, #tpu.memory_space<semaphore_mem>>) src(%dma_wait3A_95 : memref<640x16xf32, #tpu.memory_space<hbm>>) dst(%dma_wait3A_93 : memref<640x16xf32, #tpu.memory_space<vmem_shared>>)
      tpu.yield
    }) : () -> ()
    %barrier3A = arith.constant 0 : index
    tpu.barrier barrier_id(%barrier3A)
    %run_scoped3A = arith.constant 0 : i32
    "tpu.region"() ({
      %run_scoped3A_87 = tpu.sem_alloc : memref<!tpu.dma_semaphore, #tpu.memory_space<semaphore_mem>>
      %dma_start3A_88 = tpu.memref_slice %arg3[%run_scoped3A, %mul3A_2] : memref<2x320000xi32, #tpu.memory_space<hbm>> -> memref<1x2000xi32, #tpu.memory_space<hbm>>
      %dma_start3A_89 = tpu.memref_squeeze %dma_start3A_88 : memref<1x2000xi32, #tpu.memory_space<hbm>> -> memref<2000xi32, #tpu.memory_space<hbm>>
      %dma_start3A_90 = tpu.memref_slice %arg3[%run_scoped3A, %mul3A_2] : memref<2x320000xi32, #tpu.memory_space<hbm>> -> memref<1x2000xi32, #tpu.memory_space<hbm>>
      %dma_start3A_91 = tpu.memref_squeeze %dma_start3A_90 : memref<1x2000xi32, #tpu.memory_space<hbm>> -> memref<2000xi32, #tpu.memory_space<hbm>>
      tpu.enqueue_dma source(%dma_start3A_91 : memref<2000xi32, #tpu.memory_space<hbm>>) target(%arg6 : memref<2000xi32, #tpu.memory_space<vmem>>) target_semaphore(%run_scoped3A_87 : memref<!tpu.dma_semaphore, #tpu.memory_space<semaphore_mem>>)
      %dma_wait3A_92 = tpu.memref_slice %arg3[%run_scoped3A, %mul3A_2] : memref<2x320000xi32, #tpu.memory_space<hbm>> -> memref<1x2000xi32, #tpu.memory_space<hbm>>
      %dma_wait3A_93 = tpu.memref_squeeze %dma_wait3A_92 : memref<1x2000xi32, #tpu.memory_space<hbm>> -> memref<2000xi32, #tpu.memory_space<hbm>>
      %dma_wait3A_94 = tpu.memref_slice %arg3[%run_scoped3A, %mul3A_2] : memref<2x320000xi32, #tpu.memory_space<hbm>> -> memref<1x2000xi32, #tpu.memory_space<hbm>>
      %dma_wait3A_95 = tpu.memref_squeeze %dma_wait3A_94 : memref<1x2000xi32, #tpu.memory_space<hbm>> -> memref<2000xi32, #tpu.memory_space<hbm>>
      tpu.wait_dma2 semaphore(%run_scoped3A_87 : memref<!tpu.dma_semaphore, #tpu.memory_space<semaphore_mem>>) src(%dma_wait3A_95 : memref<2000xi32, #tpu.memory_space<hbm>>) dst(%arg6 : memref<2000xi32, #tpu.memory_space<vmem>>)
      tpu.yield
    }) : () -> ()
    %run_scoped3A_7 = arith.constant 1 : i32
    "tpu.region"() ({
      %run_scoped3A_87 = tpu.sem_alloc : memref<!tpu.dma_semaphore, #tpu.memory_space<semaphore_mem>>
      %dma_start3A_88 = tpu.memref_slice %arg3[%run_scoped3A_7, %mul3A_2] : memref<2x320000xi32, #tpu.memory_space<hbm>> -> memref<1x2000xi32, #tpu.memory_space<hbm>>
      %dma_start3A_89 = tpu.memref_squeeze %dma_start3A_88 : memref<1x2000xi32, #tpu.memory_space<hbm>> -> memref<2000xi32, #tpu.memory_space<hbm>>
      %dma_start3A_90 = tpu.memref_slice %arg3[%run_scoped3A_7, %mul3A_2] : memref<2x320000xi32, #tpu.memory_space<hbm>> -> memref<1x2000xi32, #tpu.memory_space<hbm>>
      %dma_start3A_91 = tpu.memref_squeeze %dma_start3A_90 : memref<1x2000xi32, #tpu.memory_space<hbm>> -> memref<2000xi32, #tpu.memory_space<hbm>>
      tpu.enqueue_dma source(%dma_start3A_91 : memref<2000xi32, #tpu.memory_space<hbm>>) target(%arg8 : memref<2000xi32, #tpu.memory_space<vmem>>) target_semaphore(%run_scoped3A_87 : memref<!tpu.dma_semaphore, #tpu.memory_space<semaphore_mem>>)
      %dma_wait3A_92 = tpu.memref_slice %arg3[%run_scoped3A_7, %mul3A_2] : memref<2x320000xi32, #tpu.memory_space<hbm>> -> memref<1x2000xi32, #tpu.memory_space<hbm>>
      %dma_wait3A_93 = tpu.memref_squeeze %dma_wait3A_92 : memref<1x2000xi32, #tpu.memory_space<hbm>> -> memref<2000xi32, #tpu.memory_space<hbm>>
      %dma_wait3A_94 = tpu.memref_slice %arg3[%run_scoped3A_7, %mul3A_2] : memref<2x320000xi32, #tpu.memory_space<hbm>> -> memref<1x2000xi32, #tpu.memory_space<hbm>>
      %dma_wait3A_95 = tpu.memref_squeeze %dma_wait3A_94 : memref<1x2000xi32, #tpu.memory_space<hbm>> -> memref<2000xi32, #tpu.memory_space<hbm>>
      tpu.wait_dma2 semaphore(%run_scoped3A_87 : memref<!tpu.dma_semaphore, #tpu.memory_space<semaphore_mem>>) src(%dma_wait3A_95 : memref<2000xi32, #tpu.memory_space<hbm>>) dst(%arg8 : memref<2000xi32, #tpu.memory_space<vmem>>)
      tpu.yield
    }) : () -> ()
    %dma_start3A = arith.constant 0 : i32
    %dma_start3A_8 = arith.constant 0 : i32
    %dma_start3A_9 = tpu.memref_slice %arg2[%dma_start3A, %dma_start3A_8] : memref<10240x16xf32, #tpu.memory_space<hbm>> -> memref<10240x16xf32, #tpu.memory_space<hbm>>
    tpu.enqueue_indirect_dma source(%dma_start3A_9 : memref<10240x16xf32, #tpu.memory_space<hbm>>) target(%arg10 : memref<2000x16xf32, #tpu.memory_space<vmem>>) offsets(%arg6 : memref<2000xi32, #tpu.memory_space<vmem>>) semaphore(%arg12 : memref<!tpu.dma_semaphore, #tpu.memory_space<semaphore_mem>>)
    %add3A_10 = arith.constant 2000 : i32
    %add3A_11 = arith.addi %mul3A_2, %add3A_10 : i32
    %run_scoped3A_12 = arith.constant 0 : i32
    "tpu.region"() ({
      %run_scoped3A_87 = tpu.sem_alloc : memref<!tpu.dma_semaphore, #tpu.memory_space<semaphore_mem>>
      %dma_start3A_88 = tpu.memref_slice %arg3[%run_scoped3A_12, %add3A_11] : memref<2x320000xi32, #tpu.memory_space<hbm>> -> memref<1x2000xi32, #tpu.memory_space<hbm>>
      %dma_start3A_89 = tpu.memref_squeeze %dma_start3A_88 : memref<1x2000xi32, #tpu.memory_space<hbm>> -> memref<2000xi32, #tpu.memory_space<hbm>>
      %dma_start3A_90 = tpu.memref_slice %arg3[%run_scoped3A_12, %add3A_11] : memref<2x320000xi32, #tpu.memory_space<hbm>> -> memref<1x2000xi32, #tpu.memory_space<hbm>>
      %dma_start3A_91 = tpu.memref_squeeze %dma_start3A_90 : memref<1x2000xi32, #tpu.memory_space<hbm>> -> memref<2000xi32, #tpu.memory_space<hbm>>
      tpu.enqueue_dma source(%dma_start3A_91 : memref<2000xi32, #tpu.memory_space<hbm>>) target(%arg7 : memref<2000xi32, #tpu.memory_space<vmem>>) target_semaphore(%run_scoped3A_87 : memref<!tpu.dma_semaphore, #tpu.memory_space<semaphore_mem>>)
      %dma_wait3A_92 = tpu.memref_slice %arg3[%run_scoped3A_12, %add3A_11] : memref<2x320000xi32, #tpu.memory_space<hbm>> -> memref<1x2000xi32, #tpu.memory_space<hbm>>
      %dma_wait3A_93 = tpu.memref_squeeze %dma_wait3A_92 : memref<1x2000xi32, #tpu.memory_space<hbm>> -> memref<2000xi32, #tpu.memory_space<hbm>>
      %dma_wait3A_94 = tpu.memref_slice %arg3[%run_scoped3A_12, %add3A_11] : memref<2x320000xi32, #tpu.memory_space<hbm>> -> memref<1x2000xi32, #tpu.memory_space<hbm>>
      %dma_wait3A_95 = tpu.memref_squeeze %dma_wait3A_94 : memref<1x2000xi32, #tpu.memory_space<hbm>> -> memref<2000xi32, #tpu.memory_space<hbm>>
      tpu.wait_dma2 semaphore(%run_scoped3A_87 : memref<!tpu.dma_semaphore, #tpu.memory_space<semaphore_mem>>) src(%dma_wait3A_95 : memref<2000xi32, #tpu.memory_space<hbm>>) dst(%arg7 : memref<2000xi32, #tpu.memory_space<vmem>>)
      tpu.yield
    }) : () -> ()
    %run_scoped3A_13 = arith.constant 1 : i32
    "tpu.region"() ({
      %run_scoped3A_87 = tpu.sem_alloc : memref<!tpu.dma_semaphore, #tpu.memory_space<semaphore_mem>>
      %dma_start3A_88 = tpu.memref_slice %arg3[%run_scoped3A_13, %add3A_11] : memref<2x320000xi32, #tpu.memory_space<hbm>> -> memref<1x2000xi32, #tpu.memory_space<hbm>>
      %dma_start3A_89 = tpu.memref_squeeze %dma_start3A_88 : memref<1x2000xi32, #tpu.memory_space<hbm>> -> memref<2000xi32, #tpu.memory_space<hbm>>
      %dma_start3A_90 = tpu.memref_slice %arg3[%run_scoped3A_13, %add3A_11] : memref<2x320000xi32, #tpu.memory_space<hbm>> -> memref<1x2000xi32, #tpu.memory_space<hbm>>
      %dma_start3A_91 = tpu.memref_squeeze %dma_start3A_90 : memref<1x2000xi32, #tpu.memory_space<hbm>> -> memref<2000xi32, #tpu.memory_space<hbm>>
      tpu.enqueue_dma source(%dma_start3A_91 : memref<2000xi32, #tpu.memory_space<hbm>>) target(%arg9 : memref<2000xi32, #tpu.memory_space<vmem>>) target_semaphore(%run_scoped3A_87 : memref<!tpu.dma_semaphore, #tpu.memory_space<semaphore_mem>>)
      %dma_wait3A_92 = tpu.memref_slice %arg3[%run_scoped3A_13, %add3A_11] : memref<2x320000xi32, #tpu.memory_space<hbm>> -> memref<1x2000xi32, #tpu.memory_space<hbm>>
      %dma_wait3A_93 = tpu.memref_squeeze %dma_wait3A_92 : memref<1x2000xi32, #tpu.memory_space<hbm>> -> memref<2000xi32, #tpu.memory_space<hbm>>
      %dma_wait3A_94 = tpu.memref_slice %arg3[%run_scoped3A_13, %add3A_11] : memref<2x320000xi32, #tpu.memory_space<hbm>> -> memref<1x2000xi32, #tpu.memory_space<hbm>>
      %dma_wait3A_95 = tpu.memref_squeeze %dma_wait3A_94 : memref<1x2000xi32, #tpu.memory_space<hbm>> -> memref<2000xi32, #tpu.memory_space<hbm>>
      tpu.wait_dma2 semaphore(%run_scoped3A_87 : memref<!tpu.dma_semaphore, #tpu.memory_space<semaphore_mem>>) src(%dma_wait3A_95 : memref<2000xi32, #tpu.memory_space<hbm>>) dst(%arg9 : memref<2000xi32, #tpu.memory_space<vmem>>)
      tpu.yield
    }) : () -> ()
    %dma_start3A_14 = arith.constant 0 : i32
    %dma_start3A_15 = arith.constant 0 : i32
    %dma_start3A_16 = tpu.memref_slice %arg2[%dma_start3A_14, %dma_start3A_15] : memref<10240x16xf32, #tpu.memory_space<hbm>> -> memref<10240x16xf32, #tpu.memory_space<hbm>>
    tpu.enqueue_indirect_dma source(%dma_start3A_16 : memref<10240x16xf32, #tpu.memory_space<hbm>>) target(%arg11 : memref<2000x16xf32, #tpu.memory_space<vmem>>) offsets(%arg7 : memref<2000xi32, #tpu.memory_space<vmem>>) semaphore(%arg13 : memref<!tpu.dma_semaphore, #tpu.memory_space<semaphore_mem>>)
    %dma_wait3A = arith.constant 0 : i32
    %dma_wait3A_17 = arith.constant 0 : i32
    %dma_wait3A_18 = tpu.memref_slice %arg2[%dma_wait3A, %dma_wait3A_17] : memref<10240x16xf32, #tpu.memory_space<hbm>> -> memref<10240x16xf32, #tpu.memory_space<hbm>>
    tpu.wait_indirect_dma semaphore(%arg12 : memref<!tpu.dma_semaphore, #tpu.memory_space<semaphore_mem>>) src(%dma_wait3A_18 : memref<10240x16xf32, #tpu.memory_space<hbm>>) dst(%arg10 : memref<2000x16xf32, #tpu.memory_space<vmem>>)
    %dma_start3A_19 = arith.constant 0 : i32
    %dma_start3A_20 = arith.constant 0 : i32
    %dma_start3A_21 = tpu.memref_slice %arg16[%dma_start3A_19, %dma_start3A_20] : memref<10240x16xf32, #tpu.memory_space<vmem_shared>> -> memref<10240x16xf32, #tpu.memory_space<vmem_shared>>
    tpu.enqueue_indirect_dma source(%arg10 : memref<2000x16xf32, #tpu.memory_space<vmem>>) target(%dma_start3A_21 : memref<10240x16xf32, #tpu.memory_space<vmem_shared>>) offsets(%arg8 : memref<2000xi32, #tpu.memory_space<vmem>>) semaphore(%arg14 : memref<!tpu.dma_semaphore, #tpu.memory_space<semaphore_mem>>) {add = true}
    %dma_wait3A_22 = arith.constant 0 : i32
    %dma_wait3A_23 = arith.constant 0 : i32
    %dma_wait3A_24 = tpu.memref_slice %arg16[%dma_wait3A_22, %dma_wait3A_23] : memref<10240x16xf32, #tpu.memory_space<vmem_shared>> -> memref<10240x16xf32, #tpu.memory_space<vmem_shared>>
    tpu.wait_indirect_dma semaphore(%arg14 : memref<!tpu.dma_semaphore, #tpu.memory_space<semaphore_mem>>) src(%arg10 : memref<2000x16xf32, #tpu.memory_space<vmem>>) dst(%dma_wait3A_24 : memref<10240x16xf32, #tpu.memory_space<vmem_shared>>)
    %add3A_25 = arith.constant 4000 : i32
    %add3A_26 = arith.addi %mul3A_2, %add3A_25 : i32
    %run_scoped3A_27 = arith.constant 0 : i32
    "tpu.region"() ({
      %run_scoped3A_87 = tpu.sem_alloc : memref<!tpu.dma_semaphore, #tpu.memory_space<semaphore_mem>>
      %dma_start3A_88 = tpu.memref_slice %arg3[%run_scoped3A_27, %add3A_26] : memref<2x320000xi32, #tpu.memory_space<hbm>> -> memref<1x2000xi32, #tpu.memory_space<hbm>>
      %dma_start3A_89 = tpu.memref_squeeze %dma_start3A_88 : memref<1x2000xi32, #tpu.memory_space<hbm>> -> memref<2000xi32, #tpu.memory_space<hbm>>
      %dma_start3A_90 = tpu.memref_slice %arg3[%run_scoped3A_27, %add3A_26] : memref<2x320000xi32, #tpu.memory_space<hbm>> -> memref<1x2000xi32, #tpu.memory_space<hbm>>
      %dma_start3A_91 = tpu.memref_squeeze %dma_start3A_90 : memref<1x2000xi32, #tpu.memory_space<hbm>> -> memref<2000xi32, #tpu.memory_space<hbm>>
      tpu.enqueue_dma source(%dma_start3A_91 : memref<2000xi32, #tpu.memory_space<hbm>>) target(%arg6 : memref<2000xi32, #tpu.memory_space<vmem>>) target_semaphore(%run_scoped3A_87 : memref<!tpu.dma_semaphore, #tpu.memory_space<semaphore_mem>>)
      %dma_wait3A_92 = tpu.memref_slice %arg3[%run_scoped3A_27, %add3A_26] : memref<2x320000xi32, #tpu.memory_space<hbm>> -> memref<1x2000xi32, #tpu.memory_space<hbm>>
      %dma_wait3A_93 = tpu.memref_squeeze %dma_wait3A_92 : memref<1x2000xi32, #tpu.memory_space<hbm>> -> memref<2000xi32, #tpu.memory_space<hbm>>
      %dma_wait3A_94 = tpu.memref_slice %arg3[%run_scoped3A_27, %add3A_26] : memref<2x320000xi32, #tpu.memory_space<hbm>> -> memref<1x2000xi32, #tpu.memory_space<hbm>>
      %dma_wait3A_95 = tpu.memref_squeeze %dma_wait3A_94 : memref<1x2000xi32, #tpu.memory_space<hbm>> -> memref<2000xi32, #tpu.memory_space<hbm>>
      tpu.wait_dma2 semaphore(%run_scoped3A_87 : memref<!tpu.dma_semaphore, #tpu.memory_space<semaphore_mem>>) src(%dma_wait3A_95 : memref<2000xi32, #tpu.memory_space<hbm>>) dst(%arg6 : memref<2000xi32, #tpu.memory_space<vmem>>)
      tpu.yield
    }) : () -> ()
    %run_scoped3A_28 = arith.constant 1 : i32
    "tpu.region"() ({
      %run_scoped3A_87 = tpu.sem_alloc : memref<!tpu.dma_semaphore, #tpu.memory_space<semaphore_mem>>
      %dma_start3A_88 = tpu.memref_slice %arg3[%run_scoped3A_28, %add3A_26] : memref<2x320000xi32, #tpu.memory_space<hbm>> -> memref<1x2000xi32, #tpu.memory_space<hbm>>
      %dma_start3A_89 = tpu.memref_squeeze %dma_start3A_88 : memref<1x2000xi32, #tpu.memory_space<hbm>> -> memref<2000xi32, #tpu.memory_space<hbm>>
      %dma_start3A_90 = tpu.memref_slice %arg3[%run_scoped3A_28, %add3A_26] : memref<2x320000xi32, #tpu.memory_space<hbm>> -> memref<1x2000xi32, #tpu.memory_space<hbm>>
      %dma_start3A_91 = tpu.memref_squeeze %dma_start3A_90 : memref<1x2000xi32, #tpu.memory_space<hbm>> -> memref<2000xi32, #tpu.memory_space<hbm>>
      tpu.enqueue_dma source(%dma_start3A_91 : memref<2000xi32, #tpu.memory_space<hbm>>) target(%arg8 : memref<2000xi32, #tpu.memory_space<vmem>>) target_semaphore(%run_scoped3A_87 : memref<!tpu.dma_semaphore, #tpu.memory_space<semaphore_mem>>)
      %dma_wait3A_92 = tpu.memref_slice %arg3[%run_scoped3A_28, %add3A_26] : memref<2x320000xi32, #tpu.memory_space<hbm>> -> memref<1x2000xi32, #tpu.memory_space<hbm>>
      %dma_wait3A_93 = tpu.memref_squeeze %dma_wait3A_92 : memref<1x2000xi32, #tpu.memory_space<hbm>> -> memref<2000xi32, #tpu.memory_space<hbm>>
      %dma_wait3A_94 = tpu.memref_slice %arg3[%run_scoped3A_28, %add3A_26] : memref<2x320000xi32, #tpu.memory_space<hbm>> -> memref<1x2000xi32, #tpu.memory_space<hbm>>
      %dma_wait3A_95 = tpu.memref_squeeze %dma_wait3A_94 : memref<1x2000xi32, #tpu.memory_space<hbm>> -> memref<2000xi32, #tpu.memory_space<hbm>>
      tpu.wait_dma2 semaphore(%run_scoped3A_87 : memref<!tpu.dma_semaphore, #tpu.memory_space<semaphore_mem>>) src(%dma_wait3A_95 : memref<2000xi32, #tpu.memory_space<hbm>>) dst(%arg8 : memref<2000xi32, #tpu.memory_space<vmem>>)
      tpu.yield
    }) : () -> ()
    %dma_start3A_29 = arith.constant 0 : i32
    %dma_start3A_30 = arith.constant 0 : i32
    %dma_start3A_31 = tpu.memref_slice %arg2[%dma_start3A_29, %dma_start3A_30] : memref<10240x16xf32, #tpu.memory_space<hbm>> -> memref<10240x16xf32, #tpu.memory_space<hbm>>
    tpu.enqueue_indirect_dma source(%dma_start3A_31 : memref<10240x16xf32, #tpu.memory_space<hbm>>) target(%arg10 : memref<2000x16xf32, #tpu.memory_space<vmem>>) offsets(%arg6 : memref<2000xi32, #tpu.memory_space<vmem>>) semaphore(%arg12 : memref<!tpu.dma_semaphore, #tpu.memory_space<semaphore_mem>>)
    %dma_wait3A_32 = arith.constant 0 : i32
    %dma_wait3A_33 = arith.constant 0 : i32
    %dma_wait3A_34 = tpu.memref_slice %arg2[%dma_wait3A_32, %dma_wait3A_33] : memref<10240x16xf32, #tpu.memory_space<hbm>> -> memref<10240x16xf32, #tpu.memory_space<hbm>>
    tpu.wait_indirect_dma semaphore(%arg13 : memref<!tpu.dma_semaphore, #tpu.memory_space<semaphore_mem>>) src(%dma_wait3A_34 : memref<10240x16xf32, #tpu.memory_space<hbm>>) dst(%arg11 : memref<2000x16xf32, #tpu.memory_space<vmem>>)
    %dma_start3A_35 = arith.constant 0 : i32
    %dma_start3A_36 = arith.constant 0 : i32
    %dma_start3A_37 = tpu.memref_slice %arg16[%dma_start3A_35, %dma_start3A_36] : memref<10240x16xf32, #tpu.memory_space<vmem_shared>> -> memref<10240x16xf32, #tpu.memory_space<vmem_shared>>
    tpu.enqueue_indirect_dma source(%arg11 : memref<2000x16xf32, #tpu.memory_space<vmem>>) target(%dma_start3A_37 : memref<10240x16xf32, #tpu.memory_space<vmem_shared>>) offsets(%arg9 : memref<2000xi32, #tpu.memory_space<vmem>>) semaphore(%arg15 : memref<!tpu.dma_semaphore, #tpu.memory_space<semaphore_mem>>) {add = true}
    %dma_wait3A_38 = arith.constant 0 : i32
    %dma_wait3A_39 = arith.constant 0 : i32
    %dma_wait3A_40 = tpu.memref_slice %arg16[%dma_wait3A_38, %dma_wait3A_39] : memref<10240x16xf32, #tpu.memory_space<vmem_shared>> -> memref<10240x16xf32, #tpu.memory_space<vmem_shared>>
    tpu.wait_indirect_dma semaphore(%arg15 : memref<!tpu.dma_semaphore, #tpu.memory_space<semaphore_mem>>) src(%arg11 : memref<2000x16xf32, #tpu.memory_space<vmem>>) dst(%dma_wait3A_40 : memref<10240x16xf32, #tpu.memory_space<vmem_shared>>)
    %add3A_41 = arith.constant 6000 : i32
    %add3A_42 = arith.addi %mul3A_2, %add3A_41 : i32
    %run_scoped3A_43 = arith.constant 0 : i32
    "tpu.region"() ({
      %run_scoped3A_87 = tpu.sem_alloc : memref<!tpu.dma_semaphore, #tpu.memory_space<semaphore_mem>>
      %dma_start3A_88 = tpu.memref_slice %arg3[%run_scoped3A_43, %add3A_42] : memref<2x320000xi32, #tpu.memory_space<hbm>> -> memref<1x2000xi32, #tpu.memory_space<hbm>>
      %dma_start3A_89 = tpu.memref_squeeze %dma_start3A_88 : memref<1x2000xi32, #tpu.memory_space<hbm>> -> memref<2000xi32, #tpu.memory_space<hbm>>
      %dma_start3A_90 = tpu.memref_slice %arg3[%run_scoped3A_43, %add3A_42] : memref<2x320000xi32, #tpu.memory_space<hbm>> -> memref<1x2000xi32, #tpu.memory_space<hbm>>
      %dma_start3A_91 = tpu.memref_squeeze %dma_start3A_90 : memref<1x2000xi32, #tpu.memory_space<hbm>> -> memref<2000xi32, #tpu.memory_space<hbm>>
      tpu.enqueue_dma source(%dma_start3A_91 : memref<2000xi32, #tpu.memory_space<hbm>>) target(%arg7 : memref<2000xi32, #tpu.memory_space<vmem>>) target_semaphore(%run_scoped3A_87 : memref<!tpu.dma_semaphore, #tpu.memory_space<semaphore_mem>>)
      %dma_wait3A_92 = tpu.memref_slice %arg3[%run_scoped3A_43, %add3A_42] : memref<2x320000xi32, #tpu.memory_space<hbm>> -> memref<1x2000xi32, #tpu.memory_space<hbm>>
      %dma_wait3A_93 = tpu.memref_squeeze %dma_wait3A_92 : memref<1x2000xi32, #tpu.memory_space<hbm>> -> memref<2000xi32, #tpu.memory_space<hbm>>
      %dma_wait3A_94 = tpu.memref_slice %arg3[%run_scoped3A_43, %add3A_42] : memref<2x320000xi32, #tpu.memory_space<hbm>> -> memref<1x2000xi32, #tpu.memory_space<hbm>>
      %dma_wait3A_95 = tpu.memref_squeeze %dma_wait3A_94 : memref<1x2000xi32, #tpu.memory_space<hbm>> -> memref<2000xi32, #tpu.memory_space<hbm>>
      tpu.wait_dma2 semaphore(%run_scoped3A_87 : memref<!tpu.dma_semaphore, #tpu.memory_space<semaphore_mem>>) src(%dma_wait3A_95 : memref<2000xi32, #tpu.memory_space<hbm>>) dst(%arg7 : memref<2000xi32, #tpu.memory_space<vmem>>)
      tpu.yield
    }) : () -> ()
    %run_scoped3A_44 = arith.constant 1 : i32
    "tpu.region"() ({
      %run_scoped3A_87 = tpu.sem_alloc : memref<!tpu.dma_semaphore, #tpu.memory_space<semaphore_mem>>
      %dma_start3A_88 = tpu.memref_slice %arg3[%run_scoped3A_44, %add3A_42] : memref<2x320000xi32, #tpu.memory_space<hbm>> -> memref<1x2000xi32, #tpu.memory_space<hbm>>
      %dma_start3A_89 = tpu.memref_squeeze %dma_start3A_88 : memref<1x2000xi32, #tpu.memory_space<hbm>> -> memref<2000xi32, #tpu.memory_space<hbm>>
      %dma_start3A_90 = tpu.memref_slice %arg3[%run_scoped3A_44, %add3A_42] : memref<2x320000xi32, #tpu.memory_space<hbm>> -> memref<1x2000xi32, #tpu.memory_space<hbm>>
      %dma_start3A_91 = tpu.memref_squeeze %dma_start3A_90 : memref<1x2000xi32, #tpu.memory_space<hbm>> -> memref<2000xi32, #tpu.memory_space<hbm>>
      tpu.enqueue_dma source(%dma_start3A_91 : memref<2000xi32, #tpu.memory_space<hbm>>) target(%arg9 : memref<2000xi32, #tpu.memory_space<vmem>>) target_semaphore(%run_scoped3A_87 : memref<!tpu.dma_semaphore, #tpu.memory_space<semaphore_mem>>)
      %dma_wait3A_92 = tpu.memref_slice %arg3[%run_scoped3A_44, %add3A_42] : memref<2x320000xi32, #tpu.memory_space<hbm>> -> memref<1x2000xi32, #tpu.memory_space<hbm>>
      %dma_wait3A_93 = tpu.memref_squeeze %dma_wait3A_92 : memref<1x2000xi32, #tpu.memory_space<hbm>> -> memref<2000xi32, #tpu.memory_space<hbm>>
      %dma_wait3A_94 = tpu.memref_slice %arg3[%run_scoped3A_44, %add3A_42] : memref<2x320000xi32, #tpu.memory_space<hbm>> -> memref<1x2000xi32, #tpu.memory_space<hbm>>
      %dma_wait3A_95 = tpu.memref_squeeze %dma_wait3A_94 : memref<1x2000xi32, #tpu.memory_space<hbm>> -> memref<2000xi32, #tpu.memory_space<hbm>>
      tpu.wait_dma2 semaphore(%run_scoped3A_87 : memref<!tpu.dma_semaphore, #tpu.memory_space<semaphore_mem>>) src(%dma_wait3A_95 : memref<2000xi32, #tpu.memory_space<hbm>>) dst(%arg9 : memref<2000xi32, #tpu.memory_space<vmem>>)
      tpu.yield
    }) : () -> ()
    %dma_start3A_45 = arith.constant 0 : i32
    %dma_start3A_46 = arith.constant 0 : i32
    %dma_start3A_47 = tpu.memref_slice %arg2[%dma_start3A_45, %dma_start3A_46] : memref<10240x16xf32, #tpu.memory_space<hbm>> -> memref<10240x16xf32, #tpu.memory_space<hbm>>
    tpu.enqueue_indirect_dma source(%dma_start3A_47 : memref<10240x16xf32, #tpu.memory_space<hbm>>) target(%arg11 : memref<2000x16xf32, #tpu.memory_space<vmem>>) offsets(%arg7 : memref<2000xi32, #tpu.memory_space<vmem>>) semaphore(%arg13 : memref<!tpu.dma_semaphore, #tpu.memory_space<semaphore_mem>>)
    %dma_wait3A_48 = arith.constant 0 : i32
    %dma_wait3A_49 = arith.constant 0 : i32
    %dma_wait3A_50 = tpu.memref_slice %arg2[%dma_wait3A_48, %dma_wait3A_49] : memref<10240x16xf32, #tpu.memory_space<hbm>> -> memref<10240x16xf32, #tpu.memory_space<hbm>>
    tpu.wait_indirect_dma semaphore(%arg12 : memref<!tpu.dma_semaphore, #tpu.memory_space<semaphore_mem>>) src(%dma_wait3A_50 : memref<10240x16xf32, #tpu.memory_space<hbm>>) dst(%arg10 : memref<2000x16xf32, #tpu.memory_space<vmem>>)
    %dma_start3A_51 = arith.constant 0 : i32
    %dma_start3A_52 = arith.constant 0 : i32
    %dma_start3A_53 = tpu.memref_slice %arg16[%dma_start3A_51, %dma_start3A_52] : memref<10240x16xf32, #tpu.memory_space<vmem_shared>> -> memref<10240x16xf32, #tpu.memory_space<vmem_shared>>
    tpu.enqueue_indirect_dma source(%arg10 : memref<2000x16xf32, #tpu.memory_space<vmem>>) target(%dma_start3A_53 : memref<10240x16xf32, #tpu.memory_space<vmem_shared>>) offsets(%arg8 : memref<2000xi32, #tpu.memory_space<vmem>>) semaphore(%arg14 : memref<!tpu.dma_semaphore, #tpu.memory_space<semaphore_mem>>) {add = true}
    %dma_wait3A_54 = arith.constant 0 : i32
    %dma_wait3A_55 = arith.constant 0 : i32
    %dma_wait3A_56 = tpu.memref_slice %arg16[%dma_wait3A_54, %dma_wait3A_55] : memref<10240x16xf32, #tpu.memory_space<vmem_shared>> -> memref<10240x16xf32, #tpu.memory_space<vmem_shared>>
    tpu.wait_indirect_dma semaphore(%arg14 : memref<!tpu.dma_semaphore, #tpu.memory_space<semaphore_mem>>) src(%arg10 : memref<2000x16xf32, #tpu.memory_space<vmem>>) dst(%dma_wait3A_56 : memref<10240x16xf32, #tpu.memory_space<vmem_shared>>)
    %add3A_57 = arith.constant 8000 : i32
    %add3A_58 = arith.addi %mul3A_2, %add3A_57 : i32
    %run_scoped3A_59 = arith.constant 0 : i32
    "tpu.region"() ({
      %run_scoped3A_87 = tpu.sem_alloc : memref<!tpu.dma_semaphore, #tpu.memory_space<semaphore_mem>>
      %dma_start3A_88 = tpu.memref_slice %arg3[%run_scoped3A_59, %add3A_58] : memref<2x320000xi32, #tpu.memory_space<hbm>> -> memref<1x2000xi32, #tpu.memory_space<hbm>>
      %dma_start3A_89 = tpu.memref_squeeze %dma_start3A_88 : memref<1x2000xi32, #tpu.memory_space<hbm>> -> memref<2000xi32, #tpu.memory_space<hbm>>
      %dma_start3A_90 = tpu.memref_slice %arg3[%run_scoped3A_59, %add3A_58] : memref<2x320000xi32, #tpu.memory_space<hbm>> -> memref<1x2000xi32, #tpu.memory_space<hbm>>
      %dma_start3A_91 = tpu.memref_squeeze %dma_start3A_90 : memref<1x2000xi32, #tpu.memory_space<hbm>> -> memref<2000xi32, #tpu.memory_space<hbm>>
      tpu.enqueue_dma source(%dma_start3A_91 : memref<2000xi32, #tpu.memory_space<hbm>>) target(%arg6 : memref<2000xi32, #tpu.memory_space<vmem>>) target_semaphore(%run_scoped3A_87 : memref<!tpu.dma_semaphore, #tpu.memory_space<semaphore_mem>>)
      %dma_wait3A_92 = tpu.memref_slice %arg3[%run_scoped3A_59, %add3A_58] : memref<2x320000xi32, #tpu.memory_space<hbm>> -> memref<1x2000xi32, #tpu.memory_space<hbm>>
      %dma_wait3A_93 = tpu.memref_squeeze %dma_wait3A_92 : memref<1x2000xi32, #tpu.memory_space<hbm>> -> memref<2000xi32, #tpu.memory_space<hbm>>
      %dma_wait3A_94 = tpu.memref_slice %arg3[%run_scoped3A_59, %add3A_58] : memref<2x320000xi32, #tpu.memory_space<hbm>> -> memref<1x2000xi32, #tpu.memory_space<hbm>>
      %dma_wait3A_95 = tpu.memref_squeeze %dma_wait3A_94 : memref<1x2000xi32, #tpu.memory_space<hbm>> -> memref<2000xi32, #tpu.memory_space<hbm>>
      tpu.wait_dma2 semaphore(%run_scoped3A_87 : memref<!tpu.dma_semaphore, #tpu.memory_space<semaphore_mem>>) src(%dma_wait3A_95 : memref<2000xi32, #tpu.memory_space<hbm>>) dst(%arg6 : memref<2000xi32, #tpu.memory_space<vmem>>)
      tpu.yield
    }) : () -> ()
    %run_scoped3A_60 = arith.constant 1 : i32
    "tpu.region"() ({
      %run_scoped3A_87 = tpu.sem_alloc : memref<!tpu.dma_semaphore, #tpu.memory_space<semaphore_mem>>
      %dma_start3A_88 = tpu.memref_slice %arg3[%run_scoped3A_60, %add3A_58] : memref<2x320000xi32, #tpu.memory_space<hbm>> -> memref<1x2000xi32, #tpu.memory_space<hbm>>
      %dma_start3A_89 = tpu.memref_squeeze %dma_start3A_88 : memref<1x2000xi32, #tpu.memory_space<hbm>> -> memref<2000xi32, #tpu.memory_space<hbm>>
      %dma_start3A_90 = tpu.memref_slice %arg3[%run_scoped3A_60, %add3A_58] : memref<2x320000xi32, #tpu.memory_space<hbm>> -> memref<1x2000xi32, #tpu.memory_space<hbm>>
      %dma_start3A_91 = tpu.memref_squeeze %dma_start3A_90 : memref<1x2000xi32, #tpu.memory_space<hbm>> -> memref<2000xi32, #tpu.memory_space<hbm>>
      tpu.enqueue_dma source(%dma_start3A_91 : memref<2000xi32, #tpu.memory_space<hbm>>) target(%arg8 : memref<2000xi32, #tpu.memory_space<vmem>>) target_semaphore(%run_scoped3A_87 : memref<!tpu.dma_semaphore, #tpu.memory_space<semaphore_mem>>)
      %dma_wait3A_92 = tpu.memref_slice %arg3[%run_scoped3A_60, %add3A_58] : memref<2x320000xi32, #tpu.memory_space<hbm>> -> memref<1x2000xi32, #tpu.memory_space<hbm>>
      %dma_wait3A_93 = tpu.memref_squeeze %dma_wait3A_92 : memref<1x2000xi32, #tpu.memory_space<hbm>> -> memref<2000xi32, #tpu.memory_space<hbm>>
      %dma_wait3A_94 = tpu.memref_slice %arg3[%run_scoped3A_60, %add3A_58] : memref<2x320000xi32, #tpu.memory_space<hbm>> -> memref<1x2000xi32, #tpu.memory_space<hbm>>
      %dma_wait3A_95 = tpu.memref_squeeze %dma_wait3A_94 : memref<1x2000xi32, #tpu.memory_space<hbm>> -> memref<2000xi32, #tpu.memory_space<hbm>>
      tpu.wait_dma2 semaphore(%run_scoped3A_87 : memref<!tpu.dma_semaphore, #tpu.memory_space<semaphore_mem>>) src(%dma_wait3A_95 : memref<2000xi32, #tpu.memory_space<hbm>>) dst(%arg8 : memref<2000xi32, #tpu.memory_space<vmem>>)
      tpu.yield
    }) : () -> ()
    %dma_start3A_61 = arith.constant 0 : i32
    %dma_start3A_62 = arith.constant 0 : i32
    %dma_start3A_63 = tpu.memref_slice %arg2[%dma_start3A_61, %dma_start3A_62] : memref<10240x16xf32, #tpu.memory_space<hbm>> -> memref<10240x16xf32, #tpu.memory_space<hbm>>
    tpu.enqueue_indirect_dma source(%dma_start3A_63 : memref<10240x16xf32, #tpu.memory_space<hbm>>) target(%arg10 : memref<2000x16xf32, #tpu.memory_space<vmem>>) offsets(%arg6 : memref<2000xi32, #tpu.memory_space<vmem>>) semaphore(%arg12 : memref<!tpu.dma_semaphore, #tpu.memory_space<semaphore_mem>>)
    %dma_wait3A_64 = arith.constant 0 : i32
    %dma_wait3A_65 = arith.constant 0 : i32
    %dma_wait3A_66 = tpu.memref_slice %arg2[%dma_wait3A_64, %dma_wait3A_65] : memref<10240x16xf32, #tpu.memory_space<hbm>> -> memref<10240x16xf32, #tpu.memory_space<hbm>>
    tpu.wait_indirect_dma semaphore(%arg13 : memref<!tpu.dma_semaphore, #tpu.memory_space<semaphore_mem>>) src(%dma_wait3A_66 : memref<10240x16xf32, #tpu.memory_space<hbm>>) dst(%arg11 : memref<2000x16xf32, #tpu.memory_space<vmem>>)
    %dma_start3A_67 = arith.constant 0 : i32
    %dma_start3A_68 = arith.constant 0 : i32
    %dma_start3A_69 = tpu.memref_slice %arg16[%dma_start3A_67, %dma_start3A_68] : memref<10240x16xf32, #tpu.memory_space<vmem_shared>> -> memref<10240x16xf32, #tpu.memory_space<vmem_shared>>
    tpu.enqueue_indirect_dma source(%arg11 : memref<2000x16xf32, #tpu.memory_space<vmem>>) target(%dma_start3A_69 : memref<10240x16xf32, #tpu.memory_space<vmem_shared>>) offsets(%arg9 : memref<2000xi32, #tpu.memory_space<vmem>>) semaphore(%arg15 : memref<!tpu.dma_semaphore, #tpu.memory_space<semaphore_mem>>) {add = true}
    %dma_wait3A_70 = arith.constant 0 : i32
    %dma_wait3A_71 = arith.constant 0 : i32
    %dma_wait3A_72 = tpu.memref_slice %arg2[%dma_wait3A_70, %dma_wait3A_71] : memref<10240x16xf32, #tpu.memory_space<hbm>> -> memref<10240x16xf32, #tpu.memory_space<hbm>>
    tpu.wait_indirect_dma semaphore(%arg12 : memref<!tpu.dma_semaphore, #tpu.memory_space<semaphore_mem>>) src(%dma_wait3A_72 : memref<10240x16xf32, #tpu.memory_space<hbm>>) dst(%arg10 : memref<2000x16xf32, #tpu.memory_space<vmem>>)
    %dma_start3A_73 = arith.constant 0 : i32
    %dma_start3A_74 = arith.constant 0 : i32
    %dma_start3A_75 = tpu.memref_slice %arg16[%dma_start3A_73, %dma_start3A_74] : memref<10240x16xf32, #tpu.memory_space<vmem_shared>> -> memref<10240x16xf32, #tpu.memory_space<vmem_shared>>
    tpu.enqueue_indirect_dma source(%arg10 : memref<2000x16xf32, #tpu.memory_space<vmem>>) target(%dma_start3A_75 : memref<10240x16xf32, #tpu.memory_space<vmem_shared>>) offsets(%arg8 : memref<2000xi32, #tpu.memory_space<vmem>>) semaphore(%arg14 : memref<!tpu.dma_semaphore, #tpu.memory_space<semaphore_mem>>) {add = true}
    %dma_wait3A_76 = arith.constant 0 : i32
    %dma_wait3A_77 = arith.constant 0 : i32
    %dma_wait3A_78 = tpu.memref_slice %arg16[%dma_wait3A_76, %dma_wait3A_77] : memref<10240x16xf32, #tpu.memory_space<vmem_shared>> -> memref<10240x16xf32, #tpu.memory_space<vmem_shared>>
    tpu.wait_indirect_dma semaphore(%arg14 : memref<!tpu.dma_semaphore, #tpu.memory_space<semaphore_mem>>) src(%arg10 : memref<2000x16xf32, #tpu.memory_space<vmem>>) dst(%dma_wait3A_78 : memref<10240x16xf32, #tpu.memory_space<vmem_shared>>)
    %dma_wait3A_79 = arith.constant 0 : i32
    %dma_wait3A_80 = arith.constant 0 : i32
    %dma_wait3A_81 = tpu.memref_slice %arg16[%dma_wait3A_79, %dma_wait3A_80] : memref<10240x16xf32, #tpu.memory_space<vmem_shared>> -> memref<10240x16xf32, #tpu.memory_space<vmem_shared>>
    tpu.wait_indirect_dma semaphore(%arg15 : memref<!tpu.dma_semaphore, #tpu.memory_space<semaphore_mem>>) src(%arg11 : memref<2000x16xf32, #tpu.memory_space<vmem>>) dst(%dma_wait3A_81 : memref<10240x16xf32, #tpu.memory_space<vmem_shared>>)
    %barrier3A_82 = arith.constant 0 : index
    tpu.barrier barrier_id(%barrier3A_82)
    %mul3A_83 = arith.constant 640 : i32
    %mul3A_84 = arith.muli %arg1, %mul3A_83 : i32
    %mul3A_85 = arith.constant 640 : i32
    %mul3A_86 = arith.muli %arg1, %mul3A_85 : i32
    "tpu.region"() ({
      %run_scoped3A_87 = tpu.sem_alloc : memref<!tpu.dma_semaphore, #tpu.memory_space<semaphore_mem>>
      %dma_start3A_88 = arith.constant 0 : i32
      %dma_start3A_89 = tpu.memref_slice %arg5[%arg0, %mul3A_86, %dma_start3A_88] : memref<2x10240x16xf32, #tpu.memory_space<hbm>> -> memref<1x640x16xf32, #tpu.memory_space<hbm>>
      %dma_start3A_90 = tpu.memref_squeeze %dma_start3A_89 : memref<1x640x16xf32, #tpu.memory_space<hbm>> -> memref<640x16xf32, #tpu.memory_space<hbm>>
      %dma_start3A_91 = arith.constant 0 : i32
      %dma_start3A_92 = tpu.memref_slice %arg16[%mul3A_84, %dma_start3A_91] : memref<10240x16xf32, #tpu.memory_space<vmem_shared>> -> memref<640x16xf32, #tpu.memory_space<vmem_shared>>
      tpu.enqueue_dma source(%dma_start3A_92 : memref<640x16xf32, #tpu.memory_space<vmem_shared>>) target(%dma_start3A_90 : memref<640x16xf32, #tpu.memory_space<hbm>>) target_semaphore(%run_scoped3A_87 : memref<!tpu.dma_semaphore, #tpu.memory_space<semaphore_mem>>)
      %dma_wait3A_93 = arith.constant 0 : i32
      %dma_wait3A_94 = tpu.memref_slice %arg5[%arg0, %mul3A_86, %dma_wait3A_93] : memref<2x10240x16xf32, #tpu.memory_space<hbm>> -> memref<1x640x16xf32, #tpu.memory_space<hbm>>
      %dma_wait3A_95 = tpu.memref_squeeze %dma_wait3A_94 : memref<1x640x16xf32, #tpu.memory_space<hbm>> -> memref<640x16xf32, #tpu.memory_space<hbm>>
      %dma_wait3A_96 = arith.constant 0 : i32
      %dma_wait3A_97 = tpu.memref_slice %arg16[%mul3A_84, %dma_wait3A_96] : memref<10240x16xf32, #tpu.memory_space<vmem_shared>> -> memref<640x16xf32, #tpu.memory_space<vmem_shared>>
      tpu.wait_dma2 semaphore(%run_scoped3A_87 : memref<!tpu.dma_semaphore, #tpu.memory_space<semaphore_mem>>) src(%dma_wait3A_97 : memref<640x16xf32, #tpu.memory_space<vmem_shared>>) dst(%dma_wait3A_95 : memref<640x16xf32, #tpu.memory_space<hbm>>)
      tpu.yield
    }) : () -> ()
    return
  }
}

#map = affine_map<(d0, d1) -> (0, 0)>
#map1 = affine_map<(d0, d1) -> (0, 0, 0)>
module attributes {stable_mosaic.version = 14 : i64} {
  func.func @_agg_body(%arg0: i32, %arg1: i32, %arg2: memref<10240x16xf32, #tpu.memory_space<hbm>>, %arg3: memref<2x320000xi32, #tpu.memory_space<hbm>>, %arg4: memref<10240x16xf32, #tpu.memory_space<hbm>>, %arg5: memref<2x10240x16xf32, #tpu.memory_space<hbm>>, %arg6: memref<2000xi32, #tpu.memory_space<vmem>>, %arg7: memref<2000xi32, #tpu.memory_space<vmem>>, %arg8: memref<2000xi32, #tpu.memory_space<vmem>>, %arg9: memref<2000xi32, #tpu.memory_space<vmem>>, %arg10: memref<2000x16xf32, #tpu.memory_space<vmem>>, %arg11: memref<2000x16xf32, #tpu.memory_space<vmem>>, %arg12: memref<!tpu.dma_semaphore, #tpu.memory_space<semaphore_mem>>, %arg13: memref<!tpu.dma_semaphore, #tpu.memory_space<semaphore_mem>>, %arg14: memref<!tpu.dma_semaphore, #tpu.memory_space<semaphore_mem>>, %arg15: memref<!tpu.dma_semaphore, #tpu.memory_space<semaphore_mem>>, %arg16: memref<10240x16xf32, #tpu.memory_space<vmem_shared>>) attributes {dimension_semantics = [#tpu.dimension_semantics<core_parallel>, #tpu.dimension_semantics<subcore_parallel>], iteration_bounds = array<i64: 2, 16>, scalar_prefetch = 0 : i64, scratch_operands = 11 : i64, tpu.core_type = #tpu.core_type<sc_vector_subcore>, window_params = [{transform_indices = #map}, {transform_indices = #map}, {transform_indices = #map}, {transform_indices = #map1}]} {
    %mul3A = arith.constant 2 : i32
    %mul3A_0 = arith.muli %arg1, %mul3A : i32
    %add3A = arith.addi %mul3A_0, %arg0 : i32
    %mul3A_1 = arith.constant 10000 : i32
    %mul3A_2 = arith.muli %add3A, %mul3A_1 : i32
    %mul3A_3 = arith.constant 640 : i32
    %mul3A_4 = arith.muli %arg1, %mul3A_3 : i32
    %mul3A_5 = arith.constant 640 : i32
    %mul3A_6 = arith.muli %arg1, %mul3A_5 : i32
    "tpu.region"() ({
      %run_scoped3A_87 = tpu.sem_alloc : memref<!tpu.dma_semaphore, #tpu.memory_space<semaphore_mem>>
      %dma_start3A_88 = arith.constant 0 : i32
      %dma_start3A_89 = tpu.memref_slice %arg16[%mul3A_6, %dma_start3A_88] : memref<10240x16xf32, #tpu.memory_space<vmem_shared>> -> memref<640x16xf32, #tpu.memory_space<vmem_shared>>
      %dma_start3A_90 = arith.constant 0 : i32
      %dma_start3A_91 = tpu.memref_slice %arg4[%mul3A_4, %dma_start3A_90] : memref<10240x16xf32, #tpu.memory_space<hbm>> -> memref<640x16xf32, #tpu.memory_space<hbm>>
      tpu.enqueue_dma source(%dma_start3A_91 : memref<640x16xf32, #tpu.memory_space<hbm>>) target(%dma_start3A_89 : memref<640x16xf32, #tpu.memory_space<vmem_shared>>) target_semaphore(%run_scoped3A_87 : memref<!tpu.dma_semaphore, #tpu.memory_space<semaphore_mem>>)
      %dma_wait3A_92 = arith.constant 0 : i32
      %dma_wait3A_93 = tpu.memref_slice %arg16[%mul3A_6, %dma_wait3A_92] : memref<10240x16xf32, #tpu.memory_space<vmem_shared>> -> memref<640x16xf32, #tpu.memory_space<vmem_shared>>
      %dma_wait3A_94 = arith.constant 0 : i32
      %dma_wait3A_95 = tpu.memref_slice %arg4[%mul3A_4, %dma_wait3A_94] : memref<10240x16xf32, #tpu.memory_space<hbm>> -> memref<640x16xf32, #tpu.memory_space<hbm>>
      tpu.wait_dma2 semaphore(%run_scoped3A_87 : memref<!tpu.dma_semaphore, #tpu.memory_space<semaphore_mem>>) src(%dma_wait3A_95 : memref<640x16xf32, #tpu.memory_space<hbm>>) dst(%dma_wait3A_93 : memref<640x16xf32, #tpu.memory_space<vmem_shared>>)
      tpu.yield
    }) : () -> ()
    %barrier3A = arith.constant 0 : index
    tpu.barrier barrier_id(%barrier3A)
    %run_scoped3A = arith.constant 0 : i32
    "tpu.region"() ({
      %run_scoped3A_87 = tpu.sem_alloc : memref<!tpu.dma_semaphore, #tpu.memory_space<semaphore_mem>>
      %dma_start3A_88 = tpu.memref_slice %arg3[%run_scoped3A, %mul3A_2] : memref<2x320000xi32, #tpu.memory_space<hbm>> -> memref<1x2000xi32, #tpu.memory_space<hbm>>
      %dma_start3A_89 = tpu.memref_squeeze %dma_start3A_88 : memref<1x2000xi32, #tpu.memory_space<hbm>> -> memref<2000xi32, #tpu.memory_space<hbm>>
      %dma_start3A_90 = tpu.memref_slice %arg3[%run_scoped3A, %mul3A_2] : memref<2x320000xi32, #tpu.memory_space<hbm>> -> memref<1x2000xi32, #tpu.memory_space<hbm>>
      %dma_start3A_91 = tpu.memref_squeeze %dma_start3A_90 : memref<1x2000xi32, #tpu.memory_space<hbm>> -> memref<2000xi32, #tpu.memory_space<hbm>>
      tpu.enqueue_dma source(%dma_start3A_91 : memref<2000xi32, #tpu.memory_space<hbm>>) target(%arg6 : memref<2000xi32, #tpu.memory_space<vmem>>) target_semaphore(%run_scoped3A_87 : memref<!tpu.dma_semaphore, #tpu.memory_space<semaphore_mem>>)
      %dma_wait3A_92 = tpu.memref_slice %arg3[%run_scoped3A, %mul3A_2] : memref<2x320000xi32, #tpu.memory_space<hbm>> -> memref<1x2000xi32, #tpu.memory_space<hbm>>
      %dma_wait3A_93 = tpu.memref_squeeze %dma_wait3A_92 : memref<1x2000xi32, #tpu.memory_space<hbm>> -> memref<2000xi32, #tpu.memory_space<hbm>>
      %dma_wait3A_94 = tpu.memref_slice %arg3[%run_scoped3A, %mul3A_2] : memref<2x320000xi32, #tpu.memory_space<hbm>> -> memref<1x2000xi32, #tpu.memory_space<hbm>>
      %dma_wait3A_95 = tpu.memref_squeeze %dma_wait3A_94 : memref<1x2000xi32, #tpu.memory_space<hbm>> -> memref<2000xi32, #tpu.memory_space<hbm>>
      tpu.wait_dma2 semaphore(%run_scoped3A_87 : memref<!tpu.dma_semaphore, #tpu.memory_space<semaphore_mem>>) src(%dma_wait3A_95 : memref<2000xi32, #tpu.memory_space<hbm>>) dst(%arg6 : memref<2000xi32, #tpu.memory_space<vmem>>)
      tpu.yield
    }) : () -> ()
    %run_scoped3A_7 = arith.constant 1 : i32
    "tpu.region"() ({
      %run_scoped3A_87 = tpu.sem_alloc : memref<!tpu.dma_semaphore, #tpu.memory_space<semaphore_mem>>
      %dma_start3A_88 = tpu.memref_slice %arg3[%run_scoped3A_7, %mul3A_2] : memref<2x320000xi32, #tpu.memory_space<hbm>> -> memref<1x2000xi32, #tpu.memory_space<hbm>>
      %dma_start3A_89 = tpu.memref_squeeze %dma_start3A_88 : memref<1x2000xi32, #tpu.memory_space<hbm>> -> memref<2000xi32, #tpu.memory_space<hbm>>
      %dma_start3A_90 = tpu.memref_slice %arg3[%run_scoped3A_7, %mul3A_2] : memref<2x320000xi32, #tpu.memory_space<hbm>> -> memref<1x2000xi32, #tpu.memory_space<hbm>>
      %dma_start3A_91 = tpu.memref_squeeze %dma_start3A_90 : memref<1x2000xi32, #tpu.memory_space<hbm>> -> memref<2000xi32, #tpu.memory_space<hbm>>
      tpu.enqueue_dma source(%dma_start3A_91 : memref<2000xi32, #tpu.memory_space<hbm>>) target(%arg8 : memref<2000xi32, #tpu.memory_space<vmem>>) target_semaphore(%run_scoped3A_87 : memref<!tpu.dma_semaphore, #tpu.memory_space<semaphore_mem>>)
      %dma_wait3A_92 = tpu.memref_slice %arg3[%run_scoped3A_7, %mul3A_2] : memref<2x320000xi32, #tpu.memory_space<hbm>> -> memref<1x2000xi32, #tpu.memory_space<hbm>>
      %dma_wait3A_93 = tpu.memref_squeeze %dma_wait3A_92 : memref<1x2000xi32, #tpu.memory_space<hbm>> -> memref<2000xi32, #tpu.memory_space<hbm>>
      %dma_wait3A_94 = tpu.memref_slice %arg3[%run_scoped3A_7, %mul3A_2] : memref<2x320000xi32, #tpu.memory_space<hbm>> -> memref<1x2000xi32, #tpu.memory_space<hbm>>
      %dma_wait3A_95 = tpu.memref_squeeze %dma_wait3A_94 : memref<1x2000xi32, #tpu.memory_space<hbm>> -> memref<2000xi32, #tpu.memory_space<hbm>>
      tpu.wait_dma2 semaphore(%run_scoped3A_87 : memref<!tpu.dma_semaphore, #tpu.memory_space<semaphore_mem>>) src(%dma_wait3A_95 : memref<2000xi32, #tpu.memory_space<hbm>>) dst(%arg8 : memref<2000xi32, #tpu.memory_space<vmem>>)
      tpu.yield
    }) : () -> ()
    %dma_start3A = arith.constant 0 : i32
    %dma_start3A_8 = arith.constant 0 : i32
    %dma_start3A_9 = tpu.memref_slice %arg2[%dma_start3A, %dma_start3A_8] : memref<10240x16xf32, #tpu.memory_space<hbm>> -> memref<10240x16xf32, #tpu.memory_space<hbm>>
    tpu.enqueue_indirect_dma source(%dma_start3A_9 : memref<10240x16xf32, #tpu.memory_space<hbm>>) target(%arg10 : memref<2000x16xf32, #tpu.memory_space<vmem>>) offsets(%arg6 : memref<2000xi32, #tpu.memory_space<vmem>>) semaphore(%arg12 : memref<!tpu.dma_semaphore, #tpu.memory_space<semaphore_mem>>)
    %add3A_10 = arith.constant 2000 : i32
    %add3A_11 = arith.addi %mul3A_2, %add3A_10 : i32
    %run_scoped3A_12 = arith.constant 0 : i32
    "tpu.region"() ({
      %run_scoped3A_87 = tpu.sem_alloc : memref<!tpu.dma_semaphore, #tpu.memory_space<semaphore_mem>>
      %dma_start3A_88 = tpu.memref_slice %arg3[%run_scoped3A_12, %add3A_11] : memref<2x320000xi32, #tpu.memory_space<hbm>> -> memref<1x2000xi32, #tpu.memory_space<hbm>>
      %dma_start3A_89 = tpu.memref_squeeze %dma_start3A_88 : memref<1x2000xi32, #tpu.memory_space<hbm>> -> memref<2000xi32, #tpu.memory_space<hbm>>
      %dma_start3A_90 = tpu.memref_slice %arg3[%run_scoped3A_12, %add3A_11] : memref<2x320000xi32, #tpu.memory_space<hbm>> -> memref<1x2000xi32, #tpu.memory_space<hbm>>
      %dma_start3A_91 = tpu.memref_squeeze %dma_start3A_90 : memref<1x2000xi32, #tpu.memory_space<hbm>> -> memref<2000xi32, #tpu.memory_space<hbm>>
      tpu.enqueue_dma source(%dma_start3A_91 : memref<2000xi32, #tpu.memory_space<hbm>>) target(%arg7 : memref<2000xi32, #tpu.memory_space<vmem>>) target_semaphore(%run_scoped3A_87 : memref<!tpu.dma_semaphore, #tpu.memory_space<semaphore_mem>>)
      %dma_wait3A_92 = tpu.memref_slice %arg3[%run_scoped3A_12, %add3A_11] : memref<2x320000xi32, #tpu.memory_space<hbm>> -> memref<1x2000xi32, #tpu.memory_space<hbm>>
      %dma_wait3A_93 = tpu.memref_squeeze %dma_wait3A_92 : memref<1x2000xi32, #tpu.memory_space<hbm>> -> memref<2000xi32, #tpu.memory_space<hbm>>
      %dma_wait3A_94 = tpu.memref_slice %arg3[%run_scoped3A_12, %add3A_11] : memref<2x320000xi32, #tpu.memory_space<hbm>> -> memref<1x2000xi32, #tpu.memory_space<hbm>>
      %dma_wait3A_95 = tpu.memref_squeeze %dma_wait3A_94 : memref<1x2000xi32, #tpu.memory_space<hbm>> -> memref<2000xi32, #tpu.memory_space<hbm>>
      tpu.wait_dma2 semaphore(%run_scoped3A_87 : memref<!tpu.dma_semaphore, #tpu.memory_space<semaphore_mem>>) src(%dma_wait3A_95 : memref<2000xi32, #tpu.memory_space<hbm>>) dst(%arg7 : memref<2000xi32, #tpu.memory_space<vmem>>)
      tpu.yield
    }) : () -> ()
    %run_scoped3A_13 = arith.constant 1 : i32
    "tpu.region"() ({
      %run_scoped3A_87 = tpu.sem_alloc : memref<!tpu.dma_semaphore, #tpu.memory_space<semaphore_mem>>
      %dma_start3A_88 = tpu.memref_slice %arg3[%run_scoped3A_13, %add3A_11] : memref<2x320000xi32, #tpu.memory_space<hbm>> -> memref<1x2000xi32, #tpu.memory_space<hbm>>
      %dma_start3A_89 = tpu.memref_squeeze %dma_start3A_88 : memref<1x2000xi32, #tpu.memory_space<hbm>> -> memref<2000xi32, #tpu.memory_space<hbm>>
      %dma_start3A_90 = tpu.memref_slice %arg3[%run_scoped3A_13, %add3A_11] : memref<2x320000xi32, #tpu.memory_space<hbm>> -> memref<1x2000xi32, #tpu.memory_space<hbm>>
      %dma_start3A_91 = tpu.memref_squeeze %dma_start3A_90 : memref<1x2000xi32, #tpu.memory_space<hbm>> -> memref<2000xi32, #tpu.memory_space<hbm>>
      tpu.enqueue_dma source(%dma_start3A_91 : memref<2000xi32, #tpu.memory_space<hbm>>) target(%arg9 : memref<2000xi32, #tpu.memory_space<vmem>>) target_semaphore(%run_scoped3A_87 : memref<!tpu.dma_semaphore, #tpu.memory_space<semaphore_mem>>)
      %dma_wait3A_92 = tpu.memref_slice %arg3[%run_scoped3A_13, %add3A_11] : memref<2x320000xi32, #tpu.memory_space<hbm>> -> memref<1x2000xi32, #tpu.memory_space<hbm>>
      %dma_wait3A_93 = tpu.memref_squeeze %dma_wait3A_92 : memref<1x2000xi32, #tpu.memory_space<hbm>> -> memref<2000xi32, #tpu.memory_space<hbm>>
      %dma_wait3A_94 = tpu.memref_slice %arg3[%run_scoped3A_13, %add3A_11] : memref<2x320000xi32, #tpu.memory_space<hbm>> -> memref<1x2000xi32, #tpu.memory_space<hbm>>
      %dma_wait3A_95 = tpu.memref_squeeze %dma_wait3A_94 : memref<1x2000xi32, #tpu.memory_space<hbm>> -> memref<2000xi32, #tpu.memory_space<hbm>>
      tpu.wait_dma2 semaphore(%run_scoped3A_87 : memref<!tpu.dma_semaphore, #tpu.memory_space<semaphore_mem>>) src(%dma_wait3A_95 : memref<2000xi32, #tpu.memory_space<hbm>>) dst(%arg9 : memref<2000xi32, #tpu.memory_space<vmem>>)
      tpu.yield
    }) : () -> ()
    %dma_start3A_14 = arith.constant 0 : i32
    %dma_start3A_15 = arith.constant 0 : i32
    %dma_start3A_16 = tpu.memref_slice %arg2[%dma_start3A_14, %dma_start3A_15] : memref<10240x16xf32, #tpu.memory_space<hbm>> -> memref<10240x16xf32, #tpu.memory_space<hbm>>
    tpu.enqueue_indirect_dma source(%dma_start3A_16 : memref<10240x16xf32, #tpu.memory_space<hbm>>) target(%arg11 : memref<2000x16xf32, #tpu.memory_space<vmem>>) offsets(%arg7 : memref<2000xi32, #tpu.memory_space<vmem>>) semaphore(%arg13 : memref<!tpu.dma_semaphore, #tpu.memory_space<semaphore_mem>>)
    %dma_wait3A = arith.constant 0 : i32
    %dma_wait3A_17 = arith.constant 0 : i32
    %dma_wait3A_18 = tpu.memref_slice %arg2[%dma_wait3A, %dma_wait3A_17] : memref<10240x16xf32, #tpu.memory_space<hbm>> -> memref<10240x16xf32, #tpu.memory_space<hbm>>
    tpu.wait_indirect_dma semaphore(%arg12 : memref<!tpu.dma_semaphore, #tpu.memory_space<semaphore_mem>>) src(%dma_wait3A_18 : memref<10240x16xf32, #tpu.memory_space<hbm>>) dst(%arg10 : memref<2000x16xf32, #tpu.memory_space<vmem>>)
    %dma_start3A_19 = arith.constant 0 : i32
    %dma_start3A_20 = arith.constant 0 : i32
    %dma_start3A_21 = tpu.memref_slice %arg16[%dma_start3A_19, %dma_start3A_20] : memref<10240x16xf32, #tpu.memory_space<vmem_shared>> -> memref<10240x16xf32, #tpu.memory_space<vmem_shared>>
    tpu.enqueue_indirect_dma source(%arg10 : memref<2000x16xf32, #tpu.memory_space<vmem>>) target(%dma_start3A_21 : memref<10240x16xf32, #tpu.memory_space<vmem_shared>>) offsets(%arg8 : memref<2000xi32, #tpu.memory_space<vmem>>) semaphore(%arg14 : memref<!tpu.dma_semaphore, #tpu.memory_space<semaphore_mem>>) {add = true}
    %dma_wait3A_22 = arith.constant 0 : i32
    %dma_wait3A_23 = arith.constant 0 : i32
    %dma_wait3A_24 = tpu.memref_slice %arg16[%dma_wait3A_22, %dma_wait3A_23] : memref<10240x16xf32, #tpu.memory_space<vmem_shared>> -> memref<10240x16xf32, #tpu.memory_space<vmem_shared>>
    tpu.wait_indirect_dma semaphore(%arg14 : memref<!tpu.dma_semaphore, #tpu.memory_space<semaphore_mem>>) src(%arg10 : memref<2000x16xf32, #tpu.memory_space<vmem>>) dst(%dma_wait3A_24 : memref<10240x16xf32, #tpu.memory_space<vmem_shared>>)
    %add3A_25 = arith.constant 4000 : i32
    %add3A_26 = arith.addi %mul3A_2, %add3A_25 : i32
    %run_scoped3A_27 = arith.constant 0 : i32
    "tpu.region"() ({
      %run_scoped3A_87 = tpu.sem_alloc : memref<!tpu.dma_semaphore, #tpu.memory_space<semaphore_mem>>
      %dma_start3A_88 = tpu.memref_slice %arg3[%run_scoped3A_27, %add3A_26] : memref<2x320000xi32, #tpu.memory_space<hbm>> -> memref<1x2000xi32, #tpu.memory_space<hbm>>
      %dma_start3A_89 = tpu.memref_squeeze %dma_start3A_88 : memref<1x2000xi32, #tpu.memory_space<hbm>> -> memref<2000xi32, #tpu.memory_space<hbm>>
      %dma_start3A_90 = tpu.memref_slice %arg3[%run_scoped3A_27, %add3A_26] : memref<2x320000xi32, #tpu.memory_space<hbm>> -> memref<1x2000xi32, #tpu.memory_space<hbm>>
      %dma_start3A_91 = tpu.memref_squeeze %dma_start3A_90 : memref<1x2000xi32, #tpu.memory_space<hbm>> -> memref<2000xi32, #tpu.memory_space<hbm>>
      tpu.enqueue_dma source(%dma_start3A_91 : memref<2000xi32, #tpu.memory_space<hbm>>) target(%arg6 : memref<2000xi32, #tpu.memory_space<vmem>>) target_semaphore(%run_scoped3A_87 : memref<!tpu.dma_semaphore, #tpu.memory_space<semaphore_mem>>)
      %dma_wait3A_92 = tpu.memref_slice %arg3[%run_scoped3A_27, %add3A_26] : memref<2x320000xi32, #tpu.memory_space<hbm>> -> memref<1x2000xi32, #tpu.memory_space<hbm>>
      %dma_wait3A_93 = tpu.memref_squeeze %dma_wait3A_92 : memref<1x2000xi32, #tpu.memory_space<hbm>> -> memref<2000xi32, #tpu.memory_space<hbm>>
      %dma_wait3A_94 = tpu.memref_slice %arg3[%run_scoped3A_27, %add3A_26] : memref<2x320000xi32, #tpu.memory_space<hbm>> -> memref<1x2000xi32, #tpu.memory_space<hbm>>
      %dma_wait3A_95 = tpu.memref_squeeze %dma_wait3A_94 : memref<1x2000xi32, #tpu.memory_space<hbm>> -> memref<2000xi32, #tpu.memory_space<hbm>>
      tpu.wait_dma2 semaphore(%run_scoped3A_87 : memref<!tpu.dma_semaphore, #tpu.memory_space<semaphore_mem>>) src(%dma_wait3A_95 : memref<2000xi32, #tpu.memory_space<hbm>>) dst(%arg6 : memref<2000xi32, #tpu.memory_space<vmem>>)
      tpu.yield
    }) : () -> ()
    %run_scoped3A_28 = arith.constant 1 : i32
    "tpu.region"() ({
      %run_scoped3A_87 = tpu.sem_alloc : memref<!tpu.dma_semaphore, #tpu.memory_space<semaphore_mem>>
      %dma_start3A_88 = tpu.memref_slice %arg3[%run_scoped3A_28, %add3A_26] : memref<2x320000xi32, #tpu.memory_space<hbm>> -> memref<1x2000xi32, #tpu.memory_space<hbm>>
      %dma_start3A_89 = tpu.memref_squeeze %dma_start3A_88 : memref<1x2000xi32, #tpu.memory_space<hbm>> -> memref<2000xi32, #tpu.memory_space<hbm>>
      %dma_start3A_90 = tpu.memref_slice %arg3[%run_scoped3A_28, %add3A_26] : memref<2x320000xi32, #tpu.memory_space<hbm>> -> memref<1x2000xi32, #tpu.memory_space<hbm>>
      %dma_start3A_91 = tpu.memref_squeeze %dma_start3A_90 : memref<1x2000xi32, #tpu.memory_space<hbm>> -> memref<2000xi32, #tpu.memory_space<hbm>>
      tpu.enqueue_dma source(%dma_start3A_91 : memref<2000xi32, #tpu.memory_space<hbm>>) target(%arg8 : memref<2000xi32, #tpu.memory_space<vmem>>) target_semaphore(%run_scoped3A_87 : memref<!tpu.dma_semaphore, #tpu.memory_space<semaphore_mem>>)
      %dma_wait3A_92 = tpu.memref_slice %arg3[%run_scoped3A_28, %add3A_26] : memref<2x320000xi32, #tpu.memory_space<hbm>> -> memref<1x2000xi32, #tpu.memory_space<hbm>>
      %dma_wait3A_93 = tpu.memref_squeeze %dma_wait3A_92 : memref<1x2000xi32, #tpu.memory_space<hbm>> -> memref<2000xi32, #tpu.memory_space<hbm>>
      %dma_wait3A_94 = tpu.memref_slice %arg3[%run_scoped3A_28, %add3A_26] : memref<2x320000xi32, #tpu.memory_space<hbm>> -> memref<1x2000xi32, #tpu.memory_space<hbm>>
      %dma_wait3A_95 = tpu.memref_squeeze %dma_wait3A_94 : memref<1x2000xi32, #tpu.memory_space<hbm>> -> memref<2000xi32, #tpu.memory_space<hbm>>
      tpu.wait_dma2 semaphore(%run_scoped3A_87 : memref<!tpu.dma_semaphore, #tpu.memory_space<semaphore_mem>>) src(%dma_wait3A_95 : memref<2000xi32, #tpu.memory_space<hbm>>) dst(%arg8 : memref<2000xi32, #tpu.memory_space<vmem>>)
      tpu.yield
    }) : () -> ()
    %dma_start3A_29 = arith.constant 0 : i32
    %dma_start3A_30 = arith.constant 0 : i32
    %dma_start3A_31 = tpu.memref_slice %arg2[%dma_start3A_29, %dma_start3A_30] : memref<10240x16xf32, #tpu.memory_space<hbm>> -> memref<10240x16xf32, #tpu.memory_space<hbm>>
    tpu.enqueue_indirect_dma source(%dma_start3A_31 : memref<10240x16xf32, #tpu.memory_space<hbm>>) target(%arg10 : memref<2000x16xf32, #tpu.memory_space<vmem>>) offsets(%arg6 : memref<2000xi32, #tpu.memory_space<vmem>>) semaphore(%arg12 : memref<!tpu.dma_semaphore, #tpu.memory_space<semaphore_mem>>)
    %dma_wait3A_32 = arith.constant 0 : i32
    %dma_wait3A_33 = arith.constant 0 : i32
    %dma_wait3A_34 = tpu.memref_slice %arg2[%dma_wait3A_32, %dma_wait3A_33] : memref<10240x16xf32, #tpu.memory_space<hbm>> -> memref<10240x16xf32, #tpu.memory_space<hbm>>
    tpu.wait_indirect_dma semaphore(%arg13 : memref<!tpu.dma_semaphore, #tpu.memory_space<semaphore_mem>>) src(%dma_wait3A_34 : memref<10240x16xf32, #tpu.memory_space<hbm>>) dst(%arg11 : memref<2000x16xf32, #tpu.memory_space<vmem>>)
    %dma_start3A_35 = arith.constant 0 : i32
    %dma_start3A_36 = arith.constant 0 : i32
    %dma_start3A_37 = tpu.memref_slice %arg16[%dma_start3A_35, %dma_start3A_36] : memref<10240x16xf32, #tpu.memory_space<vmem_shared>> -> memref<10240x16xf32, #tpu.memory_space<vmem_shared>>
    tpu.enqueue_indirect_dma source(%arg11 : memref<2000x16xf32, #tpu.memory_space<vmem>>) target(%dma_start3A_37 : memref<10240x16xf32, #tpu.memory_space<vmem_shared>>) offsets(%arg9 : memref<2000xi32, #tpu.memory_space<vmem>>) semaphore(%arg15 : memref<!tpu.dma_semaphore, #tpu.memory_space<semaphore_mem>>) {add = true}
    %dma_wait3A_38 = arith.constant 0 : i32
    %dma_wait3A_39 = arith.constant 0 : i32
    %dma_wait3A_40 = tpu.memref_slice %arg16[%dma_wait3A_38, %dma_wait3A_39] : memref<10240x16xf32, #tpu.memory_space<vmem_shared>> -> memref<10240x16xf32, #tpu.memory_space<vmem_shared>>
    tpu.wait_indirect_dma semaphore(%arg15 : memref<!tpu.dma_semaphore, #tpu.memory_space<semaphore_mem>>) src(%arg11 : memref<2000x16xf32, #tpu.memory_space<vmem>>) dst(%dma_wait3A_40 : memref<10240x16xf32, #tpu.memory_space<vmem_shared>>)
    %add3A_41 = arith.constant 6000 : i32
    %add3A_42 = arith.addi %mul3A_2, %add3A_41 : i32
    %run_scoped3A_43 = arith.constant 0 : i32
    "tpu.region"() ({
      %run_scoped3A_87 = tpu.sem_alloc : memref<!tpu.dma_semaphore, #tpu.memory_space<semaphore_mem>>
      %dma_start3A_88 = tpu.memref_slice %arg3[%run_scoped3A_43, %add3A_42] : memref<2x320000xi32, #tpu.memory_space<hbm>> -> memref<1x2000xi32, #tpu.memory_space<hbm>>
      %dma_start3A_89 = tpu.memref_squeeze %dma_start3A_88 : memref<1x2000xi32, #tpu.memory_space<hbm>> -> memref<2000xi32, #tpu.memory_space<hbm>>
      %dma_start3A_90 = tpu.memref_slice %arg3[%run_scoped3A_43, %add3A_42] : memref<2x320000xi32, #tpu.memory_space<hbm>> -> memref<1x2000xi32, #tpu.memory_space<hbm>>
      %dma_start3A_91 = tpu.memref_squeeze %dma_start3A_90 : memref<1x2000xi32, #tpu.memory_space<hbm>> -> memref<2000xi32, #tpu.memory_space<hbm>>
      tpu.enqueue_dma source(%dma_start3A_91 : memref<2000xi32, #tpu.memory_space<hbm>>) target(%arg7 : memref<2000xi32, #tpu.memory_space<vmem>>) target_semaphore(%run_scoped3A_87 : memref<!tpu.dma_semaphore, #tpu.memory_space<semaphore_mem>>)
      %dma_wait3A_92 = tpu.memref_slice %arg3[%run_scoped3A_43, %add3A_42] : memref<2x320000xi32, #tpu.memory_space<hbm>> -> memref<1x2000xi32, #tpu.memory_space<hbm>>
      %dma_wait3A_93 = tpu.memref_squeeze %dma_wait3A_92 : memref<1x2000xi32, #tpu.memory_space<hbm>> -> memref<2000xi32, #tpu.memory_space<hbm>>
      %dma_wait3A_94 = tpu.memref_slice %arg3[%run_scoped3A_43, %add3A_42] : memref<2x320000xi32, #tpu.memory_space<hbm>> -> memref<1x2000xi32, #tpu.memory_space<hbm>>
      %dma_wait3A_95 = tpu.memref_squeeze %dma_wait3A_94 : memref<1x2000xi32, #tpu.memory_space<hbm>> -> memref<2000xi32, #tpu.memory_space<hbm>>
      tpu.wait_dma2 semaphore(%run_scoped3A_87 : memref<!tpu.dma_semaphore, #tpu.memory_space<semaphore_mem>>) src(%dma_wait3A_95 : memref<2000xi32, #tpu.memory_space<hbm>>) dst(%arg7 : memref<2000xi32, #tpu.memory_space<vmem>>)
      tpu.yield
    }) : () -> ()
    %run_scoped3A_44 = arith.constant 1 : i32
    "tpu.region"() ({
      %run_scoped3A_87 = tpu.sem_alloc : memref<!tpu.dma_semaphore, #tpu.memory_space<semaphore_mem>>
      %dma_start3A_88 = tpu.memref_slice %arg3[%run_scoped3A_44, %add3A_42] : memref<2x320000xi32, #tpu.memory_space<hbm>> -> memref<1x2000xi32, #tpu.memory_space<hbm>>
      %dma_start3A_89 = tpu.memref_squeeze %dma_start3A_88 : memref<1x2000xi32, #tpu.memory_space<hbm>> -> memref<2000xi32, #tpu.memory_space<hbm>>
      %dma_start3A_90 = tpu.memref_slice %arg3[%run_scoped3A_44, %add3A_42] : memref<2x320000xi32, #tpu.memory_space<hbm>> -> memref<1x2000xi32, #tpu.memory_space<hbm>>
      %dma_start3A_91 = tpu.memref_squeeze %dma_start3A_90 : memref<1x2000xi32, #tpu.memory_space<hbm>> -> memref<2000xi32, #tpu.memory_space<hbm>>
      tpu.enqueue_dma source(%dma_start3A_91 : memref<2000xi32, #tpu.memory_space<hbm>>) target(%arg9 : memref<2000xi32, #tpu.memory_space<vmem>>) target_semaphore(%run_scoped3A_87 : memref<!tpu.dma_semaphore, #tpu.memory_space<semaphore_mem>>)
      %dma_wait3A_92 = tpu.memref_slice %arg3[%run_scoped3A_44, %add3A_42] : memref<2x320000xi32, #tpu.memory_space<hbm>> -> memref<1x2000xi32, #tpu.memory_space<hbm>>
      %dma_wait3A_93 = tpu.memref_squeeze %dma_wait3A_92 : memref<1x2000xi32, #tpu.memory_space<hbm>> -> memref<2000xi32, #tpu.memory_space<hbm>>
      %dma_wait3A_94 = tpu.memref_slice %arg3[%run_scoped3A_44, %add3A_42] : memref<2x320000xi32, #tpu.memory_space<hbm>> -> memref<1x2000xi32, #tpu.memory_space<hbm>>
      %dma_wait3A_95 = tpu.memref_squeeze %dma_wait3A_94 : memref<1x2000xi32, #tpu.memory_space<hbm>> -> memref<2000xi32, #tpu.memory_space<hbm>>
      tpu.wait_dma2 semaphore(%run_scoped3A_87 : memref<!tpu.dma_semaphore, #tpu.memory_space<semaphore_mem>>) src(%dma_wait3A_95 : memref<2000xi32, #tpu.memory_space<hbm>>) dst(%arg9 : memref<2000xi32, #tpu.memory_space<vmem>>)
      tpu.yield
    }) : () -> ()
    %dma_start3A_45 = arith.constant 0 : i32
    %dma_start3A_46 = arith.constant 0 : i32
    %dma_start3A_47 = tpu.memref_slice %arg2[%dma_start3A_45, %dma_start3A_46] : memref<10240x16xf32, #tpu.memory_space<hbm>> -> memref<10240x16xf32, #tpu.memory_space<hbm>>
    tpu.enqueue_indirect_dma source(%dma_start3A_47 : memref<10240x16xf32, #tpu.memory_space<hbm>>) target(%arg11 : memref<2000x16xf32, #tpu.memory_space<vmem>>) offsets(%arg7 : memref<2000xi32, #tpu.memory_space<vmem>>) semaphore(%arg13 : memref<!tpu.dma_semaphore, #tpu.memory_space<semaphore_mem>>)
    %dma_wait3A_48 = arith.constant 0 : i32
    %dma_wait3A_49 = arith.constant 0 : i32
    %dma_wait3A_50 = tpu.memref_slice %arg2[%dma_wait3A_48, %dma_wait3A_49] : memref<10240x16xf32, #tpu.memory_space<hbm>> -> memref<10240x16xf32, #tpu.memory_space<hbm>>
    tpu.wait_indirect_dma semaphore(%arg12 : memref<!tpu.dma_semaphore, #tpu.memory_space<semaphore_mem>>) src(%dma_wait3A_50 : memref<10240x16xf32, #tpu.memory_space<hbm>>) dst(%arg10 : memref<2000x16xf32, #tpu.memory_space<vmem>>)
    %dma_start3A_51 = arith.constant 0 : i32
    %dma_start3A_52 = arith.constant 0 : i32
    %dma_start3A_53 = tpu.memref_slice %arg16[%dma_start3A_51, %dma_start3A_52] : memref<10240x16xf32, #tpu.memory_space<vmem_shared>> -> memref<10240x16xf32, #tpu.memory_space<vmem_shared>>
    tpu.enqueue_indirect_dma source(%arg10 : memref<2000x16xf32, #tpu.memory_space<vmem>>) target(%dma_start3A_53 : memref<10240x16xf32, #tpu.memory_space<vmem_shared>>) offsets(%arg8 : memref<2000xi32, #tpu.memory_space<vmem>>) semaphore(%arg14 : memref<!tpu.dma_semaphore, #tpu.memory_space<semaphore_mem>>) {add = true}
    %dma_wait3A_54 = arith.constant 0 : i32
    %dma_wait3A_55 = arith.constant 0 : i32
    %dma_wait3A_56 = tpu.memref_slice %arg16[%dma_wait3A_54, %dma_wait3A_55] : memref<10240x16xf32, #tpu.memory_space<vmem_shared>> -> memref<10240x16xf32, #tpu.memory_space<vmem_shared>>
    tpu.wait_indirect_dma semaphore(%arg14 : memref<!tpu.dma_semaphore, #tpu.memory_space<semaphore_mem>>) src(%arg10 : memref<2000x16xf32, #tpu.memory_space<vmem>>) dst(%dma_wait3A_56 : memref<10240x16xf32, #tpu.memory_space<vmem_shared>>)
    %add3A_57 = arith.constant 8000 : i32
    %add3A_58 = arith.addi %mul3A_2, %add3A_57 : i32
    %run_scoped3A_59 = arith.constant 0 : i32
    "tpu.region"() ({
      %run_scoped3A_87 = tpu.sem_alloc : memref<!tpu.dma_semaphore, #tpu.memory_space<semaphore_mem>>
      %dma_start3A_88 = tpu.memref_slice %arg3[%run_scoped3A_59, %add3A_58] : memref<2x320000xi32, #tpu.memory_space<hbm>> -> memref<1x2000xi32, #tpu.memory_space<hbm>>
      %dma_start3A_89 = tpu.memref_squeeze %dma_start3A_88 : memref<1x2000xi32, #tpu.memory_space<hbm>> -> memref<2000xi32, #tpu.memory_space<hbm>>
      %dma_start3A_90 = tpu.memref_slice %arg3[%run_scoped3A_59, %add3A_58] : memref<2x320000xi32, #tpu.memory_space<hbm>> -> memref<1x2000xi32, #tpu.memory_space<hbm>>
      %dma_start3A_91 = tpu.memref_squeeze %dma_start3A_90 : memref<1x2000xi32, #tpu.memory_space<hbm>> -> memref<2000xi32, #tpu.memory_space<hbm>>
      tpu.enqueue_dma source(%dma_start3A_91 : memref<2000xi32, #tpu.memory_space<hbm>>) target(%arg6 : memref<2000xi32, #tpu.memory_space<vmem>>) target_semaphore(%run_scoped3A_87 : memref<!tpu.dma_semaphore, #tpu.memory_space<semaphore_mem>>)
      %dma_wait3A_92 = tpu.memref_slice %arg3[%run_scoped3A_59, %add3A_58] : memref<2x320000xi32, #tpu.memory_space<hbm>> -> memref<1x2000xi32, #tpu.memory_space<hbm>>
      %dma_wait3A_93 = tpu.memref_squeeze %dma_wait3A_92 : memref<1x2000xi32, #tpu.memory_space<hbm>> -> memref<2000xi32, #tpu.memory_space<hbm>>
      %dma_wait3A_94 = tpu.memref_slice %arg3[%run_scoped3A_59, %add3A_58] : memref<2x320000xi32, #tpu.memory_space<hbm>> -> memref<1x2000xi32, #tpu.memory_space<hbm>>
      %dma_wait3A_95 = tpu.memref_squeeze %dma_wait3A_94 : memref<1x2000xi32, #tpu.memory_space<hbm>> -> memref<2000xi32, #tpu.memory_space<hbm>>
      tpu.wait_dma2 semaphore(%run_scoped3A_87 : memref<!tpu.dma_semaphore, #tpu.memory_space<semaphore_mem>>) src(%dma_wait3A_95 : memref<2000xi32, #tpu.memory_space<hbm>>) dst(%arg6 : memref<2000xi32, #tpu.memory_space<vmem>>)
      tpu.yield
    }) : () -> ()
    %run_scoped3A_60 = arith.constant 1 : i32
    "tpu.region"() ({
      %run_scoped3A_87 = tpu.sem_alloc : memref<!tpu.dma_semaphore, #tpu.memory_space<semaphore_mem>>
      %dma_start3A_88 = tpu.memref_slice %arg3[%run_scoped3A_60, %add3A_58] : memref<2x320000xi32, #tpu.memory_space<hbm>> -> memref<1x2000xi32, #tpu.memory_space<hbm>>
      %dma_start3A_89 = tpu.memref_squeeze %dma_start3A_88 : memref<1x2000xi32, #tpu.memory_space<hbm>> -> memref<2000xi32, #tpu.memory_space<hbm>>
      %dma_start3A_90 = tpu.memref_slice %arg3[%run_scoped3A_60, %add3A_58] : memref<2x320000xi32, #tpu.memory_space<hbm>> -> memref<1x2000xi32, #tpu.memory_space<hbm>>
      %dma_start3A_91 = tpu.memref_squeeze %dma_start3A_90 : memref<1x2000xi32, #tpu.memory_space<hbm>> -> memref<2000xi32, #tpu.memory_space<hbm>>
      tpu.enqueue_dma source(%dma_start3A_91 : memref<2000xi32, #tpu.memory_space<hbm>>) target(%arg8 : memref<2000xi32, #tpu.memory_space<vmem>>) target_semaphore(%run_scoped3A_87 : memref<!tpu.dma_semaphore, #tpu.memory_space<semaphore_mem>>)
      %dma_wait3A_92 = tpu.memref_slice %arg3[%run_scoped3A_60, %add3A_58] : memref<2x320000xi32, #tpu.memory_space<hbm>> -> memref<1x2000xi32, #tpu.memory_space<hbm>>
      %dma_wait3A_93 = tpu.memref_squeeze %dma_wait3A_92 : memref<1x2000xi32, #tpu.memory_space<hbm>> -> memref<2000xi32, #tpu.memory_space<hbm>>
      %dma_wait3A_94 = tpu.memref_slice %arg3[%run_scoped3A_60, %add3A_58] : memref<2x320000xi32, #tpu.memory_space<hbm>> -> memref<1x2000xi32, #tpu.memory_space<hbm>>
      %dma_wait3A_95 = tpu.memref_squeeze %dma_wait3A_94 : memref<1x2000xi32, #tpu.memory_space<hbm>> -> memref<2000xi32, #tpu.memory_space<hbm>>
      tpu.wait_dma2 semaphore(%run_scoped3A_87 : memref<!tpu.dma_semaphore, #tpu.memory_space<semaphore_mem>>) src(%dma_wait3A_95 : memref<2000xi32, #tpu.memory_space<hbm>>) dst(%arg8 : memref<2000xi32, #tpu.memory_space<vmem>>)
      tpu.yield
    }) : () -> ()
    %dma_start3A_61 = arith.constant 0 : i32
    %dma_start3A_62 = arith.constant 0 : i32
    %dma_start3A_63 = tpu.memref_slice %arg2[%dma_start3A_61, %dma_start3A_62] : memref<10240x16xf32, #tpu.memory_space<hbm>> -> memref<10240x16xf32, #tpu.memory_space<hbm>>
    tpu.enqueue_indirect_dma source(%dma_start3A_63 : memref<10240x16xf32, #tpu.memory_space<hbm>>) target(%arg10 : memref<2000x16xf32, #tpu.memory_space<vmem>>) offsets(%arg6 : memref<2000xi32, #tpu.memory_space<vmem>>) semaphore(%arg12 : memref<!tpu.dma_semaphore, #tpu.memory_space<semaphore_mem>>)
    %dma_wait3A_64 = arith.constant 0 : i32
    %dma_wait3A_65 = arith.constant 0 : i32
    %dma_wait3A_66 = tpu.memref_slice %arg2[%dma_wait3A_64, %dma_wait3A_65] : memref<10240x16xf32, #tpu.memory_space<hbm>> -> memref<10240x16xf32, #tpu.memory_space<hbm>>
    tpu.wait_indirect_dma semaphore(%arg13 : memref<!tpu.dma_semaphore, #tpu.memory_space<semaphore_mem>>) src(%dma_wait3A_66 : memref<10240x16xf32, #tpu.memory_space<hbm>>) dst(%arg11 : memref<2000x16xf32, #tpu.memory_space<vmem>>)
    %dma_start3A_67 = arith.constant 0 : i32
    %dma_start3A_68 = arith.constant 0 : i32
    %dma_start3A_69 = tpu.memref_slice %arg16[%dma_start3A_67, %dma_start3A_68] : memref<10240x16xf32, #tpu.memory_space<vmem_shared>> -> memref<10240x16xf32, #tpu.memory_space<vmem_shared>>
    tpu.enqueue_indirect_dma source(%arg11 : memref<2000x16xf32, #tpu.memory_space<vmem>>) target(%dma_start3A_69 : memref<10240x16xf32, #tpu.memory_space<vmem_shared>>) offsets(%arg9 : memref<2000xi32, #tpu.memory_space<vmem>>) semaphore(%arg15 : memref<!tpu.dma_semaphore, #tpu.memory_space<semaphore_mem>>) {add = true}
    %dma_wait3A_70 = arith.constant 0 : i32
    %dma_wait3A_71 = arith.constant 0 : i32
    %dma_wait3A_72 = tpu.memref_slice %arg2[%dma_wait3A_70, %dma_wait3A_71] : memref<10240x16xf32, #tpu.memory_space<hbm>> -> memref<10240x16xf32, #tpu.memory_space<hbm>>
    tpu.wait_indirect_dma semaphore(%arg12 : memref<!tpu.dma_semaphore, #tpu.memory_space<semaphore_mem>>) src(%dma_wait3A_72 : memref<10240x16xf32, #tpu.memory_space<hbm>>) dst(%arg10 : memref<2000x16xf32, #tpu.memory_space<vmem>>)
    %dma_start3A_73 = arith.constant 0 : i32
    %dma_start3A_74 = arith.constant 0 : i32
    %dma_start3A_75 = tpu.memref_slice %arg16[%dma_start3A_73, %dma_start3A_74] : memref<10240x16xf32, #tpu.memory_space<vmem_shared>> -> memref<10240x16xf32, #tpu.memory_space<vmem_shared>>
    tpu.enqueue_indirect_dma source(%arg10 : memref<2000x16xf32, #tpu.memory_space<vmem>>) target(%dma_start3A_75 : memref<10240x16xf32, #tpu.memory_space<vmem_shared>>) offsets(%arg8 : memref<2000xi32, #tpu.memory_space<vmem>>) semaphore(%arg14 : memref<!tpu.dma_semaphore, #tpu.memory_space<semaphore_mem>>) {add = true}
    %dma_wait3A_76 = arith.constant 0 : i32
    %dma_wait3A_77 = arith.constant 0 : i32
    %dma_wait3A_78 = tpu.memref_slice %arg16[%dma_wait3A_76, %dma_wait3A_77] : memref<10240x16xf32, #tpu.memory_space<vmem_shared>> -> memref<10240x16xf32, #tpu.memory_space<vmem_shared>>
    tpu.wait_indirect_dma semaphore(%arg14 : memref<!tpu.dma_semaphore, #tpu.memory_space<semaphore_mem>>) src(%arg10 : memref<2000x16xf32, #tpu.memory_space<vmem>>) dst(%dma_wait3A_78 : memref<10240x16xf32, #tpu.memory_space<vmem_shared>>)
    %dma_wait3A_79 = arith.constant 0 : i32
    %dma_wait3A_80 = arith.constant 0 : i32
    %dma_wait3A_81 = tpu.memref_slice %arg16[%dma_wait3A_79, %dma_wait3A_80] : memref<10240x16xf32, #tpu.memory_space<vmem_shared>> -> memref<10240x16xf32, #tpu.memory_space<vmem_shared>>
    tpu.wait_indirect_dma semaphore(%arg15 : memref<!tpu.dma_semaphore, #tpu.memory_space<semaphore_mem>>) src(%arg11 : memref<2000x16xf32, #tpu.memory_space<vmem>>) dst(%dma_wait3A_81 : memref<10240x16xf32, #tpu.memory_space<vmem_shared>>)
    %barrier3A_82 = arith.constant 0 : index
    tpu.barrier barrier_id(%barrier3A_82)
    %mul3A_83 = arith.constant 640 : i32
    %mul3A_84 = arith.muli %arg1, %mul3A_83 : i32
    %mul3A_85 = arith.constant 640 : i32
    %mul3A_86 = arith.muli %arg1, %mul3A_85 : i32
    "tpu.region"() ({
      %run_scoped3A_87 = tpu.sem_alloc : memref<!tpu.dma_semaphore, #tpu.memory_space<semaphore_mem>>
      %dma_start3A_88 = arith.constant 0 : i32
      %dma_start3A_89 = tpu.memref_slice %arg5[%arg0, %mul3A_86, %dma_start3A_88] : memref<2x10240x16xf32, #tpu.memory_space<hbm>> -> memref<1x640x16xf32, #tpu.memory_space<hbm>>
      %dma_start3A_90 = tpu.memref_squeeze %dma_start3A_89 : memref<1x640x16xf32, #tpu.memory_space<hbm>> -> memref<640x16xf32, #tpu.memory_space<hbm>>
      %dma_start3A_91 = arith.constant 0 : i32
      %dma_start3A_92 = tpu.memref_slice %arg16[%mul3A_84, %dma_start3A_91] : memref<10240x16xf32, #tpu.memory_space<vmem_shared>> -> memref<640x16xf32, #tpu.memory_space<vmem_shared>>
      tpu.enqueue_dma source(%dma_start3A_92 : memref<640x16xf32, #tpu.memory_space<vmem_shared>>) target(%dma_start3A_90 : memref<640x16xf32, #tpu.memory_space<hbm>>) target_semaphore(%run_scoped3A_87 : memref<!tpu.dma_semaphore, #tpu.memory_space<semaphore_mem>>)
      %dma_wait3A_93 = arith.constant 0 : i32
      %dma_wait3A_94 = tpu.memref_slice %arg5[%arg0, %mul3A_86, %dma_wait3A_93] : memref<2x10240x16xf32, #tpu.memory_space<hbm>> -> memref<1x640x16xf32, #tpu.memory_space<hbm>>
      %dma_wait3A_95 = tpu.memref_squeeze %dma_wait3A_94 : memref<1x640x16xf32, #tpu.memory_space<hbm>> -> memref<640x16xf32, #tpu.memory_space<hbm>>
      %dma_wait3A_96 = arith.constant 0 : i32
      %dma_wait3A_97 = tpu.memref_slice %arg16[%mul3A_84, %dma_wait3A_96] : memref<10240x16xf32, #tpu.memory_space<vmem_shared>> -> memref<640x16xf32, #tpu.memory_space<vmem_shared>>
      tpu.wait_dma2 semaphore(%run_scoped3A_87 : memref<!tpu.dma_semaphore, #tpu.memory_space<semaphore_mem>>) src(%dma_wait3A_97 : memref<640x16xf32, #tpu.memory_space<vmem_shared>>) dst(%dma_wait3A_95 : memref<640x16xf32, #tpu.memory_space<hbm>>)
      tpu.yield
    }) : () -> ()
    return
  }
}

module attributes {stable_mosaic.version = 14 : i64} {
  func.func @_tc1a_body(%arg0: memref<10000x128xf32, #tpu.memory_space<vmem>>, %arg1: memref<128x16xf32, #tpu.memory_space<vmem>>, %arg2: memref<10240x16xf32, #tpu.memory_space<vmem>>) attributes {dimension_semantics = [], scalar_prefetch = 0 : i64, scratch_operands = 0 : i64, tpu.core_type = #tpu.core_type<tc>} {
    %get3A = arith.constant 0 : index
    %get3A_0 = arith.constant 0 : index
    %get3A_1 = vector.load %arg0[%get3A, %get3A_0] : memref<10000x128xf32, #tpu.memory_space<vmem>>, vector<10000x128xf32>
    %get3A_2 = arith.constant 0 : index
    %get3A_3 = arith.constant 0 : index
    %get3A_4 = vector.load %arg1[%get3A_2, %get3A_3] : memref<128x16xf32, #tpu.memory_space<vmem>>, vector<128x16xf32>
    %dot_general3A = arith.constant dense<0.000000e+00> : vector<10000x16xf32>
    %dot_general3A_5 = tpu.matmul %get3A_1, %get3A_4, %dot_general3A {dimension_numbers = #tpu.dot_dimension_numbers<[1], [0], [0], [1], [0, 0, 1, 1], [], []>, transpose_lhs_hint = false} : vector<10000x128xf32>, vector<128x16xf32>, vector<10000x16xf32> -> vector<10000x16xf32>
    %broadcast_in_dim3A = arith.constant 0.000000e+00 : f32
    %broadcast_in_dim3A_6 = vector.broadcast %broadcast_in_dim3A : f32 to vector<240x16xf32>
    %concatenate3A = tpu.concatenate %dot_general3A_5, %broadcast_in_dim3A_6 in 0 : vector<10000x16xf32>, vector<240x16xf32> -> vector<10240x16xf32>
    %swap3A = arith.constant 0 : index
    %swap3A_7 = arith.constant 0 : index
    %swap3A_8 = vector.load %arg2[%swap3A, %swap3A_7] : memref<10240x16xf32, #tpu.memory_space<vmem>>, vector<10240x16xf32>
    tpu.vector_store %arg2[%swap3A, %swap3A_7], %concatenate3A {strides = array<i32>} : memref<10240x16xf32, #tpu.memory_space<vmem>>, vector<10240x16xf32>,
    return
  }
}

module attributes {stable_mosaic.version = 14 : i64} {
  func.func @_tc1b_body(%arg0: memref<2x1280x128xf32, #tpu.memory_space<vmem>>, %arg1: memref<1280x128xf32, #tpu.memory_space<vmem>>, %arg2: memref<1280x128xf32, #tpu.memory_space<vmem>>, %arg3: memref<1280x128xf32, #tpu.memory_space<vmem>>) attributes {dimension_semantics = [], scalar_prefetch = 0 : i64, scratch_operands = 0 : i64, tpu.core_type = #tpu.core_type<tc>} {
    %get3A = arith.constant 0 : index
    %get3A_0 = arith.constant 0 : index
    %get3A_1 = arith.constant 0 : index
    %get3A_2 = vector.load %arg0[%get3A, %get3A_0, %get3A_1] : memref<2x1280x128xf32, #tpu.memory_space<vmem>>, vector<1x1280x128xf32>
    %get3A_3 = vector.shape_cast %get3A_2 : vector<1x1280x128xf32> to vector<1280x128xf32>
    %get3A_4 = arith.constant 1 : index
    %get3A_5 = arith.constant 0 : index
    %get3A_6 = arith.constant 0 : index
    %get3A_7 = vector.load %arg0[%get3A_4, %get3A_5, %get3A_6] : memref<2x1280x128xf32, #tpu.memory_space<vmem>>, vector<1x1280x128xf32>
    %get3A_8 = vector.shape_cast %get3A_7 : vector<1x1280x128xf32> to vector<1280x128xf32>
    %add3A = arith.addf %get3A_3, %get3A_8 : vector<1280x128xf32>
    %add3A_9 = arith.constant 1.000000e+00 : f32
    %add3A_10 = vector.broadcast %add3A_9 : f32 to vector<1280x128xf32>
    %add3A_11 = arith.addf %add3A, %add3A_10 : vector<1280x128xf32>
    %rsqrt3A = math.rsqrt %add3A_11 : vector<1280x128xf32>
    %get3A_12 = arith.constant 0 : index
    %get3A_13 = arith.constant 0 : index
    %get3A_14 = vector.load %arg1[%get3A_12, %get3A_13] : memref<1280x128xf32, #tpu.memory_space<vmem>>, vector<1280x128xf32>
    %mul3A = arith.mulf %get3A_14, %rsqrt3A : vector<1280x128xf32>
    %swap3A = arith.constant 0 : index
    %swap3A_15 = arith.constant 0 : index
    %swap3A_16 = vector.load %arg2[%swap3A, %swap3A_15] : memref<1280x128xf32, #tpu.memory_space<vmem>>, vector<1280x128xf32>
    tpu.vector_store %arg2[%swap3A, %swap3A_15], %mul3A {strides = array<i32>} : memref<1280x128xf32, #tpu.memory_space<vmem>>, vector<1280x128xf32>,
    %swap3A_17 = arith.constant 0 : index
    %swap3A_18 = arith.constant 0 : index
    %swap3A_19 = vector.load %arg3[%swap3A_17, %swap3A_18] : memref<1280x128xf32, #tpu.memory_space<vmem>>, vector<1280x128xf32>
    tpu.vector_store %arg3[%swap3A_17, %swap3A_18], %rsqrt3A {strides = array<i32>} : memref<1280x128xf32, #tpu.memory_space<vmem>>, vector<1280x128xf32>,
    return
  }
}

module attributes {stable_mosaic.version = 14 : i64} {
  func.func @_tc2_body(%arg0: memref<2x1280x128xf32, #tpu.memory_space<vmem>>, %arg1: memref<1280x128xf32, #tpu.memory_space<vmem>>, %arg2: memref<1280x128xf32, #tpu.memory_space<vmem>>, %arg3: memref<128xf32, #tpu.memory_space<vmem>>, %arg4: memref<1xf32, #tpu.memory_space<vmem>>, %arg5: memref<1280x128xf32, #tpu.memory_space<vmem>>) attributes {dimension_semantics = [], scalar_prefetch = 0 : i64, scratch_operands = 0 : i64, tpu.core_type = #tpu.core_type<tc>} {
    %get3A = arith.constant 0 : index
    %get3A_0 = arith.constant 0 : index
    %get3A_1 = vector.load %arg2[%get3A, %get3A_0] : memref<1280x128xf32, #tpu.memory_space<vmem>>, vector<1280x128xf32>
    %get3A_2 = arith.constant 0 : index
    %get3A_3 = arith.constant 0 : index
    %get3A_4 = arith.constant 0 : index
    %get3A_5 = vector.load %arg0[%get3A_2, %get3A_3, %get3A_4] : memref<2x1280x128xf32, #tpu.memory_space<vmem>>, vector<1x1280x128xf32>
    %get3A_6 = vector.shape_cast %get3A_5 : vector<1x1280x128xf32> to vector<1280x128xf32>
    %get3A_7 = arith.constant 1 : index
    %get3A_8 = arith.constant 0 : index
    %get3A_9 = arith.constant 0 : index
    %get3A_10 = vector.load %arg0[%get3A_7, %get3A_8, %get3A_9] : memref<2x1280x128xf32, #tpu.memory_space<vmem>>, vector<1x1280x128xf32>
    %get3A_11 = vector.shape_cast %get3A_10 : vector<1x1280x128xf32> to vector<1280x128xf32>
    %add3A = arith.addf %get3A_6, %get3A_11 : vector<1280x128xf32>
    %get3A_12 = arith.constant 0 : index
    %get3A_13 = arith.constant 0 : index
    %get3A_14 = vector.load %arg1[%get3A_12, %get3A_13] : memref<1280x128xf32, #tpu.memory_space<vmem>>, vector<1280x128xf32>
    %add3A_15 = arith.addf %add3A, %get3A_14 : vector<1280x128xf32>
    %mul3A = arith.mulf %add3A_15, %get3A_1 : vector<1280x128xf32>
    %get3A_16 = arith.constant 0 : index
    %get3A_17 = vector.load %arg3[%get3A_16] : memref<128xf32, #tpu.memory_space<vmem>>, vector<128xf32>
    %reshape3A = vector.shape_cast %get3A_17 : vector<128xf32> to vector<1x128xf32>
    %add3A_18 = vector.broadcast %reshape3A : vector<1x128xf32> to vector<1280x128xf32>
    %add3A_19 = arith.addf %mul3A, %add3A_18 : vector<1280x128xf32>
    %ge3A = arith.constant 0.000000e+00 : f32
    %ge3A_20 = vector.broadcast %ge3A : f32 to vector<1280x128xf32>
    %ge3A_21 = arith.cmpf oge, %add3A_19, %ge3A_20 : vector<1280x128xf32>
    %get3A_22 = arith.constant 0 : index
    %get3A_23 = vector.load %arg4[%get3A_22] : memref<1xf32, #tpu.memory_space<vmem>>, vector<1xf32>
    %get3A_24 = vector.extract %get3A_23[0] : f32 from vector<1xf32>
    %mul3A_25 = vector.broadcast %get3A_24 : f32 to vector<1280x128xf32>
    %mul3A_26 = arith.mulf %mul3A_25, %add3A_19 : vector<1280x128xf32>
    %select_n3A = arith.select %ge3A_21, %add3A_19, %mul3A_26 : vector<1280x128xi1>, vector<1280x128xf32>
    %mul3A_27 = arith.mulf %select_n3A, %get3A_1 : vector<1280x128xf32>
    %swap3A = arith.constant 0 : index
    %swap3A_28 = arith.constant 0 : index
    %swap3A_29 = vector.load %arg5[%swap3A, %swap3A_28] : memref<1280x128xf32, #tpu.memory_space<vmem>>, vector<1280x128xf32>
    tpu.vector_store %arg5[%swap3A, %swap3A_28], %mul3A_27 {strides = array<i32>} : memref<1280x128xf32, #tpu.memory_space<vmem>>, vector<1280x128xf32>,
    return
  }
}

module attributes {stable_mosaic.version = 14 : i64} {
  func.func @_tc3_body(%arg0: memref<2x1280x128xf32, #tpu.memory_space<vmem>>, %arg1: memref<1280x128xf32, #tpu.memory_space<vmem>>, %arg2: memref<1280x128xf32, #tpu.memory_space<vmem>>, %arg3: memref<1280x128xi32, #tpu.memory_space<vmem>>, %arg4: memref<16x2xf32, #tpu.memory_space<vmem>>, %arg5: memref<2xf32, #tpu.memory_space<vmem>>, %arg6: memref<16x2xf32, #tpu.memory_space<vmem>>) attributes {dimension_semantics = [], scalar_prefetch = 0 : i64, scratch_operands = 0 : i64, tpu.core_type = #tpu.core_type<tc>} {
    %get3A = arith.constant 0 : index
    %get3A_0 = arith.constant 0 : index
    %get3A_1 = arith.constant 0 : index
    %get3A_2 = vector.load %arg0[%get3A, %get3A_0, %get3A_1] : memref<2x1280x128xf32, #tpu.memory_space<vmem>>, vector<1x1280x128xf32>
    %get3A_3 = vector.shape_cast %get3A_2 : vector<1x1280x128xf32> to vector<1280x128xf32>
    %get3A_4 = arith.constant 1 : index
    %get3A_5 = arith.constant 0 : index
    %get3A_6 = arith.constant 0 : index
    %get3A_7 = vector.load %arg0[%get3A_4, %get3A_5, %get3A_6] : memref<2x1280x128xf32, #tpu.memory_space<vmem>>, vector<1x1280x128xf32>
    %get3A_8 = vector.shape_cast %get3A_7 : vector<1x1280x128xf32> to vector<1280x128xf32>
    %add3A = arith.addf %get3A_3, %get3A_8 : vector<1280x128xf32>
    %get3A_9 = arith.constant 0 : index
    %get3A_10 = arith.constant 0 : index
    %get3A_11 = vector.load %arg1[%get3A_9, %get3A_10] : memref<1280x128xf32, #tpu.memory_space<vmem>>, vector<1280x128xf32>
    %add3A_12 = arith.addf %add3A, %get3A_11 : vector<1280x128xf32>
    %get3A_13 = arith.constant 0 : index
    %get3A_14 = arith.constant 0 : index
    %get3A_15 = vector.load %arg2[%get3A_13, %get3A_14] : memref<1280x128xf32, #tpu.memory_space<vmem>>, vector<1280x128xf32>
    %mul3A = arith.mulf %add3A_12, %get3A_15 : vector<1280x128xf32>
    %get3A_16 = arith.constant 0 : index
    %get3A_17 = arith.constant 0 : index
    %get3A_18 = vector.load %arg3[%get3A_16, %get3A_17] : memref<1280x128xi32, #tpu.memory_space<vmem>>, vector<1280x128xi32>
    %eq3A = arith.constant 0 : i32
    %eq3A_19 = vector.broadcast %eq3A : i32 to vector<1280x128xi32>
    %eq3A_20 = arith.cmpi eq, %get3A_18, %eq3A_19 : vector<1280x128xi32>
    %jit3A = arith.constant 0.000000e+00 : f32
    %broadcast_in_dim3A = vector.broadcast %jit3A : f32 to vector<1280x128xf32>
    %select_n3A = arith.select %eq3A_20, %mul3A, %broadcast_in_dim3A : vector<1280x128xi1>, vector<1280x128xf32>
    %reduce_sum3A = arith.constant dense<0.000000e+00> : vector<128xf32>
    %reduce_sum3A_21 = vector.multi_reduction <add>, %select_n3A, %reduce_sum3A [0] : vector<1280x128xf32> to vector<128xf32>
    %broadcast_in_dim3A_22 = vector.shape_cast %reduce_sum3A_21 : vector<128xf32> to vector<1x128xf32>
    %jit3A_23 = arith.constant 1.000000e+00 : f32
    %jit3A_24 = arith.constant 0.000000e+00 : f32
    %broadcast_in_dim3A_25 = vector.broadcast %jit3A_23 : f32 to vector<1280x128xf32>
    %broadcast_in_dim3A_26 = vector.broadcast %jit3A_24 : f32 to vector<1280x128xf32>
    %select_n3A_27 = arith.select %eq3A_20, %broadcast_in_dim3A_25, %broadcast_in_dim3A_26 : vector<1280x128xi1>, vector<1280x128xf32>
    %reduce_sum3A_28 = arith.constant dense<0.000000e+00> : vector<128xf32>
    %reduce_sum3A_29 = vector.multi_reduction <add>, %select_n3A_27, %reduce_sum3A_28 [0] : vector<1280x128xf32> to vector<128xf32>
    %broadcast_in_dim3A_30 = vector.shape_cast %reduce_sum3A_29 : vector<128xf32> to vector<1x128xf32>
    %slice3A = vector.extract_strided_slice %broadcast_in_dim3A_22 {offsets = [0, 0], sizes = [1, 16], strides = [1, 1]} : vector<1x128xf32> to vector<1x16xf32>
    %slice3A_31 = vector.extract_strided_slice %broadcast_in_dim3A_30 {offsets = [0, 0], sizes = [1, 16], strides = [1, 1]} : vector<1x128xf32> to vector<1x16xf32>
    %slice3A_32 = vector.extract_strided_slice %broadcast_in_dim3A_22 {offsets = [0, 16], sizes = [1, 16], strides = [1, 1]} : vector<1x128xf32> to vector<1x16xf32>
    %add3A_33 = arith.addf %slice3A, %slice3A_32 : vector<1x16xf32>
    %slice3A_34 = vector.extract_strided_slice %broadcast_in_dim3A_30 {offsets = [0, 16], sizes = [1, 16], strides = [1, 1]} : vector<1x128xf32> to vector<1x16xf32>
    %add3A_35 = arith.addf %slice3A_31, %slice3A_34 : vector<1x16xf32>
    %slice3A_36 = vector.extract_strided_slice %broadcast_in_dim3A_22 {offsets = [0, 32], sizes = [1, 16], strides = [1, 1]} : vector<1x128xf32> to vector<1x16xf32>
    %add3A_37 = arith.addf %add3A_33, %slice3A_36 : vector<1x16xf32>
    %slice3A_38 = vector.extract_strided_slice %broadcast_in_dim3A_30 {offsets = [0, 32], sizes = [1, 16], strides = [1, 1]} : vector<1x128xf32> to vector<1x16xf32>
    %add3A_39 = arith.addf %add3A_35, %slice3A_38 : vector<1x16xf32>
    %slice3A_40 = vector.extract_strided_slice %broadcast_in_dim3A_22 {offsets = [0, 48], sizes = [1, 16], strides = [1, 1]} : vector<1x128xf32> to vector<1x16xf32>
    %add3A_41 = arith.addf %add3A_37, %slice3A_40 : vector<1x16xf32>
    %slice3A_42 = vector.extract_strided_slice %broadcast_in_dim3A_30 {offsets = [0, 48], sizes = [1, 16], strides = [1, 1]} : vector<1x128xf32> to vector<1x16xf32>
    %add3A_43 = arith.addf %add3A_39, %slice3A_42 : vector<1x16xf32>
    %slice3A_44 = vector.extract_strided_slice %broadcast_in_dim3A_22 {offsets = [0, 64], sizes = [1, 16], strides = [1, 1]} : vector<1x128xf32> to vector<1x16xf32>
    %add3A_45 = arith.addf %add3A_41, %slice3A_44 : vector<1x16xf32>
    %slice3A_46 = vector.extract_strided_slice %broadcast_in_dim3A_30 {offsets = [0, 64], sizes = [1, 16], strides = [1, 1]} : vector<1x128xf32> to vector<1x16xf32>
    %add3A_47 = arith.addf %add3A_43, %slice3A_46 : vector<1x16xf32>
    %slice3A_48 = vector.extract_strided_slice %broadcast_in_dim3A_22 {offsets = [0, 80], sizes = [1, 16], strides = [1, 1]} : vector<1x128xf32> to vector<1x16xf32>
    %add3A_49 = arith.addf %add3A_45, %slice3A_48 : vector<1x16xf32>
    %slice3A_50 = vector.extract_strided_slice %broadcast_in_dim3A_30 {offsets = [0, 80], sizes = [1, 16], strides = [1, 1]} : vector<1x128xf32> to vector<1x16xf32>
    %add3A_51 = arith.addf %add3A_47, %slice3A_50 : vector<1x16xf32>
    %slice3A_52 = vector.extract_strided_slice %broadcast_in_dim3A_22 {offsets = [0, 96], sizes = [1, 16], strides = [1, 1]} : vector<1x128xf32> to vector<1x16xf32>
    %add3A_53 = arith.addf %add3A_49, %slice3A_52 : vector<1x16xf32>
    %slice3A_54 = vector.extract_strided_slice %broadcast_in_dim3A_30 {offsets = [0, 96], sizes = [1, 16], strides = [1, 1]} : vector<1x128xf32> to vector<1x16xf32>
    %add3A_55 = arith.addf %add3A_51, %slice3A_54 : vector<1x16xf32>
    %slice3A_56 = vector.extract_strided_slice %broadcast_in_dim3A_22 {offsets = [0, 112], sizes = [1, 16], strides = [1, 1]} : vector<1x128xf32> to vector<1x16xf32>
    %add3A_57 = arith.addf %add3A_53, %slice3A_56 : vector<1x16xf32>
    %slice3A_58 = vector.extract_strided_slice %broadcast_in_dim3A_30 {offsets = [0, 112], sizes = [1, 16], strides = [1, 1]} : vector<1x128xf32> to vector<1x16xf32>
    %add3A_59 = arith.addf %add3A_55, %slice3A_58 : vector<1x16xf32>
    %max3A = arith.constant 1.000000e+00 : f32
    %max3A_60 = vector.broadcast %max3A : f32 to vector<1x16xf32>
    %max3A_61 = arith.maximumf %add3A_59, %max3A_60 : vector<1x16xf32>
    %div3A = arith.divf %add3A_57, %max3A_61 : vector<1x16xf32>
    %eq3A_62 = arith.constant 1 : i32
    %eq3A_63 = vector.broadcast %eq3A_62 : i32 to vector<1280x128xi32>
    %eq3A_64 = arith.cmpi eq, %get3A_18, %eq3A_63 : vector<1280x128xi32>
    %jit3A_65 = arith.constant 0.000000e+00 : f32
    %broadcast_in_dim3A_66 = vector.broadcast %jit3A_65 : f32 to vector<1280x128xf32>
    %select_n3A_67 = arith.select %eq3A_64, %mul3A, %broadcast_in_dim3A_66 : vector<1280x128xi1>, vector<1280x128xf32>
    %reduce_sum3A_68 = arith.constant dense<0.000000e+00> : vector<128xf32>
    %reduce_sum3A_69 = vector.multi_reduction <add>, %select_n3A_67, %reduce_sum3A_68 [0] : vector<1280x128xf32> to vector<128xf32>
    %broadcast_in_dim3A_70 = vector.shape_cast %reduce_sum3A_69 : vector<128xf32> to vector<1x128xf32>
    %jit3A_71 = arith.constant 1.000000e+00 : f32
    %jit3A_72 = arith.constant 0.000000e+00 : f32
    %broadcast_in_dim3A_73 = vector.broadcast %jit3A_71 : f32 to vector<1280x128xf32>
    %broadcast_in_dim3A_74 = vector.broadcast %jit3A_72 : f32 to vector<1280x128xf32>
    %select_n3A_75 = arith.select %eq3A_64, %broadcast_in_dim3A_73, %broadcast_in_dim3A_74 : vector<1280x128xi1>, vector<1280x128xf32>
    %reduce_sum3A_76 = arith.constant dense<0.000000e+00> : vector<128xf32>
    %reduce_sum3A_77 = vector.multi_reduction <add>, %select_n3A_75, %reduce_sum3A_76 [0] : vector<1280x128xf32> to vector<128xf32>
    %broadcast_in_dim3A_78 = vector.shape_cast %reduce_sum3A_77 : vector<128xf32> to vector<1x128xf32>
    %slice3A_79 = vector.extract_strided_slice %broadcast_in_dim3A_70 {offsets = [0, 0], sizes = [1, 16], strides = [1, 1]} : vector<1x128xf32> to vector<1x16xf32>
    %slice3A_80 = vector.extract_strided_slice %broadcast_in_dim3A_78 {offsets = [0, 0], sizes = [1, 16], strides = [1, 1]} : vector<1x128xf32> to vector<1x16xf32>
    %slice3A_81 = vector.extract_strided_slice %broadcast_in_dim3A_70 {offsets = [0, 16], sizes = [1, 16], strides = [1, 1]} : vector<1x128xf32> to vector<1x16xf32>
    %add3A_82 = arith.addf %slice3A_79, %slice3A_81 : vector<1x16xf32>
    %slice3A_83 = vector.extract_strided_slice %broadcast_in_dim3A_78 {offsets = [0, 16], sizes = [1, 16], strides = [1, 1]} : vector<1x128xf32> to vector<1x16xf32>
    %add3A_84 = arith.addf %slice3A_80, %slice3A_83 : vector<1x16xf32>
    %slice3A_85 = vector.extract_strided_slice %broadcast_in_dim3A_70 {offsets = [0, 32], sizes = [1, 16], strides = [1, 1]} : vector<1x128xf32> to vector<1x16xf32>
    %add3A_86 = arith.addf %add3A_82, %slice3A_85 : vector<1x16xf32>
    %slice3A_87 = vector.extract_strided_slice %broadcast_in_dim3A_78 {offsets = [0, 32], sizes = [1, 16], strides = [1, 1]} : vector<1x128xf32> to vector<1x16xf32>
    %add3A_88 = arith.addf %add3A_84, %slice3A_87 : vector<1x16xf32>
    %slice3A_89 = vector.extract_strided_slice %broadcast_in_dim3A_70 {offsets = [0, 48], sizes = [1, 16], strides = [1, 1]} : vector<1x128xf32> to vector<1x16xf32>
    %add3A_90 = arith.addf %add3A_86, %slice3A_89 : vector<1x16xf32>
    %slice3A_91 = vector.extract_strided_slice %broadcast_in_dim3A_78 {offsets = [0, 48], sizes = [1, 16], strides = [1, 1]} : vector<1x128xf32> to vector<1x16xf32>
    %add3A_92 = arith.addf %add3A_88, %slice3A_91 : vector<1x16xf32>
    %slice3A_93 = vector.extract_strided_slice %broadcast_in_dim3A_70 {offsets = [0, 64], sizes = [1, 16], strides = [1, 1]} : vector<1x128xf32> to vector<1x16xf32>
    %add3A_94 = arith.addf %add3A_90, %slice3A_93 : vector<1x16xf32>
    %slice3A_95 = vector.extract_strided_slice %broadcast_in_dim3A_78 {offsets = [0, 64], sizes = [1, 16], strides = [1, 1]} : vector<1x128xf32> to vector<1x16xf32>
    %add3A_96 = arith.addf %add3A_92, %slice3A_95 : vector<1x16xf32>
    %slice3A_97 = vector.extract_strided_slice %broadcast_in_dim3A_70 {offsets = [0, 80], sizes = [1, 16], strides = [1, 1]} : vector<1x128xf32> to vector<1x16xf32>
    %add3A_98 = arith.addf %add3A_94, %slice3A_97 : vector<1x16xf32>
    %slice3A_99 = vector.extract_strided_slice %broadcast_in_dim3A_78 {offsets = [0, 80], sizes = [1, 16], strides = [1, 1]} : vector<1x128xf32> to vector<1x16xf32>
    %add3A_100 = arith.addf %add3A_96, %slice3A_99 : vector<1x16xf32>
    %slice3A_101 = vector.extract_strided_slice %broadcast_in_dim3A_70 {offsets = [0, 96], sizes = [1, 16], strides = [1, 1]} : vector<1x128xf32> to vector<1x16xf32>
    %add3A_102 = arith.addf %add3A_98, %slice3A_101 : vector<1x16xf32>
    %slice3A_103 = vector.extract_strided_slice %broadcast_in_dim3A_78 {offsets = [0, 96], sizes = [1, 16], strides = [1, 1]} : vector<1x128xf32> to vector<1x16xf32>
    %add3A_104 = arith.addf %add3A_100, %slice3A_103 : vector<1x16xf32>
    %slice3A_105 = vector.extract_strided_slice %broadcast_in_dim3A_70 {offsets = [0, 112], sizes = [1, 16], strides = [1, 1]} : vector<1x128xf32> to vector<1x16xf32>
    %add3A_106 = arith.addf %add3A_102, %slice3A_105 : vector<1x16xf32>
    %slice3A_107 = vector.extract_strided_slice %broadcast_in_dim3A_78 {offsets = [0, 112], sizes = [1, 16], strides = [1, 1]} : vector<1x128xf32> to vector<1x16xf32>
    %add3A_108 = arith.addf %add3A_104, %slice3A_107 : vector<1x16xf32>
    %max3A_109 = arith.constant 1.000000e+00 : f32
    %max3A_110 = vector.broadcast %max3A_109 : f32 to vector<1x16xf32>
    %max3A_111 = arith.maximumf %add3A_108, %max3A_110 : vector<1x16xf32>
    %div3A_112 = arith.divf %add3A_106, %max3A_111 : vector<1x16xf32>
    %eq3A_113 = arith.constant 2 : i32
    %eq3A_114 = vector.broadcast %eq3A_113 : i32 to vector<1280x128xi32>
    %eq3A_115 = arith.cmpi eq, %get3A_18, %eq3A_114 : vector<1280x128xi32>
    %jit3A_116 = arith.constant 0.000000e+00 : f32
    %broadcast_in_dim3A_117 = vector.broadcast %jit3A_116 : f32 to vector<1280x128xf32>
    %select_n3A_118 = arith.select %eq3A_115, %mul3A, %broadcast_in_dim3A_117 : vector<1280x128xi1>, vector<1280x128xf32>
    %reduce_sum3A_119 = arith.constant dense<0.000000e+00> : vector<128xf32>
    %reduce_sum3A_120 = vector.multi_reduction <add>, %select_n3A_118, %reduce_sum3A_119 [0] : vector<1280x128xf32> to vector<128xf32>
    %broadcast_in_dim3A_121 = vector.shape_cast %reduce_sum3A_120 : vector<128xf32> to vector<1x128xf32>
    %jit3A_122 = arith.constant 1.000000e+00 : f32
    %jit3A_123 = arith.constant 0.000000e+00 : f32
    %broadcast_in_dim3A_124 = vector.broadcast %jit3A_122 : f32 to vector<1280x128xf32>
    %broadcast_in_dim3A_125 = vector.broadcast %jit3A_123 : f32 to vector<1280x128xf32>
    %select_n3A_126 = arith.select %eq3A_115, %broadcast_in_dim3A_124, %broadcast_in_dim3A_125 : vector<1280x128xi1>, vector<1280x128xf32>
    %reduce_sum3A_127 = arith.constant dense<0.000000e+00> : vector<128xf32>
    %reduce_sum3A_128 = vector.multi_reduction <add>, %select_n3A_126, %reduce_sum3A_127 [0] : vector<1280x128xf32> to vector<128xf32>
    %broadcast_in_dim3A_129 = vector.shape_cast %reduce_sum3A_128 : vector<128xf32> to vector<1x128xf32>
    %slice3A_130 = vector.extract_strided_slice %broadcast_in_dim3A_121 {offsets = [0, 0], sizes = [1, 16], strides = [1, 1]} : vector<1x128xf32> to vector<1x16xf32>
    %slice3A_131 = vector.extract_strided_slice %broadcast_in_dim3A_129 {offsets = [0, 0], sizes = [1, 16], strides = [1, 1]} : vector<1x128xf32> to vector<1x16xf32>
    %slice3A_132 = vector.extract_strided_slice %broadcast_in_dim3A_121 {offsets = [0, 16], sizes = [1, 16], strides = [1, 1]} : vector<1x128xf32> to vector<1x16xf32>
    %add3A_133 = arith.addf %slice3A_130, %slice3A_132 : vector<1x16xf32>
    %slice3A_134 = vector.extract_strided_slice %broadcast_in_dim3A_129 {offsets = [0, 16], sizes = [1, 16], strides = [1, 1]} : vector<1x128xf32> to vector<1x16xf32>
    %add3A_135 = arith.addf %slice3A_131, %slice3A_134 : vector<1x16xf32>
    %slice3A_136 = vector.extract_strided_slice %broadcast_in_dim3A_121 {offsets = [0, 32], sizes = [1, 16], strides = [1, 1]} : vector<1x128xf32> to vector<1x16xf32>
    %add3A_137 = arith.addf %add3A_133, %slice3A_136 : vector<1x16xf32>
    %slice3A_138 = vector.extract_strided_slice %broadcast_in_dim3A_129 {offsets = [0, 32], sizes = [1, 16], strides = [1, 1]} : vector<1x128xf32> to vector<1x16xf32>
    %add3A_139 = arith.addf %add3A_135, %slice3A_138 : vector<1x16xf32>
    %slice3A_140 = vector.extract_strided_slice %broadcast_in_dim3A_121 {offsets = [0, 48], sizes = [1, 16], strides = [1, 1]} : vector<1x128xf32> to vector<1x16xf32>
    %add3A_141 = arith.addf %add3A_137, %slice3A_140 : vector<1x16xf32>
    %slice3A_142 = vector.extract_strided_slice %broadcast_in_dim3A_129 {offsets = [0, 48], sizes = [1, 16], strides = [1, 1]} : vector<1x128xf32> to vector<1x16xf32>
    %add3A_143 = arith.addf %add3A_139, %slice3A_142 : vector<1x16xf32>
    %slice3A_144 = vector.extract_strided_slice %broadcast_in_dim3A_121 {offsets = [0, 64], sizes = [1, 16], strides = [1, 1]} : vector<1x128xf32> to vector<1x16xf32>
    %add3A_145 = arith.addf %add3A_141, %slice3A_144 : vector<1x16xf32>
    %slice3A_146 = vector.extract_strided_slice %broadcast_in_dim3A_129 {offsets = [0, 64], sizes = [1, 16], strides = [1, 1]} : vector<1x128xf32> to vector<1x16xf32>
    %add3A_147 = arith.addf %add3A_143, %slice3A_146 : vector<1x16xf32>
    %slice3A_148 = vector.extract_strided_slice %broadcast_in_dim3A_121 {offsets = [0, 80], sizes = [1, 16], strides = [1, 1]} : vector<1x128xf32> to vector<1x16xf32>
    %add3A_149 = arith.addf %add3A_145, %slice3A_148 : vector<1x16xf32>
    %slice3A_150 = vector.extract_strided_slice %broadcast_in_dim3A_129 {offsets = [0, 80], sizes = [1, 16], strides = [1, 1]} : vector<1x128xf32> to vector<1x16xf32>
    %add3A_151 = arith.addf %add3A_147, %slice3A_150 : vector<1x16xf32>
    %slice3A_152 = vector.extract_strided_slice %broadcast_in_dim3A_121 {offsets = [0, 96], sizes = [1, 16], strides = [1, 1]} : vector<1x128xf32> to vector<1x16xf32>
    %add3A_153 = arith.addf %add3A_149, %slice3A_152 : vector<1x16xf32>
    %slice3A_154 = vector.extract_strided_slice %broadcast_in_dim3A_129 {offsets = [0, 96], sizes = [1, 16], strides = [1, 1]} : vector<1x128xf32> to vector<1x16xf32>
    %add3A_155 = arith.addf %add3A_151, %slice3A_154 : vector<1x16xf32>
    %slice3A_156 = vector.extract_strided_slice %broadcast_in_dim3A_121 {offsets = [0, 112], sizes = [1, 16], strides = [1, 1]} : vector<1x128xf32> to vector<1x16xf32>
    %add3A_157 = arith.addf %add3A_153, %slice3A_156 : vector<1x16xf32>
    %slice3A_158 = vector.extract_strided_slice %broadcast_in_dim3A_129 {offsets = [0, 112], sizes = [1, 16], strides = [1, 1]} : vector<1x128xf32> to vector<1x16xf32>
    %add3A_159 = arith.addf %add3A_155, %slice3A_158 : vector<1x16xf32>
    %max3A_160 = arith.constant 1.000000e+00 : f32
    %max3A_161 = vector.broadcast %max3A_160 : f32 to vector<1x16xf32>
    %max3A_162 = arith.maximumf %add3A_159, %max3A_161 : vector<1x16xf32>
    %div3A_163 = arith.divf %add3A_157, %max3A_162 : vector<1x16xf32>
    %eq3A_164 = arith.constant 3 : i32
    %eq3A_165 = vector.broadcast %eq3A_164 : i32 to vector<1280x128xi32>
    %eq3A_166 = arith.cmpi eq, %get3A_18, %eq3A_165 : vector<1280x128xi32>
    %jit3A_167 = arith.constant 0.000000e+00 : f32
    %broadcast_in_dim3A_168 = vector.broadcast %jit3A_167 : f32 to vector<1280x128xf32>
    %select_n3A_169 = arith.select %eq3A_166, %mul3A, %broadcast_in_dim3A_168 : vector<1280x128xi1>, vector<1280x128xf32>
    %reduce_sum3A_170 = arith.constant dense<0.000000e+00> : vector<128xf32>
    %reduce_sum3A_171 = vector.multi_reduction <add>, %select_n3A_169, %reduce_sum3A_170 [0] : vector<1280x128xf32> to vector<128xf32>
    %broadcast_in_dim3A_172 = vector.shape_cast %reduce_sum3A_171 : vector<128xf32> to vector<1x128xf32>
    %jit3A_173 = arith.constant 1.000000e+00 : f32
    %jit3A_174 = arith.constant 0.000000e+00 : f32
    %broadcast_in_dim3A_175 = vector.broadcast %jit3A_173 : f32 to vector<1280x128xf32>
    %broadcast_in_dim3A_176 = vector.broadcast %jit3A_174 : f32 to vector<1280x128xf32>
    %select_n3A_177 = arith.select %eq3A_166, %broadcast_in_dim3A_175, %broadcast_in_dim3A_176 : vector<1280x128xi1>, vector<1280x128xf32>
    %reduce_sum3A_178 = arith.constant dense<0.000000e+00> : vector<128xf32>
    %reduce_sum3A_179 = vector.multi_reduction <add>, %select_n3A_177, %reduce_sum3A_178 [0] : vector<1280x128xf32> to vector<128xf32>
    %broadcast_in_dim3A_180 = vector.shape_cast %reduce_sum3A_179 : vector<128xf32> to vector<1x128xf32>
    %slice3A_181 = vector.extract_strided_slice %broadcast_in_dim3A_172 {offsets = [0, 0], sizes = [1, 16], strides = [1, 1]} : vector<1x128xf32> to vector<1x16xf32>
    %slice3A_182 = vector.extract_strided_slice %broadcast_in_dim3A_180 {offsets = [0, 0], sizes = [1, 16], strides = [1, 1]} : vector<1x128xf32> to vector<1x16xf32>
    %slice3A_183 = vector.extract_strided_slice %broadcast_in_dim3A_172 {offsets = [0, 16], sizes = [1, 16], strides = [1, 1]} : vector<1x128xf32> to vector<1x16xf32>
    %add3A_184 = arith.addf %slice3A_181, %slice3A_183 : vector<1x16xf32>
    %slice3A_185 = vector.extract_strided_slice %broadcast_in_dim3A_180 {offsets = [0, 16], sizes = [1, 16], strides = [1, 1]} : vector<1x128xf32> to vector<1x16xf32>
    %add3A_186 = arith.addf %slice3A_182, %slice3A_185 : vector<1x16xf32>
    %slice3A_187 = vector.extract_strided_slice %broadcast_in_dim3A_172 {offsets = [0, 32], sizes = [1, 16], strides = [1, 1]} : vector<1x128xf32> to vector<1x16xf32>
    %add3A_188 = arith.addf %add3A_184, %slice3A_187 : vector<1x16xf32>
    %slice3A_189 = vector.extract_strided_slice %broadcast_in_dim3A_180 {offsets = [0, 32], sizes = [1, 16], strides = [1, 1]} : vector<1x128xf32> to vector<1x16xf32>
    %add3A_190 = arith.addf %add3A_186, %slice3A_189 : vector<1x16xf32>
    %slice3A_191 = vector.extract_strided_slice %broadcast_in_dim3A_172 {offsets = [0, 48], sizes = [1, 16], strides = [1, 1]} : vector<1x128xf32> to vector<1x16xf32>
    %add3A_192 = arith.addf %add3A_188, %slice3A_191 : vector<1x16xf32>
    %slice3A_193 = vector.extract_strided_slice %broadcast_in_dim3A_180 {offsets = [0, 48], sizes = [1, 16], strides = [1, 1]} : vector<1x128xf32> to vector<1x16xf32>
    %add3A_194 = arith.addf %add3A_190, %slice3A_193 : vector<1x16xf32>
    %slice3A_195 = vector.extract_strided_slice %broadcast_in_dim3A_172 {offsets = [0, 64], sizes = [1, 16], strides = [1, 1]} : vector<1x128xf32> to vector<1x16xf32>
    %add3A_196 = arith.addf %add3A_192, %slice3A_195 : vector<1x16xf32>
    %slice3A_197 = vector.extract_strided_slice %broadcast_in_dim3A_180 {offsets = [0, 64], sizes = [1, 16], strides = [1, 1]} : vector<1x128xf32> to vector<1x16xf32>
    %add3A_198 = arith.addf %add3A_194, %slice3A_197 : vector<1x16xf32>
    %slice3A_199 = vector.extract_strided_slice %broadcast_in_dim3A_172 {offsets = [0, 80], sizes = [1, 16], strides = [1, 1]} : vector<1x128xf32> to vector<1x16xf32>
    %add3A_200 = arith.addf %add3A_196, %slice3A_199 : vector<1x16xf32>
    %slice3A_201 = vector.extract_strided_slice %broadcast_in_dim3A_180 {offsets = [0, 80], sizes = [1, 16], strides = [1, 1]} : vector<1x128xf32> to vector<1x16xf32>
    %add3A_202 = arith.addf %add3A_198, %slice3A_201 : vector<1x16xf32>
    %slice3A_203 = vector.extract_strided_slice %broadcast_in_dim3A_172 {offsets = [0, 96], sizes = [1, 16], strides = [1, 1]} : vector<1x128xf32> to vector<1x16xf32>
    %add3A_204 = arith.addf %add3A_200, %slice3A_203 : vector<1x16xf32>
    %slice3A_205 = vector.extract_strided_slice %broadcast_in_dim3A_180 {offsets = [0, 96], sizes = [1, 16], strides = [1, 1]} : vector<1x128xf32> to vector<1x16xf32>
    %add3A_206 = arith.addf %add3A_202, %slice3A_205 : vector<1x16xf32>
    %slice3A_207 = vector.extract_strided_slice %broadcast_in_dim3A_172 {offsets = [0, 112], sizes = [1, 16], strides = [1, 1]} : vector<1x128xf32> to vector<1x16xf32>
    %add3A_208 = arith.addf %add3A_204, %slice3A_207 : vector<1x16xf32>
    %slice3A_209 = vector.extract_strided_slice %broadcast_in_dim3A_180 {offsets = [0, 112], sizes = [1, 16], strides = [1, 1]} : vector<1x128xf32> to vector<1x16xf32>
    %add3A_210 = arith.addf %add3A_206, %slice3A_209 : vector<1x16xf32>
    %max3A_211 = arith.constant 1.000000e+00 : f32
    %max3A_212 = vector.broadcast %max3A_211 : f32 to vector<1x16xf32>
    %max3A_213 = arith.maximumf %add3A_210, %max3A_212 : vector<1x16xf32>
    %div3A_214 = arith.divf %add3A_208, %max3A_213 : vector<1x16xf32>
    %eq3A_215 = arith.constant 4 : i32
    %eq3A_216 = vector.broadcast %eq3A_215 : i32 to vector<1280x128xi32>
    %eq3A_217 = arith.cmpi eq, %get3A_18, %eq3A_216 : vector<1280x128xi32>
    %jit3A_218 = arith.constant 0.000000e+00 : f32
    %broadcast_in_dim3A_219 = vector.broadcast %jit3A_218 : f32 to vector<1280x128xf32>
    %select_n3A_220 = arith.select %eq3A_217, %mul3A, %broadcast_in_dim3A_219 : vector<1280x128xi1>, vector<1280x128xf32>
    %reduce_sum3A_221 = arith.constant dense<0.000000e+00> : vector<128xf32>
    %reduce_sum3A_222 = vector.multi_reduction <add>, %select_n3A_220, %reduce_sum3A_221 [0] : vector<1280x128xf32> to vector<128xf32>
    %broadcast_in_dim3A_223 = vector.shape_cast %reduce_sum3A_222 : vector<128xf32> to vector<1x128xf32>
    %jit3A_224 = arith.constant 1.000000e+00 : f32
    %jit3A_225 = arith.constant 0.000000e+00 : f32
    %broadcast_in_dim3A_226 = vector.broadcast %jit3A_224 : f32 to vector<1280x128xf32>
    %broadcast_in_dim3A_227 = vector.broadcast %jit3A_225 : f32 to vector<1280x128xf32>
    %select_n3A_228 = arith.select %eq3A_217, %broadcast_in_dim3A_226, %broadcast_in_dim3A_227 : vector<1280x128xi1>, vector<1280x128xf32>
    %reduce_sum3A_229 = arith.constant dense<0.000000e+00> : vector<128xf32>
    %reduce_sum3A_230 = vector.multi_reduction <add>, %select_n3A_228, %reduce_sum3A_229 [0] : vector<1280x128xf32> to vector<128xf32>
    %broadcast_in_dim3A_231 = vector.shape_cast %reduce_sum3A_230 : vector<128xf32> to vector<1x128xf32>
    %slice3A_232 = vector.extract_strided_slice %broadcast_in_dim3A_223 {offsets = [0, 0], sizes = [1, 16], strides = [1, 1]} : vector<1x128xf32> to vector<1x16xf32>
    %slice3A_233 = vector.extract_strided_slice %broadcast_in_dim3A_231 {offsets = [0, 0], sizes = [1, 16], strides = [1, 1]} : vector<1x128xf32> to vector<1x16xf32>
    %slice3A_234 = vector.extract_strided_slice %broadcast_in_dim3A_223 {offsets = [0, 16], sizes = [1, 16], strides = [1, 1]} : vector<1x128xf32> to vector<1x16xf32>
    %add3A_235 = arith.addf %slice3A_232, %slice3A_234 : vector<1x16xf32>
    %slice3A_236 = vector.extract_strided_slice %broadcast_in_dim3A_231 {offsets = [0, 16], sizes = [1, 16], strides = [1, 1]} : vector<1x128xf32> to vector<1x16xf32>
    %add3A_237 = arith.addf %slice3A_233, %slice3A_236 : vector<1x16xf32>
    %slice3A_238 = vector.extract_strided_slice %broadcast_in_dim3A_223 {offsets = [0, 32], sizes = [1, 16], strides = [1, 1]} : vector<1x128xf32> to vector<1x16xf32>
    %add3A_239 = arith.addf %add3A_235, %slice3A_238 : vector<1x16xf32>
    %slice3A_240 = vector.extract_strided_slice %broadcast_in_dim3A_231 {offsets = [0, 32], sizes = [1, 16], strides = [1, 1]} : vector<1x128xf32> to vector<1x16xf32>
    %add3A_241 = arith.addf %add3A_237, %slice3A_240 : vector<1x16xf32>
    %slice3A_242 = vector.extract_strided_slice %broadcast_in_dim3A_223 {offsets = [0, 48], sizes = [1, 16], strides = [1, 1]} : vector<1x128xf32> to vector<1x16xf32>
    %add3A_243 = arith.addf %add3A_239, %slice3A_242 : vector<1x16xf32>
    %slice3A_244 = vector.extract_strided_slice %broadcast_in_dim3A_231 {offsets = [0, 48], sizes = [1, 16], strides = [1, 1]} : vector<1x128xf32> to vector<1x16xf32>
    %add3A_245 = arith.addf %add3A_241, %slice3A_244 : vector<1x16xf32>
    %slice3A_246 = vector.extract_strided_slice %broadcast_in_dim3A_223 {offsets = [0, 64], sizes = [1, 16], strides = [1, 1]} : vector<1x128xf32> to vector<1x16xf32>
    %add3A_247 = arith.addf %add3A_243, %slice3A_246 : vector<1x16xf32>
    %slice3A_248 = vector.extract_strided_slice %broadcast_in_dim3A_231 {offsets = [0, 64], sizes = [1, 16], strides = [1, 1]} : vector<1x128xf32> to vector<1x16xf32>
    %add3A_249 = arith.addf %add3A_245, %slice3A_248 : vector<1x16xf32>
    %slice3A_250 = vector.extract_strided_slice %broadcast_in_dim3A_223 {offsets = [0, 80], sizes = [1, 16], strides = [1, 1]} : vector<1x128xf32> to vector<1x16xf32>
    %add3A_251 = arith.addf %add3A_247, %slice3A_250 : vector<1x16xf32>
    %slice3A_252 = vector.extract_strided_slice %broadcast_in_dim3A_231 {offsets = [0, 80], sizes = [1, 16], strides = [1, 1]} : vector<1x128xf32> to vector<1x16xf32>
    %add3A_253 = arith.addf %add3A_249, %slice3A_252 : vector<1x16xf32>
    %slice3A_254 = vector.extract_strided_slice %broadcast_in_dim3A_223 {offsets = [0, 96], sizes = [1, 16], strides = [1, 1]} : vector<1x128xf32> to vector<1x16xf32>
    %add3A_255 = arith.addf %add3A_251, %slice3A_254 : vector<1x16xf32>
    %slice3A_256 = vector.extract_strided_slice %broadcast_in_dim3A_231 {offsets = [0, 96], sizes = [1, 16], strides = [1, 1]} : vector<1x128xf32> to vector<1x16xf32>
    %add3A_257 = arith.addf %add3A_253, %slice3A_256 : vector<1x16xf32>
    %slice3A_258 = vector.extract_strided_slice %broadcast_in_dim3A_223 {offsets = [0, 112], sizes = [1, 16], strides = [1, 1]} : vector<1x128xf32> to vector<1x16xf32>
    %add3A_259 = arith.addf %add3A_255, %slice3A_258 : vector<1x16xf32>
    %slice3A_260 = vector.extract_strided_slice %broadcast_in_dim3A_231 {offsets = [0, 112], sizes = [1, 16], strides = [1, 1]} : vector<1x128xf32> to vector<1x16xf32>
    %add3A_261 = arith.addf %add3A_257, %slice3A_260 : vector<1x16xf32>
    %max3A_262 = arith.constant 1.000000e+00 : f32
    %max3A_263 = vector.broadcast %max3A_262 : f32 to vector<1x16xf32>
    %max3A_264 = arith.maximumf %add3A_261, %max3A_263 : vector<1x16xf32>
    %div3A_265 = arith.divf %add3A_259, %max3A_264 : vector<1x16xf32>
    %eq3A_266 = arith.constant 5 : i32
    %eq3A_267 = vector.broadcast %eq3A_266 : i32 to vector<1280x128xi32>
    %eq3A_268 = arith.cmpi eq, %get3A_18, %eq3A_267 : vector<1280x128xi32>
    %jit3A_269 = arith.constant 0.000000e+00 : f32
    %broadcast_in_dim3A_270 = vector.broadcast %jit3A_269 : f32 to vector<1280x128xf32>
    %select_n3A_271 = arith.select %eq3A_268, %mul3A, %broadcast_in_dim3A_270 : vector<1280x128xi1>, vector<1280x128xf32>
    %reduce_sum3A_272 = arith.constant dense<0.000000e+00> : vector<128xf32>
    %reduce_sum3A_273 = vector.multi_reduction <add>, %select_n3A_271, %reduce_sum3A_272 [0] : vector<1280x128xf32> to vector<128xf32>
    %broadcast_in_dim3A_274 = vector.shape_cast %reduce_sum3A_273 : vector<128xf32> to vector<1x128xf32>
    %jit3A_275 = arith.constant 1.000000e+00 : f32
    %jit3A_276 = arith.constant 0.000000e+00 : f32
    %broadcast_in_dim3A_277 = vector.broadcast %jit3A_275 : f32 to vector<1280x128xf32>
    %broadcast_in_dim3A_278 = vector.broadcast %jit3A_276 : f32 to vector<1280x128xf32>
    %select_n3A_279 = arith.select %eq3A_268, %broadcast_in_dim3A_277, %broadcast_in_dim3A_278 : vector<1280x128xi1>, vector<1280x128xf32>
    %reduce_sum3A_280 = arith.constant dense<0.000000e+00> : vector<128xf32>
    %reduce_sum3A_281 = vector.multi_reduction <add>, %select_n3A_279, %reduce_sum3A_280 [0] : vector<1280x128xf32> to vector<128xf32>
    %broadcast_in_dim3A_282 = vector.shape_cast %reduce_sum3A_281 : vector<128xf32> to vector<1x128xf32>
    %slice3A_283 = vector.extract_strided_slice %broadcast_in_dim3A_274 {offsets = [0, 0], sizes = [1, 16], strides = [1, 1]} : vector<1x128xf32> to vector<1x16xf32>
    %slice3A_284 = vector.extract_strided_slice %broadcast_in_dim3A_282 {offsets = [0, 0], sizes = [1, 16], strides = [1, 1]} : vector<1x128xf32> to vector<1x16xf32>
    %slice3A_285 = vector.extract_strided_slice %broadcast_in_dim3A_274 {offsets = [0, 16], sizes = [1, 16], strides = [1, 1]} : vector<1x128xf32> to vector<1x16xf32>
    %add3A_286 = arith.addf %slice3A_283, %slice3A_285 : vector<1x16xf32>
    %slice3A_287 = vector.extract_strided_slice %broadcast_in_dim3A_282 {offsets = [0, 16], sizes = [1, 16], strides = [1, 1]} : vector<1x128xf32> to vector<1x16xf32>
    %add3A_288 = arith.addf %slice3A_284, %slice3A_287 : vector<1x16xf32>
    %slice3A_289 = vector.extract_strided_slice %broadcast_in_dim3A_274 {offsets = [0, 32], sizes = [1, 16], strides = [1, 1]} : vector<1x128xf32> to vector<1x16xf32>
    %add3A_290 = arith.addf %add3A_286, %slice3A_289 : vector<1x16xf32>
    %slice3A_291 = vector.extract_strided_slice %broadcast_in_dim3A_282 {offsets = [0, 32], sizes = [1, 16], strides = [1, 1]} : vector<1x128xf32> to vector<1x16xf32>
    %add3A_292 = arith.addf %add3A_288, %slice3A_291 : vector<1x16xf32>
    %slice3A_293 = vector.extract_strided_slice %broadcast_in_dim3A_274 {offsets = [0, 48], sizes = [1, 16], strides = [1, 1]} : vector<1x128xf32> to vector<1x16xf32>
    %add3A_294 = arith.addf %add3A_290, %slice3A_293 : vector<1x16xf32>
    %slice3A_295 = vector.extract_strided_slice %broadcast_in_dim3A_282 {offsets = [0, 48], sizes = [1, 16], strides = [1, 1]} : vector<1x128xf32> to vector<1x16xf32>
    %add3A_296 = arith.addf %add3A_292, %slice3A_295 : vector<1x16xf32>
    %slice3A_297 = vector.extract_strided_slice %broadcast_in_dim3A_274 {offsets = [0, 64], sizes = [1, 16], strides = [1, 1]} : vector<1x128xf32> to vector<1x16xf32>
    %add3A_298 = arith.addf %add3A_294, %slice3A_297 : vector<1x16xf32>
    %slice3A_299 = vector.extract_strided_slice %broadcast_in_dim3A_282 {offsets = [0, 64], sizes = [1, 16], strides = [1, 1]} : vector<1x128xf32> to vector<1x16xf32>
    %add3A_300 = arith.addf %add3A_296, %slice3A_299 : vector<1x16xf32>
    %slice3A_301 = vector.extract_strided_slice %broadcast_in_dim3A_274 {offsets = [0, 80], sizes = [1, 16], strides = [1, 1]} : vector<1x128xf32> to vector<1x16xf32>
    %add3A_302 = arith.addf %add3A_298, %slice3A_301 : vector<1x16xf32>
    %slice3A_303 = vector.extract_strided_slice %broadcast_in_dim3A_282 {offsets = [0, 80], sizes = [1, 16], strides = [1, 1]} : vector<1x128xf32> to vector<1x16xf32>
    %add3A_304 = arith.addf %add3A_300, %slice3A_303 : vector<1x16xf32>
    %slice3A_305 = vector.extract_strided_slice %broadcast_in_dim3A_274 {offsets = [0, 96], sizes = [1, 16], strides = [1, 1]} : vector<1x128xf32> to vector<1x16xf32>
    %add3A_306 = arith.addf %add3A_302, %slice3A_305 : vector<1x16xf32>
    %slice3A_307 = vector.extract_strided_slice %broadcast_in_dim3A_282 {offsets = [0, 96], sizes = [1, 16], strides = [1, 1]} : vector<1x128xf32> to vector<1x16xf32>
    %add3A_308 = arith.addf %add3A_304, %slice3A_307 : vector<1x16xf32>
    %slice3A_309 = vector.extract_strided_slice %broadcast_in_dim3A_274 {offsets = [0, 112], sizes = [1, 16], strides = [1, 1]} : vector<1x128xf32> to vector<1x16xf32>
    %add3A_310 = arith.addf %add3A_306, %slice3A_309 : vector<1x16xf32>
    %slice3A_311 = vector.extract_strided_slice %broadcast_in_dim3A_282 {offsets = [0, 112], sizes = [1, 16], strides = [1, 1]} : vector<1x128xf32> to vector<1x16xf32>
    %add3A_312 = arith.addf %add3A_308, %slice3A_311 : vector<1x16xf32>
    %max3A_313 = arith.constant 1.000000e+00 : f32
    %max3A_314 = vector.broadcast %max3A_313 : f32 to vector<1x16xf32>
    %max3A_315 = arith.maximumf %add3A_312, %max3A_314 : vector<1x16xf32>
    %div3A_316 = arith.divf %add3A_310, %max3A_315 : vector<1x16xf32>
    %eq3A_317 = arith.constant 6 : i32
    %eq3A_318 = vector.broadcast %eq3A_317 : i32 to vector<1280x128xi32>
    %eq3A_319 = arith.cmpi eq, %get3A_18, %eq3A_318 : vector<1280x128xi32>
    %jit3A_320 = arith.constant 0.000000e+00 : f32
    %broadcast_in_dim3A_321 = vector.broadcast %jit3A_320 : f32 to vector<1280x128xf32>
    %select_n3A_322 = arith.select %eq3A_319, %mul3A, %broadcast_in_dim3A_321 : vector<1280x128xi1>, vector<1280x128xf32>
    %reduce_sum3A_323 = arith.constant dense<0.000000e+00> : vector<128xf32>
    %reduce_sum3A_324 = vector.multi_reduction <add>, %select_n3A_322, %reduce_sum3A_323 [0] : vector<1280x128xf32> to vector<128xf32>
    %broadcast_in_dim3A_325 = vector.shape_cast %reduce_sum3A_324 : vector<128xf32> to vector<1x128xf32>
    %jit3A_326 = arith.constant 1.000000e+00 : f32
    %jit3A_327 = arith.constant 0.000000e+00 : f32
    %broadcast_in_dim3A_328 = vector.broadcast %jit3A_326 : f32 to vector<1280x128xf32>
    %broadcast_in_dim3A_329 = vector.broadcast %jit3A_327 : f32 to vector<1280x128xf32>
    %select_n3A_330 = arith.select %eq3A_319, %broadcast_in_dim3A_328, %broadcast_in_dim3A_329 : vector<1280x128xi1>, vector<1280x128xf32>
    %reduce_sum3A_331 = arith.constant dense<0.000000e+00> : vector<128xf32>
    %reduce_sum3A_332 = vector.multi_reduction <add>, %select_n3A_330, %reduce_sum3A_331 [0] : vector<1280x128xf32> to vector<128xf32>
    %broadcast_in_dim3A_333 = vector.shape_cast %reduce_sum3A_332 : vector<128xf32> to vector<1x128xf32>
    %slice3A_334 = vector.extract_strided_slice %broadcast_in_dim3A_325 {offsets = [0, 0], sizes = [1, 16], strides = [1, 1]} : vector<1x128xf32> to vector<1x16xf32>
    %slice3A_335 = vector.extract_strided_slice %broadcast_in_dim3A_333 {offsets = [0, 0], sizes = [1, 16], strides = [1, 1]} : vector<1x128xf32> to vector<1x16xf32>
    %slice3A_336 = vector.extract_strided_slice %broadcast_in_dim3A_325 {offsets = [0, 16], sizes = [1, 16], strides = [1, 1]} : vector<1x128xf32> to vector<1x16xf32>
    %add3A_337 = arith.addf %slice3A_334, %slice3A_336 : vector<1x16xf32>
    %slice3A_338 = vector.extract_strided_slice %broadcast_in_dim3A_333 {offsets = [0, 16], sizes = [1, 16], strides = [1, 1]} : vector<1x128xf32> to vector<1x16xf32>
    %add3A_339 = arith.addf %slice3A_335, %slice3A_338 : vector<1x16xf32>
    %slice3A_340 = vector.extract_strided_slice %broadcast_in_dim3A_325 {offsets = [0, 32], sizes = [1, 16], strides = [1, 1]} : vector<1x128xf32> to vector<1x16xf32>
    %add3A_341 = arith.addf %add3A_337, %slice3A_340 : vector<1x16xf32>
    %slice3A_342 = vector.extract_strided_slice %broadcast_in_dim3A_333 {offsets = [0, 32], sizes = [1, 16], strides = [1, 1]} : vector<1x128xf32> to vector<1x16xf32>
    %add3A_343 = arith.addf %add3A_339, %slice3A_342 : vector<1x16xf32>
    %slice3A_344 = vector.extract_strided_slice %broadcast_in_dim3A_325 {offsets = [0, 48], sizes = [1, 16], strides = [1, 1]} : vector<1x128xf32> to vector<1x16xf32>
    %add3A_345 = arith.addf %add3A_341, %slice3A_344 : vector<1x16xf32>
    %slice3A_346 = vector.extract_strided_slice %broadcast_in_dim3A_333 {offsets = [0, 48], sizes = [1, 16], strides = [1, 1]} : vector<1x128xf32> to vector<1x16xf32>
    %add3A_347 = arith.addf %add3A_343, %slice3A_346 : vector<1x16xf32>
    %slice3A_348 = vector.extract_strided_slice %broadcast_in_dim3A_325 {offsets = [0, 64], sizes = [1, 16], strides = [1, 1]} : vector<1x128xf32> to vector<1x16xf32>
    %add3A_349 = arith.addf %add3A_345, %slice3A_348 : vector<1x16xf32>
    %slice3A_350 = vector.extract_strided_slice %broadcast_in_dim3A_333 {offsets = [0, 64], sizes = [1, 16], strides = [1, 1]} : vector<1x128xf32> to vector<1x16xf32>
    %add3A_351 = arith.addf %add3A_347, %slice3A_350 : vector<1x16xf32>
    %slice3A_352 = vector.extract_strided_slice %broadcast_in_dim3A_325 {offsets = [0, 80], sizes = [1, 16], strides = [1, 1]} : vector<1x128xf32> to vector<1x16xf32>
    %add3A_353 = arith.addf %add3A_349, %slice3A_352 : vector<1x16xf32>
    %slice3A_354 = vector.extract_strided_slice %broadcast_in_dim3A_333 {offsets = [0, 80], sizes = [1, 16], strides = [1, 1]} : vector<1x128xf32> to vector<1x16xf32>
    %add3A_355 = arith.addf %add3A_351, %slice3A_354 : vector<1x16xf32>
    %slice3A_356 = vector.extract_strided_slice %broadcast_in_dim3A_325 {offsets = [0, 96], sizes = [1, 16], strides = [1, 1]} : vector<1x128xf32> to vector<1x16xf32>
    %add3A_357 = arith.addf %add3A_353, %slice3A_356 : vector<1x16xf32>
    %slice3A_358 = vector.extract_strided_slice %broadcast_in_dim3A_333 {offsets = [0, 96], sizes = [1, 16], strides = [1, 1]} : vector<1x128xf32> to vector<1x16xf32>
    %add3A_359 = arith.addf %add3A_355, %slice3A_358 : vector<1x16xf32>
    %slice3A_360 = vector.extract_strided_slice %broadcast_in_dim3A_325 {offsets = [0, 112], sizes = [1, 16], strides = [1, 1]} : vector<1x128xf32> to vector<1x16xf32>
    %add3A_361 = arith.addf %add3A_357, %slice3A_360 : vector<1x16xf32>
    %slice3A_362 = vector.extract_strided_slice %broadcast_in_dim3A_333 {offsets = [0, 112], sizes = [1, 16], strides = [1, 1]} : vector<1x128xf32> to vector<1x16xf32>
    %add3A_363 = arith.addf %add3A_359, %slice3A_362 : vector<1x16xf32>
    %max3A_364 = arith.constant 1.000000e+00 : f32
    %max3A_365 = vector.broadcast %max3A_364 : f32 to vector<1x16xf32>
    %max3A_366 = arith.maximumf %add3A_363, %max3A_365 : vector<1x16xf32>
    %div3A_367 = arith.divf %add3A_361, %max3A_366 : vector<1x16xf32>
    %eq3A_368 = arith.constant 7 : i32
    %eq3A_369 = vector.broadcast %eq3A_368 : i32 to vector<1280x128xi32>
    %eq3A_370 = arith.cmpi eq, %get3A_18, %eq3A_369 : vector<1280x128xi32>
    %jit3A_371 = arith.constant 0.000000e+00 : f32
    %broadcast_in_dim3A_372 = vector.broadcast %jit3A_371 : f32 to vector<1280x128xf32>
    %select_n3A_373 = arith.select %eq3A_370, %mul3A, %broadcast_in_dim3A_372 : vector<1280x128xi1>, vector<1280x128xf32>
    %reduce_sum3A_374 = arith.constant dense<0.000000e+00> : vector<128xf32>
    %reduce_sum3A_375 = vector.multi_reduction <add>, %select_n3A_373, %reduce_sum3A_374 [0] : vector<1280x128xf32> to vector<128xf32>
    %broadcast_in_dim3A_376 = vector.shape_cast %reduce_sum3A_375 : vector<128xf32> to vector<1x128xf32>
    %jit3A_377 = arith.constant 1.000000e+00 : f32
    %jit3A_378 = arith.constant 0.000000e+00 : f32
    %broadcast_in_dim3A_379 = vector.broadcast %jit3A_377 : f32 to vector<1280x128xf32>
    %broadcast_in_dim3A_380 = vector.broadcast %jit3A_378 : f32 to vector<1280x128xf32>
    %select_n3A_381 = arith.select %eq3A_370, %broadcast_in_dim3A_379, %broadcast_in_dim3A_380 : vector<1280x128xi1>, vector<1280x128xf32>
    %reduce_sum3A_382 = arith.constant dense<0.000000e+00> : vector<128xf32>
    %reduce_sum3A_383 = vector.multi_reduction <add>, %select_n3A_381, %reduce_sum3A_382 [0] : vector<1280x128xf32> to vector<128xf32>
    %broadcast_in_dim3A_384 = vector.shape_cast %reduce_sum3A_383 : vector<128xf32> to vector<1x128xf32>
    %slice3A_385 = vector.extract_strided_slice %broadcast_in_dim3A_376 {offsets = [0, 0], sizes = [1, 16], strides = [1, 1]} : vector<1x128xf32> to vector<1x16xf32>
    %slice3A_386 = vector.extract_strided_slice %broadcast_in_dim3A_384 {offsets = [0, 0], sizes = [1, 16], strides = [1, 1]} : vector<1x128xf32> to vector<1x16xf32>
    %slice3A_387 = vector.extract_strided_slice %broadcast_in_dim3A_376 {offsets = [0, 16], sizes = [1, 16], strides = [1, 1]} : vector<1x128xf32> to vector<1x16xf32>
    %add3A_388 = arith.addf %slice3A_385, %slice3A_387 : vector<1x16xf32>
    %slice3A_389 = vector.extract_strided_slice %broadcast_in_dim3A_384 {offsets = [0, 16], sizes = [1, 16], strides = [1, 1]} : vector<1x128xf32> to vector<1x16xf32>
    %add3A_390 = arith.addf %slice3A_386, %slice3A_389 : vector<1x16xf32>
    %slice3A_391 = vector.extract_strided_slice %broadcast_in_dim3A_376 {offsets = [0, 32], sizes = [1, 16], strides = [1, 1]} : vector<1x128xf32> to vector<1x16xf32>
    %add3A_392 = arith.addf %add3A_388, %slice3A_391 : vector<1x16xf32>
    %slice3A_393 = vector.extract_strided_slice %broadcast_in_dim3A_384 {offsets = [0, 32], sizes = [1, 16], strides = [1, 1]} : vector<1x128xf32> to vector<1x16xf32>
    %add3A_394 = arith.addf %add3A_390, %slice3A_393 : vector<1x16xf32>
    %slice3A_395 = vector.extract_strided_slice %broadcast_in_dim3A_376 {offsets = [0, 48], sizes = [1, 16], strides = [1, 1]} : vector<1x128xf32> to vector<1x16xf32>
    %add3A_396 = arith.addf %add3A_392, %slice3A_395 : vector<1x16xf32>
    %slice3A_397 = vector.extract_strided_slice %broadcast_in_dim3A_384 {offsets = [0, 48], sizes = [1, 16], strides = [1, 1]} : vector<1x128xf32> to vector<1x16xf32>
    %add3A_398 = arith.addf %add3A_394, %slice3A_397 : vector<1x16xf32>
    %slice3A_399 = vector.extract_strided_slice %broadcast_in_dim3A_376 {offsets = [0, 64], sizes = [1, 16], strides = [1, 1]} : vector<1x128xf32> to vector<1x16xf32>
    %add3A_400 = arith.addf %add3A_396, %slice3A_399 : vector<1x16xf32>
    %slice3A_401 = vector.extract_strided_slice %broadcast_in_dim3A_384 {offsets = [0, 64], sizes = [1, 16], strides = [1, 1]} : vector<1x128xf32> to vector<1x16xf32>
    %add3A_402 = arith.addf %add3A_398, %slice3A_401 : vector<1x16xf32>
    %slice3A_403 = vector.extract_strided_slice %broadcast_in_dim3A_376 {offsets = [0, 80], sizes = [1, 16], strides = [1, 1]} : vector<1x128xf32> to vector<1x16xf32>
    %add3A_404 = arith.addf %add3A_400, %slice3A_403 : vector<1x16xf32>
    %slice3A_405 = vector.extract_strided_slice %broadcast_in_dim3A_384 {offsets = [0, 80], sizes = [1, 16], strides = [1, 1]} : vector<1x128xf32> to vector<1x16xf32>
    %add3A_406 = arith.addf %add3A_402, %slice3A_405 : vector<1x16xf32>
    %slice3A_407 = vector.extract_strided_slice %broadcast_in_dim3A_376 {offsets = [0, 96], sizes = [1, 16], strides = [1, 1]} : vector<1x128xf32> to vector<1x16xf32>
    %add3A_408 = arith.addf %add3A_404, %slice3A_407 : vector<1x16xf32>
    %slice3A_409 = vector.extract_strided_slice %broadcast_in_dim3A_384 {offsets = [0, 96], sizes = [1, 16], strides = [1, 1]} : vector<1x128xf32> to vector<1x16xf32>
    %add3A_410 = arith.addf %add3A_406, %slice3A_409 : vector<1x16xf32>
    %slice3A_411 = vector.extract_strided_slice %broadcast_in_dim3A_376 {offsets = [0, 112], sizes = [1, 16], strides = [1, 1]} : vector<1x128xf32> to vector<1x16xf32>
    %add3A_412 = arith.addf %add3A_408, %slice3A_411 : vector<1x16xf32>
    %slice3A_413 = vector.extract_strided_slice %broadcast_in_dim3A_384 {offsets = [0, 112], sizes = [1, 16], strides = [1, 1]} : vector<1x128xf32> to vector<1x16xf32>
    %add3A_414 = arith.addf %add3A_410, %slice3A_413 : vector<1x16xf32>
    %max3A_415 = arith.constant 1.000000e+00 : f32
    %max3A_416 = vector.broadcast %max3A_415 : f32 to vector<1x16xf32>
    %max3A_417 = arith.maximumf %add3A_414, %max3A_416 : vector<1x16xf32>
    %div3A_418 = arith.divf %add3A_412, %max3A_417 : vector<1x16xf32>
    %eq3A_419 = arith.constant 8 : i32
    %eq3A_420 = vector.broadcast %eq3A_419 : i32 to vector<1280x128xi32>
    %eq3A_421 = arith.cmpi eq, %get3A_18, %eq3A_420 : vector<1280x128xi32>
    %jit3A_422 = arith.constant 0.000000e+00 : f32
    %broadcast_in_dim3A_423 = vector.broadcast %jit3A_422 : f32 to vector<1280x128xf32>
    %select_n3A_424 = arith.select %eq3A_421, %mul3A, %broadcast_in_dim3A_423 : vector<1280x128xi1>, vector<1280x128xf32>
    %reduce_sum3A_425 = arith.constant dense<0.000000e+00> : vector<128xf32>
    %reduce_sum3A_426 = vector.multi_reduction <add>, %select_n3A_424, %reduce_sum3A_425 [0] : vector<1280x128xf32> to vector<128xf32>
    %broadcast_in_dim3A_427 = vector.shape_cast %reduce_sum3A_426 : vector<128xf32> to vector<1x128xf32>
    %jit3A_428 = arith.constant 1.000000e+00 : f32
    %jit3A_429 = arith.constant 0.000000e+00 : f32
    %broadcast_in_dim3A_430 = vector.broadcast %jit3A_428 : f32 to vector<1280x128xf32>
    %broadcast_in_dim3A_431 = vector.broadcast %jit3A_429 : f32 to vector<1280x128xf32>
    %select_n3A_432 = arith.select %eq3A_421, %broadcast_in_dim3A_430, %broadcast_in_dim3A_431 : vector<1280x128xi1>, vector<1280x128xf32>
    %reduce_sum3A_433 = arith.constant dense<0.000000e+00> : vector<128xf32>
    %reduce_sum3A_434 = vector.multi_reduction <add>, %select_n3A_432, %reduce_sum3A_433 [0] : vector<1280x128xf32> to vector<128xf32>
    %broadcast_in_dim3A_435 = vector.shape_cast %reduce_sum3A_434 : vector<128xf32> to vector<1x128xf32>
    %slice3A_436 = vector.extract_strided_slice %broadcast_in_dim3A_427 {offsets = [0, 0], sizes = [1, 16], strides = [1, 1]} : vector<1x128xf32> to vector<1x16xf32>
    %slice3A_437 = vector.extract_strided_slice %broadcast_in_dim3A_435 {offsets = [0, 0], sizes = [1, 16], strides = [1, 1]} : vector<1x128xf32> to vector<1x16xf32>
    %slice3A_438 = vector.extract_strided_slice %broadcast_in_dim3A_427 {offsets = [0, 16], sizes = [1, 16], strides = [1, 1]} : vector<1x128xf32> to vector<1x16xf32>
    %add3A_439 = arith.addf %slice3A_436, %slice3A_438 : vector<1x16xf32>
    %slice3A_440 = vector.extract_strided_slice %broadcast_in_dim3A_435 {offsets = [0, 16], sizes = [1, 16], strides = [1, 1]} : vector<1x128xf32> to vector<1x16xf32>
    %add3A_441 = arith.addf %slice3A_437, %slice3A_440 : vector<1x16xf32>
    %slice3A_442 = vector.extract_strided_slice %broadcast_in_dim3A_427 {offsets = [0, 32], sizes = [1, 16], strides = [1, 1]} : vector<1x128xf32> to vector<1x16xf32>
    %add3A_443 = arith.addf %add3A_439, %slice3A_442 : vector<1x16xf32>
    %slice3A_444 = vector.extract_strided_slice %broadcast_in_dim3A_435 {offsets = [0, 32], sizes = [1, 16], strides = [1, 1]} : vector<1x128xf32> to vector<1x16xf32>
    %add3A_445 = arith.addf %add3A_441, %slice3A_444 : vector<1x16xf32>
    %slice3A_446 = vector.extract_strided_slice %broadcast_in_dim3A_427 {offsets = [0, 48], sizes = [1, 16], strides = [1, 1]} : vector<1x128xf32> to vector<1x16xf32>
    %add3A_447 = arith.addf %add3A_443, %slice3A_446 : vector<1x16xf32>
    %slice3A_448 = vector.extract_strided_slice %broadcast_in_dim3A_435 {offsets = [0, 48], sizes = [1, 16], strides = [1, 1]} : vector<1x128xf32> to vector<1x16xf32>
    %add3A_449 = arith.addf %add3A_445, %slice3A_448 : vector<1x16xf32>
    %slice3A_450 = vector.extract_strided_slice %broadcast_in_dim3A_427 {offsets = [0, 64], sizes = [1, 16], strides = [1, 1]} : vector<1x128xf32> to vector<1x16xf32>
    %add3A_451 = arith.addf %add3A_447, %slice3A_450 : vector<1x16xf32>
    %slice3A_452 = vector.extract_strided_slice %broadcast_in_dim3A_435 {offsets = [0, 64], sizes = [1, 16], strides = [1, 1]} : vector<1x128xf32> to vector<1x16xf32>
    %add3A_453 = arith.addf %add3A_449, %slice3A_452 : vector<1x16xf32>
    %slice3A_454 = vector.extract_strided_slice %broadcast_in_dim3A_427 {offsets = [0, 80], sizes = [1, 16], strides = [1, 1]} : vector<1x128xf32> to vector<1x16xf32>
    %add3A_455 = arith.addf %add3A_451, %slice3A_454 : vector<1x16xf32>
    %slice3A_456 = vector.extract_strided_slice %broadcast_in_dim3A_435 {offsets = [0, 80], sizes = [1, 16], strides = [1, 1]} : vector<1x128xf32> to vector<1x16xf32>
    %add3A_457 = arith.addf %add3A_453, %slice3A_456 : vector<1x16xf32>
    %slice3A_458 = vector.extract_strided_slice %broadcast_in_dim3A_427 {offsets = [0, 96], sizes = [1, 16], strides = [1, 1]} : vector<1x128xf32> to vector<1x16xf32>
    %add3A_459 = arith.addf %add3A_455, %slice3A_458 : vector<1x16xf32>
    %slice3A_460 = vector.extract_strided_slice %broadcast_in_dim3A_435 {offsets = [0, 96], sizes = [1, 16], strides = [1, 1]} : vector<1x128xf32> to vector<1x16xf32>
    %add3A_461 = arith.addf %add3A_457, %slice3A_460 : vector<1x16xf32>
    %slice3A_462 = vector.extract_strided_slice %broadcast_in_dim3A_427 {offsets = [0, 112], sizes = [1, 16], strides = [1, 1]} : vector<1x128xf32> to vector<1x16xf32>
    %add3A_463 = arith.addf %add3A_459, %slice3A_462 : vector<1x16xf32>
    %slice3A_464 = vector.extract_strided_slice %broadcast_in_dim3A_435 {offsets = [0, 112], sizes = [1, 16], strides = [1, 1]} : vector<1x128xf32> to vector<1x16xf32>
    %add3A_465 = arith.addf %add3A_461, %slice3A_464 : vector<1x16xf32>
    %max3A_466 = arith.constant 1.000000e+00 : f32
    %max3A_467 = vector.broadcast %max3A_466 : f32 to vector<1x16xf32>
    %max3A_468 = arith.maximumf %add3A_465, %max3A_467 : vector<1x16xf32>
    %div3A_469 = arith.divf %add3A_463, %max3A_468 : vector<1x16xf32>
    %eq3A_470 = arith.constant 9 : i32
    %eq3A_471 = vector.broadcast %eq3A_470 : i32 to vector<1280x128xi32>
    %eq3A_472 = arith.cmpi eq, %get3A_18, %eq3A_471 : vector<1280x128xi32>
    %jit3A_473 = arith.constant 0.000000e+00 : f32
    %broadcast_in_dim3A_474 = vector.broadcast %jit3A_473 : f32 to vector<1280x128xf32>
    %select_n3A_475 = arith.select %eq3A_472, %mul3A, %broadcast_in_dim3A_474 : vector<1280x128xi1>, vector<1280x128xf32>
    %reduce_sum3A_476 = arith.constant dense<0.000000e+00> : vector<128xf32>
    %reduce_sum3A_477 = vector.multi_reduction <add>, %select_n3A_475, %reduce_sum3A_476 [0] : vector<1280x128xf32> to vector<128xf32>
    %broadcast_in_dim3A_478 = vector.shape_cast %reduce_sum3A_477 : vector<128xf32> to vector<1x128xf32>
    %jit3A_479 = arith.constant 1.000000e+00 : f32
    %jit3A_480 = arith.constant 0.000000e+00 : f32
    %broadcast_in_dim3A_481 = vector.broadcast %jit3A_479 : f32 to vector<1280x128xf32>
    %broadcast_in_dim3A_482 = vector.broadcast %jit3A_480 : f32 to vector<1280x128xf32>
    %select_n3A_483 = arith.select %eq3A_472, %broadcast_in_dim3A_481, %broadcast_in_dim3A_482 : vector<1280x128xi1>, vector<1280x128xf32>
    %reduce_sum3A_484 = arith.constant dense<0.000000e+00> : vector<128xf32>
    %reduce_sum3A_485 = vector.multi_reduction <add>, %select_n3A_483, %reduce_sum3A_484 [0] : vector<1280x128xf32> to vector<128xf32>
    %broadcast_in_dim3A_486 = vector.shape_cast %reduce_sum3A_485 : vector<128xf32> to vector<1x128xf32>
    %slice3A_487 = vector.extract_strided_slice %broadcast_in_dim3A_478 {offsets = [0, 0], sizes = [1, 16], strides = [1, 1]} : vector<1x128xf32> to vector<1x16xf32>
    %slice3A_488 = vector.extract_strided_slice %broadcast_in_dim3A_486 {offsets = [0, 0], sizes = [1, 16], strides = [1, 1]} : vector<1x128xf32> to vector<1x16xf32>
    %slice3A_489 = vector.extract_strided_slice %broadcast_in_dim3A_478 {offsets = [0, 16], sizes = [1, 16], strides = [1, 1]} : vector<1x128xf32> to vector<1x16xf32>
    %add3A_490 = arith.addf %slice3A_487, %slice3A_489 : vector<1x16xf32>
    %slice3A_491 = vector.extract_strided_slice %broadcast_in_dim3A_486 {offsets = [0, 16], sizes = [1, 16], strides = [1, 1]} : vector<1x128xf32> to vector<1x16xf32>
    %add3A_492 = arith.addf %slice3A_488, %slice3A_491 : vector<1x16xf32>
    %slice3A_493 = vector.extract_strided_slice %broadcast_in_dim3A_478 {offsets = [0, 32], sizes = [1, 16], strides = [1, 1]} : vector<1x128xf32> to vector<1x16xf32>
    %add3A_494 = arith.addf %add3A_490, %slice3A_493 : vector<1x16xf32>
    %slice3A_495 = vector.extract_strided_slice %broadcast_in_dim3A_486 {offsets = [0, 32], sizes = [1, 16], strides = [1, 1]} : vector<1x128xf32> to vector<1x16xf32>
    %add3A_496 = arith.addf %add3A_492, %slice3A_495 : vector<1x16xf32>
    %slice3A_497 = vector.extract_strided_slice %broadcast_in_dim3A_478 {offsets = [0, 48], sizes = [1, 16], strides = [1, 1]} : vector<1x128xf32> to vector<1x16xf32>
    %add3A_498 = arith.addf %add3A_494, %slice3A_497 : vector<1x16xf32>
    %slice3A_499 = vector.extract_strided_slice %broadcast_in_dim3A_486 {offsets = [0, 48], sizes = [1, 16], strides = [1, 1]} : vector<1x128xf32> to vector<1x16xf32>
    %add3A_500 = arith.addf %add3A_496, %slice3A_499 : vector<1x16xf32>
    %slice3A_501 = vector.extract_strided_slice %broadcast_in_dim3A_478 {offsets = [0, 64], sizes = [1, 16], strides = [1, 1]} : vector<1x128xf32> to vector<1x16xf32>
    %add3A_502 = arith.addf %add3A_498, %slice3A_501 : vector<1x16xf32>
    %slice3A_503 = vector.extract_strided_slice %broadcast_in_dim3A_486 {offsets = [0, 64], sizes = [1, 16], strides = [1, 1]} : vector<1x128xf32> to vector<1x16xf32>
    %add3A_504 = arith.addf %add3A_500, %slice3A_503 : vector<1x16xf32>
    %slice3A_505 = vector.extract_strided_slice %broadcast_in_dim3A_478 {offsets = [0, 80], sizes = [1, 16], strides = [1, 1]} : vector<1x128xf32> to vector<1x16xf32>
    %add3A_506 = arith.addf %add3A_502, %slice3A_505 : vector<1x16xf32>
    %slice3A_507 = vector.extract_strided_slice %broadcast_in_dim3A_486 {offsets = [0, 80], sizes = [1, 16], strides = [1, 1]} : vector<1x128xf32> to vector<1x16xf32>
    %add3A_508 = arith.addf %add3A_504, %slice3A_507 : vector<1x16xf32>
    %slice3A_509 = vector.extract_strided_slice %broadcast_in_dim3A_478 {offsets = [0, 96], sizes = [1, 16], strides = [1, 1]} : vector<1x128xf32> to vector<1x16xf32>
    %add3A_510 = arith.addf %add3A_506, %slice3A_509 : vector<1x16xf32>
    %slice3A_511 = vector.extract_strided_slice %broadcast_in_dim3A_486 {offsets = [0, 96], sizes = [1, 16], strides = [1, 1]} : vector<1x128xf32> to vector<1x16xf32>
    %add3A_512 = arith.addf %add3A_508, %slice3A_511 : vector<1x16xf32>
    %slice3A_513 = vector.extract_strided_slice %broadcast_in_dim3A_478 {offsets = [0, 112], sizes = [1, 16], strides = [1, 1]} : vector<1x128xf32> to vector<1x16xf32>
    %add3A_514 = arith.addf %add3A_510, %slice3A_513 : vector<1x16xf32>
    %slice3A_515 = vector.extract_strided_slice %broadcast_in_dim3A_486 {offsets = [0, 112], sizes = [1, 16], strides = [1, 1]} : vector<1x128xf32> to vector<1x16xf32>
    %add3A_516 = arith.addf %add3A_512, %slice3A_515 : vector<1x16xf32>
    %max3A_517 = arith.constant 1.000000e+00 : f32
    %max3A_518 = vector.broadcast %max3A_517 : f32 to vector<1x16xf32>
    %max3A_519 = arith.maximumf %add3A_516, %max3A_518 : vector<1x16xf32>
    %div3A_520 = arith.divf %add3A_514, %max3A_519 : vector<1x16xf32>
    %eq3A_521 = arith.constant 10 : i32
    %eq3A_522 = vector.broadcast %eq3A_521 : i32 to vector<1280x128xi32>
    %eq3A_523 = arith.cmpi eq, %get3A_18, %eq3A_522 : vector<1280x128xi32>
    %jit3A_524 = arith.constant 0.000000e+00 : f32
    %broadcast_in_dim3A_525 = vector.broadcast %jit3A_524 : f32 to vector<1280x128xf32>
    %select_n3A_526 = arith.select %eq3A_523, %mul3A, %broadcast_in_dim3A_525 : vector<1280x128xi1>, vector<1280x128xf32>
    %reduce_sum3A_527 = arith.constant dense<0.000000e+00> : vector<128xf32>
    %reduce_sum3A_528 = vector.multi_reduction <add>, %select_n3A_526, %reduce_sum3A_527 [0] : vector<1280x128xf32> to vector<128xf32>
    %broadcast_in_dim3A_529 = vector.shape_cast %reduce_sum3A_528 : vector<128xf32> to vector<1x128xf32>
    %jit3A_530 = arith.constant 1.000000e+00 : f32
    %jit3A_531 = arith.constant 0.000000e+00 : f32
    %broadcast_in_dim3A_532 = vector.broadcast %jit3A_530 : f32 to vector<1280x128xf32>
    %broadcast_in_dim3A_533 = vector.broadcast %jit3A_531 : f32 to vector<1280x128xf32>
    %select_n3A_534 = arith.select %eq3A_523, %broadcast_in_dim3A_532, %broadcast_in_dim3A_533 : vector<1280x128xi1>, vector<1280x128xf32>
    %reduce_sum3A_535 = arith.constant dense<0.000000e+00> : vector<128xf32>
    %reduce_sum3A_536 = vector.multi_reduction <add>, %select_n3A_534, %reduce_sum3A_535 [0] : vector<1280x128xf32> to vector<128xf32>
    %broadcast_in_dim3A_537 = vector.shape_cast %reduce_sum3A_536 : vector<128xf32> to vector<1x128xf32>
    %slice3A_538 = vector.extract_strided_slice %broadcast_in_dim3A_529 {offsets = [0, 0], sizes = [1, 16], strides = [1, 1]} : vector<1x128xf32> to vector<1x16xf32>
    %slice3A_539 = vector.extract_strided_slice %broadcast_in_dim3A_537 {offsets = [0, 0], sizes = [1, 16], strides = [1, 1]} : vector<1x128xf32> to vector<1x16xf32>
    %slice3A_540 = vector.extract_strided_slice %broadcast_in_dim3A_529 {offsets = [0, 16], sizes = [1, 16], strides = [1, 1]} : vector<1x128xf32> to vector<1x16xf32>
    %add3A_541 = arith.addf %slice3A_538, %slice3A_540 : vector<1x16xf32>
    %slice3A_542 = vector.extract_strided_slice %broadcast_in_dim3A_537 {offsets = [0, 16], sizes = [1, 16], strides = [1, 1]} : vector<1x128xf32> to vector<1x16xf32>
    %add3A_543 = arith.addf %slice3A_539, %slice3A_542 : vector<1x16xf32>
    %slice3A_544 = vector.extract_strided_slice %broadcast_in_dim3A_529 {offsets = [0, 32], sizes = [1, 16], strides = [1, 1]} : vector<1x128xf32> to vector<1x16xf32>
    %add3A_545 = arith.addf %add3A_541, %slice3A_544 : vector<1x16xf32>
    %slice3A_546 = vector.extract_strided_slice %broadcast_in_dim3A_537 {offsets = [0, 32], sizes = [1, 16], strides = [1, 1]} : vector<1x128xf32> to vector<1x16xf32>
    %add3A_547 = arith.addf %add3A_543, %slice3A_546 : vector<1x16xf32>
    %slice3A_548 = vector.extract_strided_slice %broadcast_in_dim3A_529 {offsets = [0, 48], sizes = [1, 16], strides = [1, 1]} : vector<1x128xf32> to vector<1x16xf32>
    %add3A_549 = arith.addf %add3A_545, %slice3A_548 : vector<1x16xf32>
    %slice3A_550 = vector.extract_strided_slice %broadcast_in_dim3A_537 {offsets = [0, 48], sizes = [1, 16], strides = [1, 1]} : vector<1x128xf32> to vector<1x16xf32>
    %add3A_551 = arith.addf %add3A_547, %slice3A_550 : vector<1x16xf32>
    %slice3A_552 = vector.extract_strided_slice %broadcast_in_dim3A_529 {offsets = [0, 64], sizes = [1, 16], strides = [1, 1]} : vector<1x128xf32> to vector<1x16xf32>
    %add3A_553 = arith.addf %add3A_549, %slice3A_552 : vector<1x16xf32>
    %slice3A_554 = vector.extract_strided_slice %broadcast_in_dim3A_537 {offsets = [0, 64], sizes = [1, 16], strides = [1, 1]} : vector<1x128xf32> to vector<1x16xf32>
    %add3A_555 = arith.addf %add3A_551, %slice3A_554 : vector<1x16xf32>
    %slice3A_556 = vector.extract_strided_slice %broadcast_in_dim3A_529 {offsets = [0, 80], sizes = [1, 16], strides = [1, 1]} : vector<1x128xf32> to vector<1x16xf32>
    %add3A_557 = arith.addf %add3A_553, %slice3A_556 : vector<1x16xf32>
    %slice3A_558 = vector.extract_strided_slice %broadcast_in_dim3A_537 {offsets = [0, 80], sizes = [1, 16], strides = [1, 1]} : vector<1x128xf32> to vector<1x16xf32>
    %add3A_559 = arith.addf %add3A_555, %slice3A_558 : vector<1x16xf32>
    %slice3A_560 = vector.extract_strided_slice %broadcast_in_dim3A_529 {offsets = [0, 96], sizes = [1, 16], strides = [1, 1]} : vector<1x128xf32> to vector<1x16xf32>
    %add3A_561 = arith.addf %add3A_557, %slice3A_560 : vector<1x16xf32>
    %slice3A_562 = vector.extract_strided_slice %broadcast_in_dim3A_537 {offsets = [0, 96], sizes = [1, 16], strides = [1, 1]} : vector<1x128xf32> to vector<1x16xf32>
    %add3A_563 = arith.addf %add3A_559, %slice3A_562 : vector<1x16xf32>
    %slice3A_564 = vector.extract_strided_slice %broadcast_in_dim3A_529 {offsets = [0, 112], sizes = [1, 16], strides = [1, 1]} : vector<1x128xf32> to vector<1x16xf32>
    %add3A_565 = arith.addf %add3A_561, %slice3A_564 : vector<1x16xf32>
    %slice3A_566 = vector.extract_strided_slice %broadcast_in_dim3A_537 {offsets = [0, 112], sizes = [1, 16], strides = [1, 1]} : vector<1x128xf32> to vector<1x16xf32>
    %add3A_567 = arith.addf %add3A_563, %slice3A_566 : vector<1x16xf32>
    %max3A_568 = arith.constant 1.000000e+00 : f32
    %max3A_569 = vector.broadcast %max3A_568 : f32 to vector<1x16xf32>
    %max3A_570 = arith.maximumf %add3A_567, %max3A_569 : vector<1x16xf32>
    %div3A_571 = arith.divf %add3A_565, %max3A_570 : vector<1x16xf32>
    %eq3A_572 = arith.constant 11 : i32
    %eq3A_573 = vector.broadcast %eq3A_572 : i32 to vector<1280x128xi32>
    %eq3A_574 = arith.cmpi eq, %get3A_18, %eq3A_573 : vector<1280x128xi32>
    %jit3A_575 = arith.constant 0.000000e+00 : f32
    %broadcast_in_dim3A_576 = vector.broadcast %jit3A_575 : f32 to vector<1280x128xf32>
    %select_n3A_577 = arith.select %eq3A_574, %mul3A, %broadcast_in_dim3A_576 : vector<1280x128xi1>, vector<1280x128xf32>
    %reduce_sum3A_578 = arith.constant dense<0.000000e+00> : vector<128xf32>
    %reduce_sum3A_579 = vector.multi_reduction <add>, %select_n3A_577, %reduce_sum3A_578 [0] : vector<1280x128xf32> to vector<128xf32>
    %broadcast_in_dim3A_580 = vector.shape_cast %reduce_sum3A_579 : vector<128xf32> to vector<1x128xf32>
    %jit3A_581 = arith.constant 1.000000e+00 : f32
    %jit3A_582 = arith.constant 0.000000e+00 : f32
    %broadcast_in_dim3A_583 = vector.broadcast %jit3A_581 : f32 to vector<1280x128xf32>
    %broadcast_in_dim3A_584 = vector.broadcast %jit3A_582 : f32 to vector<1280x128xf32>
    %select_n3A_585 = arith.select %eq3A_574, %broadcast_in_dim3A_583, %broadcast_in_dim3A_584 : vector<1280x128xi1>, vector<1280x128xf32>
    %reduce_sum3A_586 = arith.constant dense<0.000000e+00> : vector<128xf32>
    %reduce_sum3A_587 = vector.multi_reduction <add>, %select_n3A_585, %reduce_sum3A_586 [0] : vector<1280x128xf32> to vector<128xf32>
    %broadcast_in_dim3A_588 = vector.shape_cast %reduce_sum3A_587 : vector<128xf32> to vector<1x128xf32>
    %slice3A_589 = vector.extract_strided_slice %broadcast_in_dim3A_580 {offsets = [0, 0], sizes = [1, 16], strides = [1, 1]} : vector<1x128xf32> to vector<1x16xf32>
    %slice3A_590 = vector.extract_strided_slice %broadcast_in_dim3A_588 {offsets = [0, 0], sizes = [1, 16], strides = [1, 1]} : vector<1x128xf32> to vector<1x16xf32>
    %slice3A_591 = vector.extract_strided_slice %broadcast_in_dim3A_580 {offsets = [0, 16], sizes = [1, 16], strides = [1, 1]} : vector<1x128xf32> to vector<1x16xf32>
    %add3A_592 = arith.addf %slice3A_589, %slice3A_591 : vector<1x16xf32>
    %slice3A_593 = vector.extract_strided_slice %broadcast_in_dim3A_588 {offsets = [0, 16], sizes = [1, 16], strides = [1, 1]} : vector<1x128xf32> to vector<1x16xf32>
    %add3A_594 = arith.addf %slice3A_590, %slice3A_593 : vector<1x16xf32>
    %slice3A_595 = vector.extract_strided_slice %broadcast_in_dim3A_580 {offsets = [0, 32], sizes = [1, 16], strides = [1, 1]} : vector<1x128xf32> to vector<1x16xf32>
    %add3A_596 = arith.addf %add3A_592, %slice3A_595 : vector<1x16xf32>
    %slice3A_597 = vector.extract_strided_slice %broadcast_in_dim3A_588 {offsets = [0, 32], sizes = [1, 16], strides = [1, 1]} : vector<1x128xf32> to vector<1x16xf32>
    %add3A_598 = arith.addf %add3A_594, %slice3A_597 : vector<1x16xf32>
    %slice3A_599 = vector.extract_strided_slice %broadcast_in_dim3A_580 {offsets = [0, 48], sizes = [1, 16], strides = [1, 1]} : vector<1x128xf32> to vector<1x16xf32>
    %add3A_600 = arith.addf %add3A_596, %slice3A_599 : vector<1x16xf32>
    %slice3A_601 = vector.extract_strided_slice %broadcast_in_dim3A_588 {offsets = [0, 48], sizes = [1, 16], strides = [1, 1]} : vector<1x128xf32> to vector<1x16xf32>
    %add3A_602 = arith.addf %add3A_598, %slice3A_601 : vector<1x16xf32>
    %slice3A_603 = vector.extract_strided_slice %broadcast_in_dim3A_580 {offsets = [0, 64], sizes = [1, 16], strides = [1, 1]} : vector<1x128xf32> to vector<1x16xf32>
    %add3A_604 = arith.addf %add3A_600, %slice3A_603 : vector<1x16xf32>
    %slice3A_605 = vector.extract_strided_slice %broadcast_in_dim3A_588 {offsets = [0, 64], sizes = [1, 16], strides = [1, 1]} : vector<1x128xf32> to vector<1x16xf32>
    %add3A_606 = arith.addf %add3A_602, %slice3A_605 : vector<1x16xf32>
    %slice3A_607 = vector.extract_strided_slice %broadcast_in_dim3A_580 {offsets = [0, 80], sizes = [1, 16], strides = [1, 1]} : vector<1x128xf32> to vector<1x16xf32>
    %add3A_608 = arith.addf %add3A_604, %slice3A_607 : vector<1x16xf32>
    %slice3A_609 = vector.extract_strided_slice %broadcast_in_dim3A_588 {offsets = [0, 80], sizes = [1, 16], strides = [1, 1]} : vector<1x128xf32> to vector<1x16xf32>
    %add3A_610 = arith.addf %add3A_606, %slice3A_609 : vector<1x16xf32>
    %slice3A_611 = vector.extract_strided_slice %broadcast_in_dim3A_580 {offsets = [0, 96], sizes = [1, 16], strides = [1, 1]} : vector<1x128xf32> to vector<1x16xf32>
    %add3A_612 = arith.addf %add3A_608, %slice3A_611 : vector<1x16xf32>
    %slice3A_613 = vector.extract_strided_slice %broadcast_in_dim3A_588 {offsets = [0, 96], sizes = [1, 16], strides = [1, 1]} : vector<1x128xf32> to vector<1x16xf32>
    %add3A_614 = arith.addf %add3A_610, %slice3A_613 : vector<1x16xf32>
    %slice3A_615 = vector.extract_strided_slice %broadcast_in_dim3A_580 {offsets = [0, 112], sizes = [1, 16], strides = [1, 1]} : vector<1x128xf32> to vector<1x16xf32>
    %add3A_616 = arith.addf %add3A_612, %slice3A_615 : vector<1x16xf32>
    %slice3A_617 = vector.extract_strided_slice %broadcast_in_dim3A_588 {offsets = [0, 112], sizes = [1, 16], strides = [1, 1]} : vector<1x128xf32> to vector<1x16xf32>
    %add3A_618 = arith.addf %add3A_614, %slice3A_617 : vector<1x16xf32>
    %max3A_619 = arith.constant 1.000000e+00 : f32
    %max3A_620 = vector.broadcast %max3A_619 : f32 to vector<1x16xf32>
    %max3A_621 = arith.maximumf %add3A_618, %max3A_620 : vector<1x16xf32>
    %div3A_622 = arith.divf %add3A_616, %max3A_621 : vector<1x16xf32>
    %eq3A_623 = arith.constant 12 : i32
    %eq3A_624 = vector.broadcast %eq3A_623 : i32 to vector<1280x128xi32>
    %eq3A_625 = arith.cmpi eq, %get3A_18, %eq3A_624 : vector<1280x128xi32>
    %jit3A_626 = arith.constant 0.000000e+00 : f32
    %broadcast_in_dim3A_627 = vector.broadcast %jit3A_626 : f32 to vector<1280x128xf32>
    %select_n3A_628 = arith.select %eq3A_625, %mul3A, %broadcast_in_dim3A_627 : vector<1280x128xi1>, vector<1280x128xf32>
    %reduce_sum3A_629 = arith.constant dense<0.000000e+00> : vector<128xf32>
    %reduce_sum3A_630 = vector.multi_reduction <add>, %select_n3A_628, %reduce_sum3A_629 [0] : vector<1280x128xf32> to vector<128xf32>
    %broadcast_in_dim3A_631 = vector.shape_cast %reduce_sum3A_630 : vector<128xf32> to vector<1x128xf32>
    %jit3A_632 = arith.constant 1.000000e+00 : f32
    %jit3A_633 = arith.constant 0.000000e+00 : f32
    %broadcast_in_dim3A_634 = vector.broadcast %jit3A_632 : f32 to vector<1280x128xf32>
    %broadcast_in_dim3A_635 = vector.broadcast %jit3A_633 : f32 to vector<1280x128xf32>
    %select_n3A_636 = arith.select %eq3A_625, %broadcast_in_dim3A_634, %broadcast_in_dim3A_635 : vector<1280x128xi1>, vector<1280x128xf32>
    %reduce_sum3A_637 = arith.constant dense<0.000000e+00> : vector<128xf32>
    %reduce_sum3A_638 = vector.multi_reduction <add>, %select_n3A_636, %reduce_sum3A_637 [0] : vector<1280x128xf32> to vector<128xf32>
    %broadcast_in_dim3A_639 = vector.shape_cast %reduce_sum3A_638 : vector<128xf32> to vector<1x128xf32>
    %slice3A_640 = vector.extract_strided_slice %broadcast_in_dim3A_631 {offsets = [0, 0], sizes = [1, 16], strides = [1, 1]} : vector<1x128xf32> to vector<1x16xf32>
    %slice3A_641 = vector.extract_strided_slice %broadcast_in_dim3A_639 {offsets = [0, 0], sizes = [1, 16], strides = [1, 1]} : vector<1x128xf32> to vector<1x16xf32>
    %slice3A_642 = vector.extract_strided_slice %broadcast_in_dim3A_631 {offsets = [0, 16], sizes = [1, 16], strides = [1, 1]} : vector<1x128xf32> to vector<1x16xf32>
    %add3A_643 = arith.addf %slice3A_640, %slice3A_642 : vector<1x16xf32>
    %slice3A_644 = vector.extract_strided_slice %broadcast_in_dim3A_639 {offsets = [0, 16], sizes = [1, 16], strides = [1, 1]} : vector<1x128xf32> to vector<1x16xf32>
    %add3A_645 = arith.addf %slice3A_641, %slice3A_644 : vector<1x16xf32>
    %slice3A_646 = vector.extract_strided_slice %broadcast_in_dim3A_631 {offsets = [0, 32], sizes = [1, 16], strides = [1, 1]} : vector<1x128xf32> to vector<1x16xf32>
    %add3A_647 = arith.addf %add3A_643, %slice3A_646 : vector<1x16xf32>
    %slice3A_648 = vector.extract_strided_slice %broadcast_in_dim3A_639 {offsets = [0, 32], sizes = [1, 16], strides = [1, 1]} : vector<1x128xf32> to vector<1x16xf32>
    %add3A_649 = arith.addf %add3A_645, %slice3A_648 : vector<1x16xf32>
    %slice3A_650 = vector.extract_strided_slice %broadcast_in_dim3A_631 {offsets = [0, 48], sizes = [1, 16], strides = [1, 1]} : vector<1x128xf32> to vector<1x16xf32>
    %add3A_651 = arith.addf %add3A_647, %slice3A_650 : vector<1x16xf32>
    %slice3A_652 = vector.extract_strided_slice %broadcast_in_dim3A_639 {offsets = [0, 48], sizes = [1, 16], strides = [1, 1]} : vector<1x128xf32> to vector<1x16xf32>
    %add3A_653 = arith.addf %add3A_649, %slice3A_652 : vector<1x16xf32>
    %slice3A_654 = vector.extract_strided_slice %broadcast_in_dim3A_631 {offsets = [0, 64], sizes = [1, 16], strides = [1, 1]} : vector<1x128xf32> to vector<1x16xf32>
    %add3A_655 = arith.addf %add3A_651, %slice3A_654 : vector<1x16xf32>
    %slice3A_656 = vector.extract_strided_slice %broadcast_in_dim3A_639 {offsets = [0, 64], sizes = [1, 16], strides = [1, 1]} : vector<1x128xf32> to vector<1x16xf32>
    %add3A_657 = arith.addf %add3A_653, %slice3A_656 : vector<1x16xf32>
    %slice3A_658 = vector.extract_strided_slice %broadcast_in_dim3A_631 {offsets = [0, 80], sizes = [1, 16], strides = [1, 1]} : vector<1x128xf32> to vector<1x16xf32>
    %add3A_659 = arith.addf %add3A_655, %slice3A_658 : vector<1x16xf32>
    %slice3A_660 = vector.extract_strided_slice %broadcast_in_dim3A_639 {offsets = [0, 80], sizes = [1, 16], strides = [1, 1]} : vector<1x128xf32> to vector<1x16xf32>
    %add3A_661 = arith.addf %add3A_657, %slice3A_660 : vector<1x16xf32>
    %slice3A_662 = vector.extract_strided_slice %broadcast_in_dim3A_631 {offsets = [0, 96], sizes = [1, 16], strides = [1, 1]} : vector<1x128xf32> to vector<1x16xf32>
    %add3A_663 = arith.addf %add3A_659, %slice3A_662 : vector<1x16xf32>
    %slice3A_664 = vector.extract_strided_slice %broadcast_in_dim3A_639 {offsets = [0, 96], sizes = [1, 16], strides = [1, 1]} : vector<1x128xf32> to vector<1x16xf32>
    %add3A_665 = arith.addf %add3A_661, %slice3A_664 : vector<1x16xf32>
    %slice3A_666 = vector.extract_strided_slice %broadcast_in_dim3A_631 {offsets = [0, 112], sizes = [1, 16], strides = [1, 1]} : vector<1x128xf32> to vector<1x16xf32>
    %add3A_667 = arith.addf %add3A_663, %slice3A_666 : vector<1x16xf32>
    %slice3A_668 = vector.extract_strided_slice %broadcast_in_dim3A_639 {offsets = [0, 112], sizes = [1, 16], strides = [1, 1]} : vector<1x128xf32> to vector<1x16xf32>
    %add3A_669 = arith.addf %add3A_665, %slice3A_668 : vector<1x16xf32>
    %max3A_670 = arith.constant 1.000000e+00 : f32
    %max3A_671 = vector.broadcast %max3A_670 : f32 to vector<1x16xf32>
    %max3A_672 = arith.maximumf %add3A_669, %max3A_671 : vector<1x16xf32>
    %div3A_673 = arith.divf %add3A_667, %max3A_672 : vector<1x16xf32>
    %eq3A_674 = arith.constant 13 : i32
    %eq3A_675 = vector.broadcast %eq3A_674 : i32 to vector<1280x128xi32>
    %eq3A_676 = arith.cmpi eq, %get3A_18, %eq3A_675 : vector<1280x128xi32>
    %jit3A_677 = arith.constant 0.000000e+00 : f32
    %broadcast_in_dim3A_678 = vector.broadcast %jit3A_677 : f32 to vector<1280x128xf32>
    %select_n3A_679 = arith.select %eq3A_676, %mul3A, %broadcast_in_dim3A_678 : vector<1280x128xi1>, vector<1280x128xf32>
    %reduce_sum3A_680 = arith.constant dense<0.000000e+00> : vector<128xf32>
    %reduce_sum3A_681 = vector.multi_reduction <add>, %select_n3A_679, %reduce_sum3A_680 [0] : vector<1280x128xf32> to vector<128xf32>
    %broadcast_in_dim3A_682 = vector.shape_cast %reduce_sum3A_681 : vector<128xf32> to vector<1x128xf32>
    %jit3A_683 = arith.constant 1.000000e+00 : f32
    %jit3A_684 = arith.constant 0.000000e+00 : f32
    %broadcast_in_dim3A_685 = vector.broadcast %jit3A_683 : f32 to vector<1280x128xf32>
    %broadcast_in_dim3A_686 = vector.broadcast %jit3A_684 : f32 to vector<1280x128xf32>
    %select_n3A_687 = arith.select %eq3A_676, %broadcast_in_dim3A_685, %broadcast_in_dim3A_686 : vector<1280x128xi1>, vector<1280x128xf32>
    %reduce_sum3A_688 = arith.constant dense<0.000000e+00> : vector<128xf32>
    %reduce_sum3A_689 = vector.multi_reduction <add>, %select_n3A_687, %reduce_sum3A_688 [0] : vector<1280x128xf32> to vector<128xf32>
    %broadcast_in_dim3A_690 = vector.shape_cast %reduce_sum3A_689 : vector<128xf32> to vector<1x128xf32>
    %slice3A_691 = vector.extract_strided_slice %broadcast_in_dim3A_682 {offsets = [0, 0], sizes = [1, 16], strides = [1, 1]} : vector<1x128xf32> to vector<1x16xf32>
    %slice3A_692 = vector.extract_strided_slice %broadcast_in_dim3A_690 {offsets = [0, 0], sizes = [1, 16], strides = [1, 1]} : vector<1x128xf32> to vector<1x16xf32>
    %slice3A_693 = vector.extract_strided_slice %broadcast_in_dim3A_682 {offsets = [0, 16], sizes = [1, 16], strides = [1, 1]} : vector<1x128xf32> to vector<1x16xf32>
    %add3A_694 = arith.addf %slice3A_691, %slice3A_693 : vector<1x16xf32>
    %slice3A_695 = vector.extract_strided_slice %broadcast_in_dim3A_690 {offsets = [0, 16], sizes = [1, 16], strides = [1, 1]} : vector<1x128xf32> to vector<1x16xf32>
    %add3A_696 = arith.addf %slice3A_692, %slice3A_695 : vector<1x16xf32>
    %slice3A_697 = vector.extract_strided_slice %broadcast_in_dim3A_682 {offsets = [0, 32], sizes = [1, 16], strides = [1, 1]} : vector<1x128xf32> to vector<1x16xf32>
    %add3A_698 = arith.addf %add3A_694, %slice3A_697 : vector<1x16xf32>
    %slice3A_699 = vector.extract_strided_slice %broadcast_in_dim3A_690 {offsets = [0, 32], sizes = [1, 16], strides = [1, 1]} : vector<1x128xf32> to vector<1x16xf32>
    %add3A_700 = arith.addf %add3A_696, %slice3A_699 : vector<1x16xf32>
    %slice3A_701 = vector.extract_strided_slice %broadcast_in_dim3A_682 {offsets = [0, 48], sizes = [1, 16], strides = [1, 1]} : vector<1x128xf32> to vector<1x16xf32>
    %add3A_702 = arith.addf %add3A_698, %slice3A_701 : vector<1x16xf32>
    %slice3A_703 = vector.extract_strided_slice %broadcast_in_dim3A_690 {offsets = [0, 48], sizes = [1, 16], strides = [1, 1]} : vector<1x128xf32> to vector<1x16xf32>
    %add3A_704 = arith.addf %add3A_700, %slice3A_703 : vector<1x16xf32>
    %slice3A_705 = vector.extract_strided_slice %broadcast_in_dim3A_682 {offsets = [0, 64], sizes = [1, 16], strides = [1, 1]} : vector<1x128xf32> to vector<1x16xf32>
    %add3A_706 = arith.addf %add3A_702, %slice3A_705 : vector<1x16xf32>
    %slice3A_707 = vector.extract_strided_slice %broadcast_in_dim3A_690 {offsets = [0, 64], sizes = [1, 16], strides = [1, 1]} : vector<1x128xf32> to vector<1x16xf32>
    %add3A_708 = arith.addf %add3A_704, %slice3A_707 : vector<1x16xf32>
    %slice3A_709 = vector.extract_strided_slice %broadcast_in_dim3A_682 {offsets = [0, 80], sizes = [1, 16], strides = [1, 1]} : vector<1x128xf32> to vector<1x16xf32>
    %add3A_710 = arith.addf %add3A_706, %slice3A_709 : vector<1x16xf32>
    %slice3A_711 = vector.extract_strided_slice %broadcast_in_dim3A_690 {offsets = [0, 80], sizes = [1, 16], strides = [1, 1]} : vector<1x128xf32> to vector<1x16xf32>
    %add3A_712 = arith.addf %add3A_708, %slice3A_711 : vector<1x16xf32>
    %slice3A_713 = vector.extract_strided_slice %broadcast_in_dim3A_682 {offsets = [0, 96], sizes = [1, 16], strides = [1, 1]} : vector<1x128xf32> to vector<1x16xf32>
    %add3A_714 = arith.addf %add3A_710, %slice3A_713 : vector<1x16xf32>
    %slice3A_715 = vector.extract_strided_slice %broadcast_in_dim3A_690 {offsets = [0, 96], sizes = [1, 16], strides = [1, 1]} : vector<1x128xf32> to vector<1x16xf32>
    %add3A_716 = arith.addf %add3A_712, %slice3A_715 : vector<1x16xf32>
    %slice3A_717 = vector.extract_strided_slice %broadcast_in_dim3A_682 {offsets = [0, 112], sizes = [1, 16], strides = [1, 1]} : vector<1x128xf32> to vector<1x16xf32>
    %add3A_718 = arith.addf %add3A_714, %slice3A_717 : vector<1x16xf32>
    %slice3A_719 = vector.extract_strided_slice %broadcast_in_dim3A_690 {offsets = [0, 112], sizes = [1, 16], strides = [1, 1]} : vector<1x128xf32> to vector<1x16xf32>
    %add3A_720 = arith.addf %add3A_716, %slice3A_719 : vector<1x16xf32>
    %max3A_721 = arith.constant 1.000000e+00 : f32
    %max3A_722 = vector.broadcast %max3A_721 : f32 to vector<1x16xf32>
    %max3A_723 = arith.maximumf %add3A_720, %max3A_722 : vector<1x16xf32>
    %div3A_724 = arith.divf %add3A_718, %max3A_723 : vector<1x16xf32>
    %eq3A_725 = arith.constant 14 : i32
    %eq3A_726 = vector.broadcast %eq3A_725 : i32 to vector<1280x128xi32>
    %eq3A_727 = arith.cmpi eq, %get3A_18, %eq3A_726 : vector<1280x128xi32>
    %jit3A_728 = arith.constant 0.000000e+00 : f32
    %broadcast_in_dim3A_729 = vector.broadcast %jit3A_728 : f32 to vector<1280x128xf32>
    %select_n3A_730 = arith.select %eq3A_727, %mul3A, %broadcast_in_dim3A_729 : vector<1280x128xi1>, vector<1280x128xf32>
    %reduce_sum3A_731 = arith.constant dense<0.000000e+00> : vector<128xf32>
    %reduce_sum3A_732 = vector.multi_reduction <add>, %select_n3A_730, %reduce_sum3A_731 [0] : vector<1280x128xf32> to vector<128xf32>
    %broadcast_in_dim3A_733 = vector.shape_cast %reduce_sum3A_732 : vector<128xf32> to vector<1x128xf32>
    %jit3A_734 = arith.constant 1.000000e+00 : f32
    %jit3A_735 = arith.constant 0.000000e+00 : f32
    %broadcast_in_dim3A_736 = vector.broadcast %jit3A_734 : f32 to vector<1280x128xf32>
    %broadcast_in_dim3A_737 = vector.broadcast %jit3A_735 : f32 to vector<1280x128xf32>
    %select_n3A_738 = arith.select %eq3A_727, %broadcast_in_dim3A_736, %broadcast_in_dim3A_737 : vector<1280x128xi1>, vector<1280x128xf32>
    %reduce_sum3A_739 = arith.constant dense<0.000000e+00> : vector<128xf32>
    %reduce_sum3A_740 = vector.multi_reduction <add>, %select_n3A_738, %reduce_sum3A_739 [0] : vector<1280x128xf32> to vector<128xf32>
    %broadcast_in_dim3A_741 = vector.shape_cast %reduce_sum3A_740 : vector<128xf32> to vector<1x128xf32>
    %slice3A_742 = vector.extract_strided_slice %broadcast_in_dim3A_733 {offsets = [0, 0], sizes = [1, 16], strides = [1, 1]} : vector<1x128xf32> to vector<1x16xf32>
    %slice3A_743 = vector.extract_strided_slice %broadcast_in_dim3A_741 {offsets = [0, 0], sizes = [1, 16], strides = [1, 1]} : vector<1x128xf32> to vector<1x16xf32>
    %slice3A_744 = vector.extract_strided_slice %broadcast_in_dim3A_733 {offsets = [0, 16], sizes = [1, 16], strides = [1, 1]} : vector<1x128xf32> to vector<1x16xf32>
    %add3A_745 = arith.addf %slice3A_742, %slice3A_744 : vector<1x16xf32>
    %slice3A_746 = vector.extract_strided_slice %broadcast_in_dim3A_741 {offsets = [0, 16], sizes = [1, 16], strides = [1, 1]} : vector<1x128xf32> to vector<1x16xf32>
    %add3A_747 = arith.addf %slice3A_743, %slice3A_746 : vector<1x16xf32>
    %slice3A_748 = vector.extract_strided_slice %broadcast_in_dim3A_733 {offsets = [0, 32], sizes = [1, 16], strides = [1, 1]} : vector<1x128xf32> to vector<1x16xf32>
    %add3A_749 = arith.addf %add3A_745, %slice3A_748 : vector<1x16xf32>
    %slice3A_750 = vector.extract_strided_slice %broadcast_in_dim3A_741 {offsets = [0, 32], sizes = [1, 16], strides = [1, 1]} : vector<1x128xf32> to vector<1x16xf32>
    %add3A_751 = arith.addf %add3A_747, %slice3A_750 : vector<1x16xf32>
    %slice3A_752 = vector.extract_strided_slice %broadcast_in_dim3A_733 {offsets = [0, 48], sizes = [1, 16], strides = [1, 1]} : vector<1x128xf32> to vector<1x16xf32>
    %add3A_753 = arith.addf %add3A_749, %slice3A_752 : vector<1x16xf32>
    %slice3A_754 = vector.extract_strided_slice %broadcast_in_dim3A_741 {offsets = [0, 48], sizes = [1, 16], strides = [1, 1]} : vector<1x128xf32> to vector<1x16xf32>
    %add3A_755 = arith.addf %add3A_751, %slice3A_754 : vector<1x16xf32>
    %slice3A_756 = vector.extract_strided_slice %broadcast_in_dim3A_733 {offsets = [0, 64], sizes = [1, 16], strides = [1, 1]} : vector<1x128xf32> to vector<1x16xf32>
    %add3A_757 = arith.addf %add3A_753, %slice3A_756 : vector<1x16xf32>
    %slice3A_758 = vector.extract_strided_slice %broadcast_in_dim3A_741 {offsets = [0, 64], sizes = [1, 16], strides = [1, 1]} : vector<1x128xf32> to vector<1x16xf32>
    %add3A_759 = arith.addf %add3A_755, %slice3A_758 : vector<1x16xf32>
    %slice3A_760 = vector.extract_strided_slice %broadcast_in_dim3A_733 {offsets = [0, 80], sizes = [1, 16], strides = [1, 1]} : vector<1x128xf32> to vector<1x16xf32>
    %add3A_761 = arith.addf %add3A_757, %slice3A_760 : vector<1x16xf32>
    %slice3A_762 = vector.extract_strided_slice %broadcast_in_dim3A_741 {offsets = [0, 80], sizes = [1, 16], strides = [1, 1]} : vector<1x128xf32> to vector<1x16xf32>
    %add3A_763 = arith.addf %add3A_759, %slice3A_762 : vector<1x16xf32>
    %slice3A_764 = vector.extract_strided_slice %broadcast_in_dim3A_733 {offsets = [0, 96], sizes = [1, 16], strides = [1, 1]} : vector<1x128xf32> to vector<1x16xf32>
    %add3A_765 = arith.addf %add3A_761, %slice3A_764 : vector<1x16xf32>
    %slice3A_766 = vector.extract_strided_slice %broadcast_in_dim3A_741 {offsets = [0, 96], sizes = [1, 16], strides = [1, 1]} : vector<1x128xf32> to vector<1x16xf32>
    %add3A_767 = arith.addf %add3A_763, %slice3A_766 : vector<1x16xf32>
    %slice3A_768 = vector.extract_strided_slice %broadcast_in_dim3A_733 {offsets = [0, 112], sizes = [1, 16], strides = [1, 1]} : vector<1x128xf32> to vector<1x16xf32>
    %add3A_769 = arith.addf %add3A_765, %slice3A_768 : vector<1x16xf32>
    %slice3A_770 = vector.extract_strided_slice %broadcast_in_dim3A_741 {offsets = [0, 112], sizes = [1, 16], strides = [1, 1]} : vector<1x128xf32> to vector<1x16xf32>
    %add3A_771 = arith.addf %add3A_767, %slice3A_770 : vector<1x16xf32>
    %max3A_772 = arith.constant 1.000000e+00 : f32
    %max3A_773 = vector.broadcast %max3A_772 : f32 to vector<1x16xf32>
    %max3A_774 = arith.maximumf %add3A_771, %max3A_773 : vector<1x16xf32>
    %div3A_775 = arith.divf %add3A_769, %max3A_774 : vector<1x16xf32>
    %eq3A_776 = arith.constant 15 : i32
    %eq3A_777 = vector.broadcast %eq3A_776 : i32 to vector<1280x128xi32>
    %eq3A_778 = arith.cmpi eq, %get3A_18, %eq3A_777 : vector<1280x128xi32>
    %jit3A_779 = arith.constant 0.000000e+00 : f32
    %broadcast_in_dim3A_780 = vector.broadcast %jit3A_779 : f32 to vector<1280x128xf32>
    %select_n3A_781 = arith.select %eq3A_778, %mul3A, %broadcast_in_dim3A_780 : vector<1280x128xi1>, vector<1280x128xf32>
    %reduce_sum3A_782 = arith.constant dense<0.000000e+00> : vector<128xf32>
    %reduce_sum3A_783 = vector.multi_reduction <add>, %select_n3A_781, %reduce_sum3A_782 [0] : vector<1280x128xf32> to vector<128xf32>
    %broadcast_in_dim3A_784 = vector.shape_cast %reduce_sum3A_783 : vector<128xf32> to vector<1x128xf32>
    %jit3A_785 = arith.constant 1.000000e+00 : f32
    %jit3A_786 = arith.constant 0.000000e+00 : f32
    %broadcast_in_dim3A_787 = vector.broadcast %jit3A_785 : f32 to vector<1280x128xf32>
    %broadcast_in_dim3A_788 = vector.broadcast %jit3A_786 : f32 to vector<1280x128xf32>
    %select_n3A_789 = arith.select %eq3A_778, %broadcast_in_dim3A_787, %broadcast_in_dim3A_788 : vector<1280x128xi1>, vector<1280x128xf32>
    %reduce_sum3A_790 = arith.constant dense<0.000000e+00> : vector<128xf32>
    %reduce_sum3A_791 = vector.multi_reduction <add>, %select_n3A_789, %reduce_sum3A_790 [0] : vector<1280x128xf32> to vector<128xf32>
    %broadcast_in_dim3A_792 = vector.shape_cast %reduce_sum3A_791 : vector<128xf32> to vector<1x128xf32>
    %slice3A_793 = vector.extract_strided_slice %broadcast_in_dim3A_784 {offsets = [0, 0], sizes = [1, 16], strides = [1, 1]} : vector<1x128xf32> to vector<1x16xf32>
    %slice3A_794 = vector.extract_strided_slice %broadcast_in_dim3A_792 {offsets = [0, 0], sizes = [1, 16], strides = [1, 1]} : vector<1x128xf32> to vector<1x16xf32>
    %slice3A_795 = vector.extract_strided_slice %broadcast_in_dim3A_784 {offsets = [0, 16], sizes = [1, 16], strides = [1, 1]} : vector<1x128xf32> to vector<1x16xf32>
    %add3A_796 = arith.addf %slice3A_793, %slice3A_795 : vector<1x16xf32>
    %slice3A_797 = vector.extract_strided_slice %broadcast_in_dim3A_792 {offsets = [0, 16], sizes = [1, 16], strides = [1, 1]} : vector<1x128xf32> to vector<1x16xf32>
    %add3A_798 = arith.addf %slice3A_794, %slice3A_797 : vector<1x16xf32>
    %slice3A_799 = vector.extract_strided_slice %broadcast_in_dim3A_784 {offsets = [0, 32], sizes = [1, 16], strides = [1, 1]} : vector<1x128xf32> to vector<1x16xf32>
    %add3A_800 = arith.addf %add3A_796, %slice3A_799 : vector<1x16xf32>
    %slice3A_801 = vector.extract_strided_slice %broadcast_in_dim3A_792 {offsets = [0, 32], sizes = [1, 16], strides = [1, 1]} : vector<1x128xf32> to vector<1x16xf32>
    %add3A_802 = arith.addf %add3A_798, %slice3A_801 : vector<1x16xf32>
    %slice3A_803 = vector.extract_strided_slice %broadcast_in_dim3A_784 {offsets = [0, 48], sizes = [1, 16], strides = [1, 1]} : vector<1x128xf32> to vector<1x16xf32>
    %add3A_804 = arith.addf %add3A_800, %slice3A_803 : vector<1x16xf32>
    %slice3A_805 = vector.extract_strided_slice %broadcast_in_dim3A_792 {offsets = [0, 48], sizes = [1, 16], strides = [1, 1]} : vector<1x128xf32> to vector<1x16xf32>
    %add3A_806 = arith.addf %add3A_802, %slice3A_805 : vector<1x16xf32>
    %slice3A_807 = vector.extract_strided_slice %broadcast_in_dim3A_784 {offsets = [0, 64], sizes = [1, 16], strides = [1, 1]} : vector<1x128xf32> to vector<1x16xf32>
    %add3A_808 = arith.addf %add3A_804, %slice3A_807 : vector<1x16xf32>
    %slice3A_809 = vector.extract_strided_slice %broadcast_in_dim3A_792 {offsets = [0, 64], sizes = [1, 16], strides = [1, 1]} : vector<1x128xf32> to vector<1x16xf32>
    %add3A_810 = arith.addf %add3A_806, %slice3A_809 : vector<1x16xf32>
    %slice3A_811 = vector.extract_strided_slice %broadcast_in_dim3A_784 {offsets = [0, 80], sizes = [1, 16], strides = [1, 1]} : vector<1x128xf32> to vector<1x16xf32>
    %add3A_812 = arith.addf %add3A_808, %slice3A_811 : vector<1x16xf32>
    %slice3A_813 = vector.extract_strided_slice %broadcast_in_dim3A_792 {offsets = [0, 80], sizes = [1, 16], strides = [1, 1]} : vector<1x128xf32> to vector<1x16xf32>
    %add3A_814 = arith.addf %add3A_810, %slice3A_813 : vector<1x16xf32>
    %slice3A_815 = vector.extract_strided_slice %broadcast_in_dim3A_784 {offsets = [0, 96], sizes = [1, 16], strides = [1, 1]} : vector<1x128xf32> to vector<1x16xf32>
    %add3A_816 = arith.addf %add3A_812, %slice3A_815 : vector<1x16xf32>
    %slice3A_817 = vector.extract_strided_slice %broadcast_in_dim3A_792 {offsets = [0, 96], sizes = [1, 16], strides = [1, 1]} : vector<1x128xf32> to vector<1x16xf32>
    %add3A_818 = arith.addf %add3A_814, %slice3A_817 : vector<1x16xf32>
    %slice3A_819 = vector.extract_strided_slice %broadcast_in_dim3A_784 {offsets = [0, 112], sizes = [1, 16], strides = [1, 1]} : vector<1x128xf32> to vector<1x16xf32>
    %add3A_820 = arith.addf %add3A_816, %slice3A_819 : vector<1x16xf32>
    %slice3A_821 = vector.extract_strided_slice %broadcast_in_dim3A_792 {offsets = [0, 112], sizes = [1, 16], strides = [1, 1]} : vector<1x128xf32> to vector<1x16xf32>
    %add3A_822 = arith.addf %add3A_818, %slice3A_821 : vector<1x16xf32>
    %max3A_823 = arith.constant 1.000000e+00 : f32
    %max3A_824 = vector.broadcast %max3A_823 : f32 to vector<1x16xf32>
    %max3A_825 = arith.maximumf %add3A_822, %max3A_824 : vector<1x16xf32>
    %div3A_826 = arith.divf %add3A_820, %max3A_825 : vector<1x16xf32>
    %concatenate3A = tpu.concatenate %div3A, %div3A_112, %div3A_163, %div3A_214, %div3A_265, %div3A_316, %div3A_367, %div3A_418, %div3A_469, %div3A_520, %div3A_571, %div3A_622, %div3A_673, %div3A_724, %div3A_775, %div3A_826 in 0 : vector<1x16xf32>, vector<1x16xf32>, vector<1x16xf32>, vector<1x16xf32>, vector<1x16xf32>, vector<1x16xf32>, vector<1x16xf32>, vector<1x16xf32>, vector<1x16xf32>, vector<1x16xf32>, vector<1x16xf32>, vector<1x16xf32>, vector<1x16xf32>, vector<1x16xf32>, vector<1x16xf32>, vector<1x16xf32> -> vector<16x16xf32>
    %get3A_827 = arith.constant 0 : index
    %get3A_828 = arith.constant 0 : index
    %get3A_829 = vector.load %arg4[%get3A_827, %get3A_828] : memref<16x2xf32, #tpu.memory_space<vmem>>, vector<16x2xf32>
    %dot_general3A = arith.constant dense<0.000000e+00> : vector<16x2xf32>
    %dot_general3A_830 = tpu.matmul %concatenate3A, %get3A_829, %dot_general3A {dimension_numbers = #tpu.dot_dimension_numbers<[1], [0], [0], [1], [0, 0, 1, 1], [], []>, transpose_lhs_hint = false} : vector<16x16xf32>, vector<16x2xf32>, vector<16x2xf32> -> vector<16x2xf32>
    %get3A_831 = arith.constant 0 : index
    %get3A_832 = vector.load %arg5[%get3A_831] : memref<2xf32, #tpu.memory_space<vmem>>, vector<2xf32>
    %reshape3A = vector.shape_cast %get3A_832 : vector<2xf32> to vector<1x2xf32>
    %add3A_833 = vector.broadcast %reshape3A : vector<1x2xf32> to vector<16x2xf32>
    %add3A_834 = arith.addf %dot_general3A_830, %add3A_833 : vector<16x2xf32>
    %swap3A = arith.constant 0 : index
    %swap3A_835 = arith.constant 0 : index
    %swap3A_836 = vector.load %arg6[%swap3A, %swap3A_835] : memref<16x2xf32, #tpu.memory_space<vmem>>, vector<16x2xf32>
    tpu.vector_store %arg6[%swap3A, %swap3A_835], %add3A_834 {strides = array<i32>} : memref<16x2xf32, #tpu.memory_space<vmem>>, vector<16x2xf32>,
    return
  }
}

</mosaic_0001>

<sc_bundles>
// kernel: kernel.12.cloned.1.call-start
scs
__scs_entry_jumppad:
0x0: {  	(pc) =	sbr.rel $0x88, $3  }
0x1: {  	(tag) =	ssettag $0x0;
	lr =	simm.s32 $0x1  }
0x2: {  	[smem:$0x3F99] =	sst lr;
	_ =	strace $0xD0000000  }
0x3: {  	_ = 	snop  }
0x4: {  	_ = 	snop  }
0x5: {  	_ = 	snop  }
0x6: {  	_ = 	snop  }
0x7: {  	_ = 	snop  }
__scs_overlays_trampoline_lowered:
0x8: {  	[smem:$0x3FA8] =	sst s0  }
0x9: {  	[smem:$0x3FA9] =	sst s1  }
0xa: {  	[smem:$0x3FAA] =	sst s2  }
0xb: {  	[smem:$0x3FAB] =	sst s3  }
0xc: {  	[smem:$0x3FAC] =	sst s4  }
0xd: {  	[smem:$0x3FAD] =	sst s5  }
0xe: {  	[smem:$0x3FAE] =	sst s6  }
0xf: {  	[smem:$0x3FAF] =	sst s7  }
0x10: {  	[smem:$0x3FB0] =	sst s8  }
0x11: {  	[smem:$0x3FB1] =	sst s9;
	s0 =	simm.s32 @!p0 $0x0  }
0x12: {  	s1 =	sld [smem:$0x3F97];
	s0 =	simm.s32 @p0 $0x1  }
0x13: {  	[smem:$0x3FB2] =	sst s0;
	s0 =	simm.s32 @!p1 $0x0  }
0x14: {  	s2 =	sld [smem:$0x3F96];
	s0 =	simm.s32 @p1 $0x1  }
0x15: {  	[smem:$0x3FB3] =	sst s0;
	s0 =	simm.s32 @!p2 $0x0  }
0x16: {  	s3 =	sld [smem:$0x3FDB];
	s0 =	simm.s32 @p2 $0x1  }
0x17: {  	s4 =	simm.s32 $0x1BF5;
	[smem:$0x3FB5] =	sst s0  }
0x18: {  	s0 =	sld [smem:$0x3F98];
	_ =	swait.ge [sflag:s4], $0x0  }
0x19: {  	s7 =	sld [smem:$0x3F99]  }
0x1a: {  	s8 =	sadd.s32 $0xFFFFE003, lr  }
0x1b: {  	s9 =	sadd.s32 $0xFFFFFEF7, lr;
	s5 =	simm.s32 $0xFFFFFFFF;
	p2 =	slt.u32 s8, $0xFFFFF086  }
0x1c: {  	p1 =	slt.u32 s9, $0xF7A;
	s5 =	simm.s32 @!p2 $0x0  }
0x1d: {  	s5 =	simm.s32 @p1 $0x1;
	p0 =	seq.s32 s7, s2  }
0x1e: {  	s7 =	smul.u32 @!p0 $0xF7A, s2;
	p2 =	seq.s32 @!p0 s5, $0x0  }
0x1f: {  	s9 =	smul.u32 $0xF7A, s1;
	s8 =	simm.s32 @!p0 $0x1BF5;
	p2 =	por !p2, p0  }
0x20: {  	[sflag:s8] =	ssyncset.s32 @!p0 $0xFFFFF086;
	s6 =	sadd.s32 @!p0 s3, s7;
	s7 =	simm.s32 @!p0 $0x108  }
0x21: {  	s3 =	sadd.s32 s3, s9;
	s6 =	sadd.s32 @!p0 $0x88, s6;
	s7 =	simm.s32 @p2 $0x1082  }
0x22: {  	[simem:s7], [sflag:s8] =	dma.local @!p0 [hbm:s6], $0xF7A  }
0x23: {  	s9 =	sor.u32 $0xD0000000, s2;
	s6 =	simm.s32 $0x108;
	_ =	swait.ge @!p0 [sflag:s8], $0x0  }
0x24: {  	s3 =	sadd.s32 $0x88, s3;
	s6 =	simm.s32 @!p1 $0x1082;
	[sflag:s4] =	ssyncset.s32 $0xFFFFF086  }
0x25: {  	[simem:s6], [sflag:s4] =	dma.local [hbm:s3], $0xF7A  }
0x26: {  	[smem:$0x3F99] =	sst s1;
	(tag) =	ssettag s2;
	_ =	strace s9  }
0x27: {  	s1 =	sld [smem:$0x3FA9]  }
0x28: {  	s2 =	sld [smem:$0x3FAA]  }
0x29: {  	s4 =	sld [smem:$0x3FAC]  }
0x2a: {  	p0 =	seq.s32 s5, $0x0;
	s5 =	sld [smem:$0x3FAD]  }
0x2b: {  	s6 =	sld [smem:$0x3FAE]  }
0x2c: {  	s7 =	sld [smem:$0x3FAF]  }
0x2d: {  	s3 =	simm.s32 $0x108;
	s8 =	sld [smem:$0x3FB0]  }
0x2e: {  	s3 =	simm.s32 @!p0 $0x1082;
	s9 =	sld [smem:$0x3FB1]  }
0x2f: {  	lr =	sadd.s32 s0, s3;
	s0 =	sld [smem:$0x3FA8]  }
0x30: {  	s3 =	sld [smem:$0x3FAB]  }
0x31: {  	[smem:$0x3FB4] =	sst s10  }
0x32: {  	s10 =	sld [smem:$0x3FB2];
	_ =	sdelay $0x3  }
0x33: {  	p0 =	seq.s32 s10, $0x1;
	s10 =	sld [smem:$0x3FB4];
	_ =	sdelay $0x3  }
0x34: {  	[smem:$0x3FB4] =	sst s10  }
0x35: {  	s10 =	sld [smem:$0x3FB3];
	_ =	sdelay $0x3  }
0x36: {  	p1 =	seq.s32 s10, $0x1;
	s10 =	sld [smem:$0x3FB4];
	_ =	sdelay $0x3  }
0x37: {  	[smem:$0x3FB4] =	sst s10  }
0x38: {  	s10 =	sld [smem:$0x3FB5]  }
0x39: {  	_ = 	snop;
	(pc) =	sbr.ind lr, $3  }
0x3a: {  	_ = 	snop  }
0x3b: {  	_ = 	snop  }
0x3c: {  	p2 =	seq.s32 s10, $0x1;
	s10 =	sld [smem:$0x3FB4]  }
0x3d: {  	_ =	shalt  }
0x3e: {  	_ =	shalt  }
0x3f: {  	_ =	shalt  }
0x40: {  	_ =	shalt  }
0x41: {  	_ =	shalt  }
0x42: {  	_ =	shalt  }
0x43: {  	_ =	shalt  }
0x44: {  	_ =	shalt  }
0x45: {  	_ =	shalt  }
0x46: {  	_ =	shalt  }
0x47: {  	_ =	shalt  }
0x48: {  	_ =	shalt  }
0x49: {  	_ =	shalt  }
0x4a: {  	_ =	shalt  }
0x4b: {  	_ =	shalt  }
0x4c: {  	_ =	shalt  }
0x4d: {  	_ =	shalt  }
0x4e: {  	_ =	shalt  }
0x4f: {  	_ =	shalt  }
0x50: {  	_ =	shalt  }
0x51: {  	_ =	shalt  }
0x52: {  	_ =	shalt  }
0x53: {  	_ =	shalt  }
0x54: {  	_ =	shalt  }
0x55: {  	_ =	shalt  }
0x56: {  	_ =	shalt  }
0x57: {  	_ =	shalt  }
0x58: {  	_ =	shalt  }
0x59: {  	_ =	shalt  }
0x5a: {  	_ =	shalt  }
0x5b: {  	_ =	shalt  }
0x5c: {  	_ =	shalt  }
0x5d: {  	_ =	shalt  }
0x5e: {  	_ =	shalt  }
0x5f: {  	_ =	shalt  }
0x60: {  	_ =	shalt  }
0x61: {  	_ =	shalt  }
0x62: {  	_ =	shalt  }
0x63: {  	_ =	shalt  }
0x64: {  	_ =	shalt  }
0x65: {  	_ =	shalt  }
0x66: {  	_ =	shalt  }
0x67: {  	_ =	shalt  }
0x68: {  	_ =	shalt  }
0x69: {  	_ =	shalt  }
0x6a: {  	_ =	shalt  }
0x6b: {  	_ =	shalt  }
0x6c: {  	_ =	shalt  }
0x6d: {  	_ =	shalt  }
0x6e: {  	_ =	shalt  }
0x6f: {  	_ =	shalt  }
0x70: {  	_ =	shalt  }
0x71: {  	_ =	shalt  }
0x72: {  	_ =	shalt  }
0x73: {  	_ =	shalt  }
0x74: {  	_ =	shalt  }
0x75: {  	_ =	shalt  }
0x76: {  	_ =	shalt  }
0x77: {  	_ =	shalt  }
0x78: {  	_ =	shalt  }
0x79: {  	_ =	shalt  }
0x7a: {  	_ =	shalt  }
0x7b: {  	_ =	shalt  }
0x7c: {  	_ =	shalt  }
0x7d: {  	_ =	shalt  }
0x7e: {  	_ =	shalt  }
0x7f: {  	_ =	shalt  }
0x80: {  	_ =	shalt  }
0x81: {  	_ =	shalt  }
0x82: {  	_ =	shalt  }
0x83: {  	_ =	shalt  }
0x84: {  	_ =	shalt  }
0x85: {  	_ =	shalt  }
0x86: {  	_ =	shalt  }
0x87: {  	_ =	shalt  }
.Lfunc_end0:
.L_simem_size_0:
called_computation.1_lowered:
.L_overlay_start_0:
0x88: {  	s2 =	sld [smem:$0x3FD9]  }
0x89: {  	s3 =	sld [smem:$0x3FFE];
	_ =	sdelay $0x1  }
0x8a: {  	s1 =	srdreg.scid  }
0x8b: {  	s0 =	sand.u32 $0x1, s1  }
0x8c: {  	s16 =	sshll.u32 s0, $0xA;
	s2 =	sadd.s32 s3, s2  }
0x8d: {  	s2 =	sadd.s32 s2, s16  }
0x8e: {  	[smem:$0x3FC0] =	sst s2  }
0x8f: {  	_ = 	snop  }
0x90: {  	(tm) =	ssettm $0x1  }
0x91: {  	s17 =	sld [smem:$0x3FFB];
	_ =	sdelay $0x3  }
0x92: {  	_ =	strace s17  }
0x93: {  	s2 =	sld [smem:$0x3FFC];
	_ =	sdelay $0x3  }
0x94: {  	_ =	strace s2  }
0x95: {  	s2 =	sld [smem:$0x3FFD];
	_ =	sdelay $0x3  }
0x96: {  	_ =	strace s2  }
0x97: {  	_ =	strace $0x8FFFFFFF  }
0x98: {  	s18 =	sld [smem:$0x3FDB];
	_ =	sdelay $0x1  }
0x99: {  	s19 =	simm.s32 $_scs_section_size  }
0x9a: {  	s4 =	simm.s32 $_size__tile_overlayer_lowered;
	s5 =	simm.s32 $_tile_overlayer_lowered  }
0x9b: {  	s22 =	simm.s32 $0x1BFF;
	s21 =	sshll.u32 s5, $0x1;
	s2 =	sadd.s32 s19, s18  }
0x9c: {  	s6 =	simm.s32 $0x0;
	s20 =	sshll.u32 s4, $0x1;
	s4 =	sadd.s32 s21, s2  }
0x9d: {  	[timem:s6], [sflag:s22] =	dma.local [hbm:s4], s20  }
0x9e: {  	_ =	swait.ge [sflag:s22], s20  }
0x9f: {  	s3 =	ssub.s32 $0x0, s20;
	[sflag:s22] =	ssyncset.done $0x0  }
0xa0: {  	[sflag:s22] =	ssyncadd.s32 s3;
	_ =	sdelay $0x1  }
0xa1: {  	s23 =	simm.s32 $0x1B8B  }
0xa2: {  	_ =	swait.ge [sflag:s23], $0x1  }
0xa3: {  	[sflag:s23] =	ssyncset.done $0x0  }
0xa4: {  	s25 =	simm.s32 $0x1B8E;
	s24 =	sld [smem:$0x3FFE];
	[sflag:s23] =	ssyncadd.s32 $0xFFFFFFFF  }
0xa5: {  	s26 =	simm.s32 $execute0_lowered;
	[smem:$0x3FD2] =	sst s25  }
0xa6: {  	s4 =	sshll.u32 s26, $0x1;
	_ =	strace $0x80000049;
	[dreg:$0x1] =	wrdreg $0xFFFFFFFF  }
0xa7: {  	s28 =	simm.s32 $_size_execute0_lowered;
	s2 =	sadd.s32 s2, s4;
	[dreg:$0x0] =	wrdreg $0x0  }
0xa8: {  	s4 =	sshll.u32 s28, $0x1;
	[dreg:$0x2] =	wrdreg s2  }
0xa9: {  	[dreg:$0x3] =	wrdreg s4  }
0xaa: {  	[dreg:$0x4] =	wrdreg $0xC0  }
0xab: {  	_ =	task [dreg:s6], $0x5FFFF  }
0xac: {  	[dreg:$0x1] =	wrdreg $0xFFFFFFFF  }
0xad: {  	[dreg:$0x0] =	wrdreg $0x60  }
0xae: {  	[dreg:$0x2] =	wrdreg s24  }
0xaf: {  	[dreg:$0x3] =	wrdreg $0x119400  }
0xb0: {  	[dreg:$0x4] =	wrdreg $0x9  }
0xb1: {  	_ =	task.clear_ibuf [dreg:s6], $0x5FFFF;
	_ =	strace $0x90000049  }
0xb2: {  	s29 =	simm.s32 $0x9;
	_ =	strace $0x8000004B  }
0xb3: {  	_ =	swait.ge [sflag:s29], $0x1  }
0xb4: {  	[sflag:s29] =	ssyncadd.s32 $0xFFFFFFFF  }
0xb5: {  	_ =	strace $0x9000004B  }
0xb6: {  	_ =	sfence  }
0xb7: {  	s30 =	sld [smem:$0x0];
	_ =	sdelay $0x2  }
0xb8: {  	s31 =	sshll.u32 s1, $0xD;
	s1 =	sshrl.u32 s1, $0x2  }
0xb9: {  	s3 =	sand.u32 $0x4000, s31;
	s1 =	sadd.s32 s1, s30  }
0xba: {  	s0 =	sor.u32 s3, s0;
	s1 =	sshll.u32 s1, $0x11  }
0xbb: {  	s0 =	sor.u32 s1, s0  }
0xbc: {  	s0 =	sadd.s32 $0x8F2B, s0  }
0xbd: {  	[sflag:s0] =	ssyncadd.remote.s32 $0x1  }
0xbe: {  	_ =	sfence.sel $0xFFFF  }
0xbf: {  	[dreg:$0x0] =	wrdreg $0xFFFFFFFF;
	(pc) =	sbr.abs _section_cstart, $3  }
0xc0: {  	[dreg:$0x1] =	wrdreg $0xFFFFFFFF  }
0xc1: {  	_ =	task.clear_ibuf [dreg:s6], $0x2FFFF;
	_ =	strace $0x9FFFFFFF  }
0xc2: {  	(tm) =	ssettm $0x7FFFFFFF  }
0xc3: {  	_ =	shalt  }
tec
execute0_lowered:
.L_overlay_start_1:
0x0: {  	(tag) =	ssettag $0x1  }
0x1: {  	s29 =	rddreg [dreg:$0x0]  }
0x2: {  	s2 =	rddreg [dreg:$0x1]  }
0x3: {  	s1 =	stileid.u32;
	s4 =	srdreg.scid;
	s3 =	simm.s32 $0x0  }
0x4: {  	s30 =	smul.u32 $0x2800, s1;
	s31 =	sand.u32 $0x1, s4;
	s24 =	sshll.u32 s1, $0x1  }
0x5: {  	[smem:$0x7FF] =	sst s3;
	s26 =	sshll.u32 s1, $0x6;
	s4 =	sor.u32 s31, s24  }
0x6: {  	_ =	strace $0x8000004A;
	s5 =	sshrl.u32 s30, $0x3;
	s8 =	smul.u32 $0x2710, s4  }
0x7: {  	s6 =	sadd.s32 s30, s2;
	s25 =	sadd.s32 s5, s29;
	s5 =	sor.u32 $0x1C05, s26  }
0x8: {  	s7 =	sshrl.u32 s6, $0x3;
	s6 =	simm.s32 $0x5;
	s4 =	sadd.s32 $0x16800, s25  }
0x9: {  	[spmem:s7], [sflag:s5] =	dma.local [hbm:s4], $0x500  }
0xa: {  	_ =	swait.ge [sflag:s6], $0x500  }
0xb: {  	s8 =	sshrl.u32 s8, $0x3;
	[sflag:s6] =	ssyncset.done $0x0  }
0xc: {  	s28 =	sadd.s32 s8, s29;
	[sflag:s6] =	ssyncadd.s32 $0xFFFFFB00  }
0xd: {  	s8 =	sadd.s32 $0x2E00, s28;
	[bflag:$0x0] =	sbarrier.arrive $0xFFFF  }
0xe: {  	[tilespmem:s3], [sflag:$0x5] =	stream.linear.gather [hbm4b:s8+s3], $0x7D0, $0x38;
	[tilespmem:$0x14140] =	vst v63  }
0xf: {  	_ =	swait.ge [sflag:s6], $0x7D0  }
0x10: {  	[sflag:s6] =	ssyncset.done $0x0  }
0x11: {  	s10 =	simm.s32 $0xFA0;
	s9 =	sadd.s32 $0xCA40, s28;
	[sflag:s6] =	ssyncadd.s32 $0xFFFFF830  }
0x12: {  	[tilespmem:s10], [sflag:$0x5] =	stream.linear.gather [hbm4b:s9+s3], $0x7D0, $0x38;
	[tilespmem:$0x14140] =	vst v63  }
0x13: {  	_ =	swait.ge [sflag:s6], $0x7D0  }
0x14: {  	s12 =	simm.s32 $0x7D0;
	[sflag:s6] =	ssyncset.done $0x0  }
0x15: {  	s13 =	simm.s32 $0x1F40;
	s11 =	sadd.s32 $0x1B800, s29;
	[sflag:s6] =	ssyncadd.s32 $0xFFFFF830  }
0x16: {  	[tilespmem:s13], [sflag:$0x1] =	stream.indirect.gather [hbm4b:s11+s12], $0x10, s3, s12, $0xb8;
	[tilespmem:$0x14140] =	vst v63  }
0x17: {  	s14 =	sadd.s32 $0x2EFA, s28  }
0x18: {  	[tilespmem:s12], [sflag:$0x5] =	stream.linear.gather [hbm4b:s14+s3], $0x7D0, $0x38;
	[tilespmem:$0x14140] =	vst v63  }
0x19: {  	_ =	swait.ge [sflag:s6], $0x7D0  }
0x1a: {  	[sflag:s6] =	ssyncset.done $0x0  }
0x1b: {  	s16 =	simm.s32 $0x1770;
	s15 =	sadd.s32 $0xCB3A, s28;
	[sflag:s6] =	ssyncadd.s32 $0xFFFFF830  }
0x1c: {  	[tilespmem:s16], [sflag:$0x5] =	stream.linear.gather [hbm4b:s15+s3], $0x7D0, $0x38;
	[tilespmem:$0x14140] =	vst v63  }
0x1d: {  	_ =	swait.ge [sflag:s6], $0x7D0  }
0x1e: {  	[sflag:s6] =	ssyncset.done $0x0  }
0x1f: {  	s17 =	simm.s32 $0x9C40;
	s18 =	simm.s32 $0x1;
	[sflag:s6] =	ssyncadd.s32 $0xFFFFF830  }
0x20: {  	[tilespmem:s17], [sflag:$0x2] =	stream.indirect.gather [hbm4b:s11+s12], $0x10, s12, s12, $0xb8;
	[tilespmem:$0x14140] =	vst v63  }
0x21: {  	_ =	swait.ge [sflag:s18], $0x7D00  }
0x22: {  	[sflag:s18] =	ssyncset.done $0x0  }
0x23: {  	s19 =	simm.s32 $0x3;
	[sflag:s18] =	ssyncadd.s32 $0xFFFF8300  }
0x24: {  	[spmem:s2] =	stream.indirect.scatter.add.f32 [tilespmem:s13], [sflag:$0x3], $0x10, s10, s12, $0xb8;
	[tilespmem:$0x14140] =	vst v63  }
0x25: {  	_ =	swait.ge [sflag:s19], $0x7D00  }
0x26: {  	[sflag:s19] =	ssyncset.done $0x0  }
0x27: {  	s20 =	sadd.s32 $0x2FF4, s28;
	[sflag:s19] =	ssyncadd.s32 $0xFFFF8300  }
0x28: {  	[tilespmem:s3], [sflag:$0x5] =	stream.linear.gather [hbm4b:s20+s3], $0x7D0, $0x38;
	[tilespmem:$0x14140] =	vst v63  }
0x29: {  	_ =	swait.ge [sflag:s6], $0x7D0  }
0x2a: {  	[sflag:s6] =	ssyncset.done $0x0  }
0x2b: {  	s21 =	sadd.s32 $0xCC34, s28;
	[sflag:s6] =	ssyncadd.s32 $0xFFFFF830  }
0x2c: {  	[tilespmem:s10], [sflag:$0x5] =	stream.linear.gather [hbm4b:s21+s3], $0x7D0, $0x38;
	[tilespmem:$0x14140] =	vst v63  }
0x2d: {  	_ =	swait.ge [sflag:s6], $0x7D0  }
0x2e: {  	[sflag:s6] =	ssyncset.done $0x0  }
0x2f: {  	s22 =	simm.s32 $0x2;
	[sflag:s6] =	ssyncadd.s32 $0xFFFFF830  }
0x30: {  	[tilespmem:s13], [sflag:$0x1] =	stream.indirect.gather [hbm4b:s11+s12], $0x10, s3, s12, $0xb8;
	[tilespmem:$0x14140] =	vst v63  }
0x31: {  	_ =	swait.ge [sflag:s22], $0x7D00  }
0x32: {  	[sflag:s22] =	ssyncset.done $0x0  }
0x33: {  	s23 =	simm.s32 $0x4;
	[sflag:s22] =	ssyncadd.s32 $0xFFFF8300  }
0x34: {  	[spmem:s2] =	stream.indirect.scatter.add.f32 [tilespmem:s17], [sflag:$0x4], $0x10, s16, s12, $0xb8;
	[tilespmem:$0x14140] =	vst v63  }
0x35: {  	_ =	swait.ge [sflag:s23], $0x7D00  }
0x36: {  	[sflag:s23] =	ssyncset.done $0x0  }
0x37: {  	s24 =	sadd.s32 $0x30EE, s28;
	[sflag:s23] =	ssyncadd.s32 $0xFFFF8300  }
0x38: {  	[tilespmem:s12], [sflag:$0x5] =	stream.linear.gather [hbm4b:s24+s3], $0x7D0, $0x38;
	[tilespmem:$0x14140] =	vst v63  }
0x39: {  	_ =	swait.ge [sflag:s6], $0x7D0  }
0x3a: {  	[sflag:s6] =	ssyncset.done $0x0  }
0x3b: {  	s25 =	sadd.s32 $0xCD2E, s28;
	[sflag:s6] =	ssyncadd.s32 $0xFFFFF830  }
0x3c: {  	[tilespmem:s16], [sflag:$0x5] =	stream.linear.gather [hbm4b:s25+s3], $0x7D0, $0x38;
	[tilespmem:$0x14140] =	vst v63  }
0x3d: {  	_ =	swait.ge [sflag:s6], $0x7D0  }
0x3e: {  	[sflag:s6] =	ssyncset.done $0x0  }
0x3f: {  	[sflag:s6] =	ssyncadd.s32 $0xFFFFF830  }
0x40: {  	[tilespmem:s17], [sflag:$0x2] =	stream.indirect.gather [hbm4b:s11+s12], $0x10, s12, s12, $0xb8;
	[tilespmem:$0x14140] =	vst v63  }
0x41: {  	_ =	swait.ge [sflag:s18], $0x7D00  }
0x42: {  	[sflag:s18] =	ssyncset.done $0x0  }
0x43: {  	[sflag:s18] =	ssyncadd.s32 $0xFFFF8300  }
0x44: {  	[spmem:s2] =	stream.indirect.scatter.add.f32 [tilespmem:s13], [sflag:$0x3], $0x10, s10, s12, $0xb8;
	[tilespmem:$0x14140] =	vst v63  }
0x45: {  	_ =	swait.ge [sflag:s19], $0x7D00  }
0x46: {  	[sflag:s19] =	ssyncset.done $0x0  }
0x47: {  	s26 =	sadd.s32 $0x31E8, s28;
	[sflag:s19] =	ssyncadd.s32 $0xFFFF8300  }
0x48: {  	[tilespmem:s3], [sflag:$0x5] =	stream.linear.gather [hbm4b:s26+s3], $0x7D0, $0x38;
	[tilespmem:$0x14140] =	vst v63  }
0x49: {  	_ =	swait.ge [sflag:s6], $0x7D0  }
0x4a: {  	[sflag:s6] =	ssyncset.done $0x0  }
0x4b: {  	s28 =	sadd.s32 $0xCE28, s28;
	[sflag:s6] =	ssyncadd.s32 $0xFFFFF830  }
0x4c: {  	[tilespmem:s10], [sflag:$0x5] =	stream.linear.gather [hbm4b:s28+s3], $0x7D0, $0x38;
	[tilespmem:$0x14140] =	vst v63  }
0x4d: {  	_ =	swait.ge [sflag:s6], $0x7D0  }
0x4e: {  	[sflag:s6] =	ssyncset.done $0x0  }
0x4f: {  	[sflag:s6] =	ssyncadd.s32 $0xFFFFF830  }
0x50: {  	[tilespmem:s13], [sflag:$0x1] =	stream.indirect.gather [hbm4b:s11+s12], $0x10, s3, s12, $0xb8;
	[tilespmem:$0x14140] =	vst v63  }
0x51: {  	_ =	swait.ge [sflag:s22], $0x7D00  }
0x52: {  	[sflag:s22] =	ssyncset.done $0x0  }
0x53: {  	[sflag:s22] =	ssyncadd.s32 $0xFFFF8300  }
0x54: {  	[spmem:s2] =	stream.indirect.scatter.add.f32 [tilespmem:s17], [sflag:$0x4], $0x10, s16, s12, $0xb8;
	[tilespmem:$0x14140] =	vst v63  }
0x55: {  	_ =	swait.ge [sflag:s18], $0x7D00  }
0x56: {  	[sflag:s18] =	ssyncset.done $0x0  }
0x57: {  	s0 =	smul.u32 $0x28000, s31;
	[sflag:s18] =	ssyncadd.s32 $0xFFFF8300  }
0x58: {  	[spmem:s2] =	stream.indirect.scatter.add.f32 [tilespmem:s13], [sflag:$0x3], $0x10, s10, s12, $0xb8;
	[tilespmem:$0x14140] =	vst v63  }
0x59: {  	s0 =	sadd.s32 s30, s0;
	s30 =	ssub.s32 $0x2, s31;
	_ =	swait.ge [sflag:s19], $0x7D00  }
0x5a: {  	s31 =	sshrl.u32 s30, $0x1;
	[sflag:s19] =	ssyncset.done $0x0  }
0x5b: {  	s30 =	ssub.s32 s30, s31;
	[sflag:s19] =	ssyncadd.s32 $0xFFFF8300  }
0x5c: {  	s31 =	smax.u32 s30, $0x1;
	_ =	swait.ge [sflag:s23], $0x7D00  }
0x5d: {  	s0 =	sshrl.u32 s0, $0x3;
	p0 =	sne.s32 s31, $0x1;
	[sflag:s23] =	ssyncset.done $0x0  }
.Ltmp0:
0x5e: {  	s0 =	sadd.s32 s0, s29;
	[sflag:s23] =	ssyncadd.s32 $0xFFFF8300;
	(pc) =	sbr.rel @!p0 .LBB2_2-.Ltmp0, $4  }
0x5f: {  	s29 =	sadd.s32 $0x20800, s0;
	[bflag:$0x0] =	sbarrier.arrive $0xFFFF  }
0x60: {  	[hbm:s29], [sflag:s5] =	dma.local [spmem:s7], $0x500  }
0x61: {  	_ =	swait.ge [sflag:s6], $0x500  }
0x62: {  	s30 =	sadd.s32 $0xFFFFFFFF, s31;
	[sflag:s6] =	ssyncset.done $0x0  }
.LBB2_1:
0x63: {  	p0 =	sne.s32 s30, $0x1;
	s30 =	sadd.s32 $0xFFFFFFFF, s30;
	[sflag:s6] =	ssyncadd.s32 $0xFFFFFB00  }
0x64: {  	[spmem:s7], [sflag:s5] =	dma.local [hbm:s4], $0x500  }
0x65: {  	_ =	swait.ge [sflag:s6], $0x500  }
0x66: {  	[sflag:s6] =	ssyncset.done $0x0  }
0x67: {  	[sflag:s6] =	ssyncadd.s32 $0xFFFFFB00  }
0x68: {  	[bflag:$0x0] =	sbarrier.arrive $0xFFFF  }
0x69: {  	[tilespmem:s3], [sflag:$0x5] =	stream.linear.gather [hbm4b:s8+s3], $0x7D0, $0x38;
	[tilespmem:$0x14140] =	vst v63  }
0x6a: {  	_ =	swait.ge [sflag:s6], $0x7D0  }
0x6b: {  	[sflag:s6] =	ssyncset.done $0x0  }
0x6c: {  	[sflag:s6] =	ssyncadd.s32 $0xFFFFF830  }
0x6d: {  	[tilespmem:s10], [sflag:$0x5] =	stream.linear.gather [hbm4b:s9+s3], $0x7D0, $0x38;
	[tilespmem:$0x14140] =	vst v63  }
0x6e: {  	_ =	swait.ge [sflag:s6], $0x7D0  }
0x6f: {  	[sflag:s6] =	ssyncset.done $0x0  }
0x70: {  	[sflag:s6] =	ssyncadd.s32 $0xFFFFF830  }
0x71: {  	[tilespmem:s13], [sflag:$0x1] =	stream.indirect.gather [hbm4b:s11+s12], $0x10, s3, s12, $0xb8;
	[tilespmem:$0x14140] =	vst v63  }
0x72: {  	_ = 	snop  }
0x73: {  	[tilespmem:s12], [sflag:$0x5] =	stream.linear.gather [hbm4b:s14+s3], $0x7D0, $0x38;
	[tilespmem:$0x14140] =	vst v63  }
0x74: {  	_ =	swait.ge [sflag:s6], $0x7D0  }
0x75: {  	[sflag:s6] =	ssyncset.done $0x0  }
0x76: {  	[sflag:s6] =	ssyncadd.s32 $0xFFFFF830  }
0x77: {  	[tilespmem:s16], [sflag:$0x5] =	stream.linear.gather [hbm4b:s15+s3], $0x7D0, $0x38;
	[tilespmem:$0x14140] =	vst v63  }
0x78: {  	_ =	swait.ge [sflag:s6], $0x7D0  }
0x79: {  	[sflag:s6] =	ssyncset.done $0x0  }
0x7a: {  	[sflag:s6] =	ssyncadd.s32 $0xFFFFF830  }
0x7b: {  	[tilespmem:s17], [sflag:$0x2] =	stream.indirect.gather [hbm4b:s11+s12], $0x10, s12, s12, $0xb8;
	[tilespmem:$0x14140] =	vst v63  }
0x7c: {  	_ =	swait.ge [sflag:s18], $0x7D00  }
0x7d: {  	[sflag:s18] =	ssyncset.done $0x0  }
0x7e: {  	[sflag:s18] =	ssyncadd.s32 $0xFFFF8300  }
0x7f: {  	[spmem:s2] =	stream.indirect.scatter.add.f32 [tilespmem:s13], [sflag:$0x3], $0x10, s10, s12, $0xb8;
	[tilespmem:$0x14140] =	vst v63  }
0x80: {  	_ =	swait.ge [sflag:s19], $0x7D00  }
0x81: {  	[sflag:s19] =	ssyncset.done $0x0  }
0x82: {  	[sflag:s19] =	ssyncadd.s32 $0xFFFF8300  }
0x83: {  	[tilespmem:s3], [sflag:$0x5] =	stream.linear.gather [hbm4b:s20+s3], $0x7D0, $0x38;
	[tilespmem:$0x14140] =	vst v63  }
0x84: {  	_ =	swait.ge [sflag:s6], $0x7D0  }
0x85: {  	[sflag:s6] =	ssyncset.done $0x0  }
0x86: {  	[sflag:s6] =	ssyncadd.s32 $0xFFFFF830  }
0x87: {  	[tilespmem:s10], [sflag:$0x5] =	stream.linear.gather [hbm4b:s21+s3], $0x7D0, $0x38;
	[tilespmem:$0x14140] =	vst v63  }
0x88: {  	_ =	swait.ge [sflag:s6], $0x7D0  }
0x89: {  	[sflag:s6] =	ssyncset.done $0x0  }
0x8a: {  	[sflag:s6] =	ssyncadd.s32 $0xFFFFF830  }
0x8b: {  	[tilespmem:s13], [sflag:$0x1] =	stream.indirect.gather [hbm4b:s11+s12], $0x10, s3, s12, $0xb8;
	[tilespmem:$0x14140] =	vst v63  }
0x8c: {  	_ =	swait.ge [sflag:s22], $0x7D00  }
0x8d: {  	[sflag:s22] =	ssyncset.done $0x0  }
0x8e: {  	[sflag:s22] =	ssyncadd.s32 $0xFFFF8300  }
0x8f: {  	[spmem:s2] =	stream.indirect.scatter.add.f32 [tilespmem:s17], [sflag:$0x4], $0x10, s16, s12, $0xb8;
	[tilespmem:$0x14140] =	vst v63  }
0x90: {  	_ =	swait.ge [sflag:s23], $0x7D00  }
0x91: {  	[sflag:s23] =	ssyncset.done $0x0  }
0x92: {  	[sflag:s23] =	ssyncadd.s32 $0xFFFF8300  }
0x93: {  	[tilespmem:s12], [sflag:$0x5] =	stream.linear.gather [hbm4b:s24+s3], $0x7D0, $0x38;
	[tilespmem:$0x14140] =	vst v63  }
0x94: {  	_ =	swait.ge [sflag:s6], $0x7D0  }
0x95: {  	[sflag:s6] =	ssyncset.done $0x0  }
0x96: {  	[sflag:s6] =	ssyncadd.s32 $0xFFFFF830  }
0x97: {  	[tilespmem:s16], [sflag:$0x5] =	stream.linear.gather [hbm4b:s25+s3], $0x7D0, $0x38;
	[tilespmem:$0x14140] =	vst v63  }
0x98: {  	_ =	swait.ge [sflag:s6], $0x7D0  }
0x99: {  	[sflag:s6] =	ssyncset.done $0x0  }
0x9a: {  	[sflag:s6] =	ssyncadd.s32 $0xFFFFF830  }
0x9b: {  	[tilespmem:s17], [sflag:$0x2] =	stream.indirect.gather [hbm4b:s11+s12], $0x10, s12, s12, $0xb8;
	[tilespmem:$0x14140] =	vst v63  }
0x9c: {  	_ =	swait.ge [sflag:s18], $0x7D00  }
0x9d: {  	[sflag:s18] =	ssyncset.done $0x0  }
0x9e: {  	[sflag:s18] =	ssyncadd.s32 $0xFFFF8300  }
0x9f: {  	[spmem:s2] =	stream.indirect.scatter.add.f32 [tilespmem:s13], [sflag:$0x3], $0x10, s10, s12, $0xb8;
	[tilespmem:$0x14140] =	vst v63  }
0xa0: {  	_ =	swait.ge [sflag:s19], $0x7D00  }
0xa1: {  	[sflag:s19] =	ssyncset.done $0x0  }
0xa2: {  	[sflag:s19] =	ssyncadd.s32 $0xFFFF8300  }
0xa3: {  	[tilespmem:s3], [sflag:$0x5] =	stream.linear.gather [hbm4b:s26+s3], $0x7D0, $0x38;
	[tilespmem:$0x14140] =	vst v63  }
0xa4: {  	_ =	swait.ge [sflag:s6], $0x7D0  }
0xa5: {  	[sflag:s6] =	ssyncset.done $0x0  }
0xa6: {  	[sflag:s6] =	ssyncadd.s32 $0xFFFFF830  }
0xa7: {  	[tilespmem:s10], [sflag:$0x5] =	stream.linear.gather [hbm4b:s28+s3], $0x7D0, $0x38;
	[tilespmem:$0x14140] =	vst v63  }
0xa8: {  	_ =	swait.ge [sflag:s6], $0x7D0  }
0xa9: {  	[sflag:s6] =	ssyncset.done $0x0  }
0xaa: {  	[sflag:s6] =	ssyncadd.s32 $0xFFFFF830  }
0xab: {  	[tilespmem:s13], [sflag:$0x1] =	stream.indirect.gather [hbm4b:s11+s12], $0x10, s3, s12, $0xb8;
	[tilespmem:$0x14140] =	vst v63  }
0xac: {  	_ =	swait.ge [sflag:s22], $0x7D00  }
0xad: {  	[sflag:s22] =	ssyncset.done $0x0  }
0xae: {  	[sflag:s22] =	ssyncadd.s32 $0xFFFF8300  }
0xaf: {  	[spmem:s2] =	stream.indirect.scatter.add.f32 [tilespmem:s17], [sflag:$0x4], $0x10, s16, s12, $0xb8;
	[tilespmem:$0x14140] =	vst v63  }
0xb0: {  	_ =	swait.ge [sflag:s18], $0x7D00  }
0xb1: {  	[sflag:s18] =	ssyncset.done $0x0  }
0xb2: {  	[sflag:s18] =	ssyncadd.s32 $0xFFFF8300  }
0xb3: {  	[spmem:s2] =	stream.indirect.scatter.add.f32 [tilespmem:s13], [sflag:$0x3], $0x10, s10, s12, $0xb8;
	[tilespmem:$0x14140] =	vst v63  }
0xb4: {  	_ =	swait.ge [sflag:s19], $0x7D00  }
0xb5: {  	[sflag:s19] =	ssyncset.done $0x0  }
0xb6: {  	[sflag:s19] =	ssyncadd.s32 $0xFFFF8300  }
0xb7: {  	_ =	swait.ge [sflag:s23], $0x7D00  }
0xb8: {  	[sflag:s23] =	ssyncset.done $0x0  }
.Ltmp1:
0xb9: {  	[sflag:s23] =	ssyncadd.s32 $0xFFFF8300;
	(pc) =	sbr.rel @p0 .LBB2_1-.Ltmp1, $4  }
0xba: {  	[bflag:$0x0] =	sbarrier.arrive $0xFFFF  }
0xbb: {  	[hbm:s29], [sflag:s5] =	dma.local [spmem:s7], $0x500  }
0xbc: {  	_ =	swait.ge [sflag:s6], $0x500  }
0xbd: {  	[sflag:s6] =	ssyncset.done $0x0  }
.LBB2_2:
0xbe: {  	[sflag:s6] =	ssyncadd.s32 $0xFFFFFB00  }
0xbf: {  	_ =	sfence.sel $0x180000  }
0xc0: {  	[bflag:$0x0] =	sbarrier.arrive $0xFFFF  }
0xc1: {  	_ =	strace $0x9000004A  }
0xc2: {  	[bflag:$0x2] =	sbarrier.arrive $0xFFFF  }
0xc3: {  	p0 =	sne.s32 s1, $0x0;
	s0 =	rddreg [dreg:$0x2]  }
0xc4: {  	s0 =	sadd.s32 @!p0 $0x100000, s0  }
0xc5: {  	[sflag:s0] =	ssyncadd.tile.s32 @!p0 $0x1;
	_ =	shalt  }
.Lfunc_end2:
_tile_overlayer_lowered:
.L_overlay_start_2:
0xc6: {  	(tag) =	ssettag $0x2  }
0xc7: {  	s0 =	rddreg [dreg:$0x0];
	s2 =	stileid.u32  }
0xc8: {  	s1 =	rddreg [dreg:$0x1];
	p0 =	sne.s32 s2, $0x0  }
0xc9: {  	s3 =	rddreg [dreg:$0x2];
	[bflag:$0x3] =	sbarrier.arrive $0xFFFF;
	s2 =	simm.s32 @!p0 $0x1C05  }
0xca: {  	[timem:s3], [sflag:s2] =	dma.local @!p0 [hbm:s0], s1  }
0xcb: {  	s0 =	simm.s32 @!p0 $0x5  }
0xcc: {  	_ =	swait.ge @!p0 [sflag:s0], s1  }
0xcd: {  	s1 =	ssub.s32 @!p0 $0x0, s1;
	[sflag:s0] =	ssyncset.done @!p0 $0x0  }
0xce: {  	[sflag:s0] =	ssyncadd.s32 @!p0 s1  }
0xcf: {  	[bflag:$0x3] =	sbarrier.arrive $0xFFFF  }
0xd0: {  	_ =	shalt  }

// kernel: kernel.15.cloned.1.call-start
scs
__scs_entry_jumppad:
0x0: {  	(pc) =	sbr.rel $0x88, $3  }
0x1: {  	(tag) =	ssettag $0x0;
	lr =	simm.s32 $0x1  }
0x2: {  	[smem:$0x3F99] =	sst lr;
	_ =	strace $0xD0000000  }
0x3: {  	_ = 	snop  }
0x4: {  	_ = 	snop  }
0x5: {  	_ = 	snop  }
0x6: {  	_ = 	snop  }
0x7: {  	_ = 	snop  }
__scs_overlays_trampoline_lowered:
0x8: {  	[smem:$0x3FA8] =	sst s0  }
0x9: {  	[smem:$0x3FA9] =	sst s1  }
0xa: {  	[smem:$0x3FAA] =	sst s2  }
0xb: {  	[smem:$0x3FAB] =	sst s3  }
0xc: {  	[smem:$0x3FAC] =	sst s4  }
0xd: {  	[smem:$0x3FAD] =	sst s5  }
0xe: {  	[smem:$0x3FAE] =	sst s6  }
0xf: {  	[smem:$0x3FAF] =	sst s7  }
0x10: {  	[smem:$0x3FB0] =	sst s8  }
0x11: {  	[smem:$0x3FB1] =	sst s9;
	s0 =	simm.s32 @!p0 $0x0  }
0x12: {  	s1 =	sld [smem:$0x3F97];
	s0 =	simm.s32 @p0 $0x1  }
0x13: {  	[smem:$0x3FB2] =	sst s0;
	s0 =	simm.s32 @!p1 $0x0  }
0x14: {  	s2 =	sld [smem:$0x3F96];
	s0 =	simm.s32 @p1 $0x1  }
0x15: {  	[smem:$0x3FB3] =	sst s0;
	s0 =	simm.s32 @!p2 $0x0  }
0x16: {  	s3 =	sld [smem:$0x3FDB];
	s0 =	simm.s32 @p2 $0x1  }
0x17: {  	s4 =	simm.s32 $0x1BF5;
	[smem:$0x3FB5] =	sst s0  }
0x18: {  	s0 =	sld [smem:$0x3F98];
	_ =	swait.ge [sflag:s4], $0x0  }
0x19: {  	s7 =	sld [smem:$0x3F99]  }
0x1a: {  	s8 =	sadd.s32 $0xFFFFE003, lr  }
0x1b: {  	s9 =	sadd.s32 $0xFFFFFEF7, lr;
	s5 =	simm.s32 $0xFFFFFFFF;
	p2 =	slt.u32 s8, $0xFFFFF086  }
0x1c: {  	p1 =	slt.u32 s9, $0xF7A;
	s5 =	simm.s32 @!p2 $0x0  }
0x1d: {  	s5 =	simm.s32 @p1 $0x1;
	p0 =	seq.s32 s7, s2  }
0x1e: {  	s7 =	smul.u32 @!p0 $0xF7A, s2;
	p2 =	seq.s32 @!p0 s5, $0x0  }
0x1f: {  	s9 =	smul.u32 $0xF7A, s1;
	s8 =	simm.s32 @!p0 $0x1BF5;
	p2 =	por !p2, p0  }
0x20: {  	[sflag:s8] =	ssyncset.s32 @!p0 $0xFFFFF086;
	s6 =	sadd.s32 @!p0 s3, s7;
	s7 =	simm.s32 @!p0 $0x108  }
0x21: {  	s3 =	sadd.s32 s3, s9;
	s6 =	sadd.s32 @!p0 $0x88, s6;
	s7 =	simm.s32 @p2 $0x1082  }
0x22: {  	[simem:s7], [sflag:s8] =	dma.local @!p0 [hbm:s6], $0xF7A  }
0x23: {  	s9 =	sor.u32 $0xD0000000, s2;
	s6 =	simm.s32 $0x108;
	_ =	swait.ge @!p0 [sflag:s8], $0x0  }
0x24: {  	s3 =	sadd.s32 $0x88, s3;
	s6 =	simm.s32 @!p1 $0x1082;
	[sflag:s4] =	ssyncset.s32 $0xFFFFF086  }
0x25: {  	[simem:s6], [sflag:s4] =	dma.local [hbm:s3], $0xF7A  }
0x26: {  	[smem:$0x3F99] =	sst s1;
	(tag) =	ssettag s2;
	_ =	strace s9  }
0x27: {  	s1 =	sld [smem:$0x3FA9]  }
0x28: {  	s2 =	sld [smem:$0x3FAA]  }
0x29: {  	s4 =	sld [smem:$0x3FAC]  }
0x2a: {  	p0 =	seq.s32 s5, $0x0;
	s5 =	sld [smem:$0x3FAD]  }
0x2b: {  	s6 =	sld [smem:$0x3FAE]  }
0x2c: {  	s7 =	sld [smem:$0x3FAF]  }
0x2d: {  	s3 =	simm.s32 $0x108;
	s8 =	sld [smem:$0x3FB0]  }
0x2e: {  	s3 =	simm.s32 @!p0 $0x1082;
	s9 =	sld [smem:$0x3FB1]  }
0x2f: {  	lr =	sadd.s32 s0, s3;
	s0 =	sld [smem:$0x3FA8]  }
0x30: {  	s3 =	sld [smem:$0x3FAB]  }
0x31: {  	[smem:$0x3FB4] =	sst s10  }
0x32: {  	s10 =	sld [smem:$0x3FB2];
	_ =	sdelay $0x3  }
0x33: {  	p0 =	seq.s32 s10, $0x1;
	s10 =	sld [smem:$0x3FB4];
	_ =	sdelay $0x3  }
0x34: {  	[smem:$0x3FB4] =	sst s10  }
0x35: {  	s10 =	sld [smem:$0x3FB3];
	_ =	sdelay $0x3  }
0x36: {  	p1 =	seq.s32 s10, $0x1;
	s10 =	sld [smem:$0x3FB4];
	_ =	sdelay $0x3  }
0x37: {  	[smem:$0x3FB4] =	sst s10  }
0x38: {  	s10 =	sld [smem:$0x3FB5]  }
0x39: {  	_ = 	snop;
	(pc) =	sbr.ind lr, $3  }
0x3a: {  	_ = 	snop  }
0x3b: {  	_ = 	snop  }
0x3c: {  	p2 =	seq.s32 s10, $0x1;
	s10 =	sld [smem:$0x3FB4]  }
0x3d: {  	_ =	shalt  }
0x3e: {  	_ =	shalt  }
0x3f: {  	_ =	shalt  }
0x40: {  	_ =	shalt  }
0x41: {  	_ =	shalt  }
0x42: {  	_ =	shalt  }
0x43: {  	_ =	shalt  }
0x44: {  	_ =	shalt  }
0x45: {  	_ =	shalt  }
0x46: {  	_ =	shalt  }
0x47: {  	_ =	shalt  }
0x48: {  	_ =	shalt  }
0x49: {  	_ =	shalt  }
0x4a: {  	_ =	shalt  }
0x4b: {  	_ =	shalt  }
0x4c: {  	_ =	shalt  }
0x4d: {  	_ =	shalt  }
0x4e: {  	_ =	shalt  }
0x4f: {  	_ =	shalt  }
0x50: {  	_ =	shalt  }
0x51: {  	_ =	shalt  }
0x52: {  	_ =	shalt  }
0x53: {  	_ =	shalt  }
0x54: {  	_ =	shalt  }
0x55: {  	_ =	shalt  }
0x56: {  	_ =	shalt  }
0x57: {  	_ =	shalt  }
0x58: {  	_ =	shalt  }
0x59: {  	_ =	shalt  }
0x5a: {  	_ =	shalt  }
0x5b: {  	_ =	shalt  }
0x5c: {  	_ =	shalt  }
0x5d: {  	_ =	shalt  }
0x5e: {  	_ =	shalt  }
0x5f: {  	_ =	shalt  }
0x60: {  	_ =	shalt  }
0x61: {  	_ =	shalt  }
0x62: {  	_ =	shalt  }
0x63: {  	_ =	shalt  }
0x64: {  	_ =	shalt  }
0x65: {  	_ =	shalt  }
0x66: {  	_ =	shalt  }
0x67: {  	_ =	shalt  }
0x68: {  	_ =	shalt  }
0x69: {  	_ =	shalt  }
0x6a: {  	_ =	shalt  }
0x6b: {  	_ =	shalt  }
0x6c: {  	_ =	shalt  }
0x6d: {  	_ =	shalt  }
0x6e: {  	_ =	shalt  }
0x6f: {  	_ =	shalt  }
0x70: {  	_ =	shalt  }
0x71: {  	_ =	shalt  }
0x72: {  	_ =	shalt  }
0x73: {  	_ =	shalt  }
0x74: {  	_ =	shalt  }
0x75: {  	_ =	shalt  }
0x76: {  	_ =	shalt  }
0x77: {  	_ =	shalt  }
0x78: {  	_ =	shalt  }
0x79: {  	_ =	shalt  }
0x7a: {  	_ =	shalt  }
0x7b: {  	_ =	shalt  }
0x7c: {  	_ =	shalt  }
0x7d: {  	_ =	shalt  }
0x7e: {  	_ =	shalt  }
0x7f: {  	_ =	shalt  }
0x80: {  	_ =	shalt  }
0x81: {  	_ =	shalt  }
0x82: {  	_ =	shalt  }
0x83: {  	_ =	shalt  }
0x84: {  	_ =	shalt  }
0x85: {  	_ =	shalt  }
0x86: {  	_ =	shalt  }
0x87: {  	_ =	shalt  }
.Lfunc_end0:
.L_simem_size_0:
called_computation.2_lowered:
.L_overlay_start_0:
0x88: {  	s2 =	sld [smem:$0x3FD9]  }
0x89: {  	s3 =	sld [smem:$0x3FFE];
	_ =	sdelay $0x1  }
0x8a: {  	s1 =	srdreg.scid  }
0x8b: {  	s0 =	sand.u32 $0x1, s1  }
0x8c: {  	s16 =	sshll.u32 s0, $0xA;
	s2 =	sadd.s32 s3, s2  }
0x8d: {  	s2 =	sadd.s32 s2, s16  }
0x8e: {  	[smem:$0x3FC0] =	sst s2  }
0x8f: {  	_ = 	snop  }
0x90: {  	(tm) =	ssettm $0x1  }
0x91: {  	s17 =	sld [smem:$0x3FFB];
	_ =	sdelay $0x3  }
0x92: {  	_ =	strace s17  }
0x93: {  	s2 =	sld [smem:$0x3FFC];
	_ =	sdelay $0x3  }
0x94: {  	_ =	strace s2  }
0x95: {  	s2 =	sld [smem:$0x3FFD];
	_ =	sdelay $0x3  }
0x96: {  	_ =	strace s2  }
0x97: {  	_ =	strace $0x8FFFFFFF  }
0x98: {  	s18 =	sld [smem:$0x3FDB];
	_ =	sdelay $0x1  }
0x99: {  	s19 =	simm.s32 $_scs_section_size  }
0x9a: {  	s4 =	simm.s32 $_size__tile_overlayer_lowered;
	s5 =	simm.s32 $_tile_overlayer_lowered  }
0x9b: {  	s22 =	simm.s32 $0x1BFF;
	s21 =	sshll.u32 s5, $0x1;
	s2 =	sadd.s32 s19, s18  }
0x9c: {  	s6 =	simm.s32 $0x0;
	s20 =	sshll.u32 s4, $0x1;
	s4 =	sadd.s32 s21, s2  }
0x9d: {  	[timem:s6], [sflag:s22] =	dma.local [hbm:s4], s20  }
0x9e: {  	_ =	swait.ge [sflag:s22], s20  }
0x9f: {  	s3 =	ssub.s32 $0x0, s20;
	[sflag:s22] =	ssyncset.done $0x0  }
0xa0: {  	[sflag:s22] =	ssyncadd.s32 s3;
	_ =	sdelay $0x1  }
0xa1: {  	s23 =	simm.s32 $0x1B8B  }
0xa2: {  	_ =	swait.ge [sflag:s23], $0x1  }
0xa3: {  	[sflag:s23] =	ssyncset.done $0x0  }
0xa4: {  	s25 =	simm.s32 $0x1B8E;
	s24 =	sld [smem:$0x3FFE];
	[sflag:s23] =	ssyncadd.s32 $0xFFFFFFFF  }
0xa5: {  	s26 =	simm.s32 $execute0_lowered;
	[smem:$0x3FD2] =	sst s25  }
0xa6: {  	s4 =	sshll.u32 s26, $0x1;
	_ =	strace $0x8000004C;
	[dreg:$0x1] =	wrdreg $0xFFFFFFFF  }
0xa7: {  	s28 =	simm.s32 $_size_execute0_lowered;
	s2 =	sadd.s32 s2, s4;
	[dreg:$0x0] =	wrdreg $0x0  }
0xa8: {  	s4 =	sshll.u32 s28, $0x1;
	[dreg:$0x2] =	wrdreg s2  }
0xa9: {  	[dreg:$0x3] =	wrdreg s4  }
0xaa: {  	[dreg:$0x4] =	wrdreg $0xC0  }
0xab: {  	_ =	task [dreg:s6], $0x5FFFF  }
0xac: {  	[dreg:$0x1] =	wrdreg $0xFFFFFFFF  }
0xad: {  	[dreg:$0x0] =	wrdreg $0x60  }
0xae: {  	[dreg:$0x2] =	wrdreg s24  }
0xaf: {  	[dreg:$0x3] =	wrdreg $0x119400  }
0xb0: {  	[dreg:$0x4] =	wrdreg $0x9  }
0xb1: {  	_ =	task.clear_ibuf [dreg:s6], $0x5FFFF;
	_ =	strace $0x9000004C  }
0xb2: {  	s29 =	simm.s32 $0x9;
	_ =	strace $0x8000004E  }
0xb3: {  	_ =	swait.ge [sflag:s29], $0x1  }
0xb4: {  	[sflag:s29] =	ssyncadd.s32 $0xFFFFFFFF  }
0xb5: {  	_ =	strace $0x9000004E  }
0xb6: {  	_ =	sfence  }
0xb7: {  	s30 =	sld [smem:$0x0];
	_ =	sdelay $0x2  }
0xb8: {  	s31 =	sshll.u32 s1, $0xD;
	s1 =	sshrl.u32 s1, $0x2  }
0xb9: {  	s3 =	sand.u32 $0x4000, s31;
	s1 =	sadd.s32 s1, s30  }
0xba: {  	s0 =	sor.u32 s3, s0;
	s1 =	sshll.u32 s1, $0x11  }
0xbb: {  	s0 =	sor.u32 s1, s0  }
0xbc: {  	s0 =	sadd.s32 $0x8F2B, s0  }
0xbd: {  	[sflag:s0] =	ssyncadd.remote.s32 $0x1  }
0xbe: {  	_ =	sfence.sel $0xFFFF  }
0xbf: {  	[dreg:$0x0] =	wrdreg $0xFFFFFFFF;
	(pc) =	sbr.abs _section_cstart, $3  }
0xc0: {  	[dreg:$0x1] =	wrdreg $0xFFFFFFFF  }
0xc1: {  	_ =	task.clear_ibuf [dreg:s6], $0x2FFFF;
	_ =	strace $0x9FFFFFFF  }
0xc2: {  	(tm) =	ssettm $0x7FFFFFFF  }
0xc3: {  	_ =	shalt  }
tec
execute0_lowered:
.L_overlay_start_1:
0x0: {  	(tag) =	ssettag $0x1  }
0x1: {  	s29 =	rddreg [dreg:$0x0]  }
0x2: {  	s2 =	rddreg [dreg:$0x1]  }
0x3: {  	s1 =	stileid.u32;
	s4 =	srdreg.scid;
	s3 =	simm.s32 $0x0  }
0x4: {  	s30 =	smul.u32 $0x2800, s1;
	s31 =	sand.u32 $0x1, s4;
	s24 =	sshll.u32 s1, $0x1  }
0x5: {  	[smem:$0x7FF] =	sst s3;
	s26 =	sshll.u32 s1, $0x6;
	s4 =	sor.u32 s31, s24  }
0x6: {  	_ =	strace $0x8000004D;
	s5 =	sshrl.u32 s30, $0x3;
	s8 =	smul.u32 $0x2710, s4  }
0x7: {  	s6 =	sadd.s32 s30, s2;
	s25 =	sadd.s32 s5, s29;
	s5 =	sor.u32 $0x1C05, s26  }
0x8: {  	s7 =	sshrl.u32 s6, $0x3;
	s6 =	simm.s32 $0x5;
	s4 =	sadd.s32 $0x16800, s25  }
0x9: {  	[spmem:s7], [sflag:s5] =	dma.local [hbm:s4], $0x500  }
0xa: {  	_ =	swait.ge [sflag:s6], $0x500  }
0xb: {  	s8 =	sshrl.u32 s8, $0x3;
	[sflag:s6] =	ssyncset.done $0x0  }
0xc: {  	s28 =	sadd.s32 s8, s29;
	[sflag:s6] =	ssyncadd.s32 $0xFFFFFB00  }
0xd: {  	s8 =	sadd.s32 $0x2E00, s28;
	[bflag:$0x0] =	sbarrier.arrive $0xFFFF  }
0xe: {  	[tilespmem:s3], [sflag:$0x5] =	stream.linear.gather [hbm4b:s8+s3], $0x7D0, $0x38;
	[tilespmem:$0x14140] =	vst v63  }
0xf: {  	_ =	swait.ge [sflag:s6], $0x7D0  }
0x10: {  	[sflag:s6] =	ssyncset.done $0x0  }
0x11: {  	s10 =	simm.s32 $0xFA0;
	s9 =	sadd.s32 $0xCA40, s28;
	[sflag:s6] =	ssyncadd.s32 $0xFFFFF830  }
0x12: {  	[tilespmem:s10], [sflag:$0x5] =	stream.linear.gather [hbm4b:s9+s3], $0x7D0, $0x38;
	[tilespmem:$0x14140] =	vst v63  }
0x13: {  	_ =	swait.ge [sflag:s6], $0x7D0  }
0x14: {  	s12 =	simm.s32 $0x7D0;
	[sflag:s6] =	ssyncset.done $0x0  }
0x15: {  	s13 =	simm.s32 $0x1F40;
	s11 =	sadd.s32 $0x1B800, s29;
	[sflag:s6] =	ssyncadd.s32 $0xFFFFF830  }
0x16: {  	[tilespmem:s13], [sflag:$0x1] =	stream.indirect.gather [hbm4b:s11+s12], $0x10, s3, s12, $0xb8;
	[tilespmem:$0x14140] =	vst v63  }
0x17: {  	s14 =	sadd.s32 $0x2EFA, s28  }
0x18: {  	[tilespmem:s12], [sflag:$0x5] =	stream.linear.gather [hbm4b:s14+s3], $0x7D0, $0x38;
	[tilespmem:$0x14140] =	vst v63  }
0x19: {  	_ =	swait.ge [sflag:s6], $0x7D0  }
0x1a: {  	[sflag:s6] =	ssyncset.done $0x0  }
0x1b: {  	s16 =	simm.s32 $0x1770;
	s15 =	sadd.s32 $0xCB3A, s28;
	[sflag:s6] =	ssyncadd.s32 $0xFFFFF830  }
0x1c: {  	[tilespmem:s16], [sflag:$0x5] =	stream.linear.gather [hbm4b:s15+s3], $0x7D0, $0x38;
	[tilespmem:$0x14140] =	vst v63  }
0x1d: {  	_ =	swait.ge [sflag:s6], $0x7D0  }
0x1e: {  	[sflag:s6] =	ssyncset.done $0x0  }
0x1f: {  	s17 =	simm.s32 $0x9C40;
	s18 =	simm.s32 $0x1;
	[sflag:s6] =	ssyncadd.s32 $0xFFFFF830  }
0x20: {  	[tilespmem:s17], [sflag:$0x2] =	stream.indirect.gather [hbm4b:s11+s12], $0x10, s12, s12, $0xb8;
	[tilespmem:$0x14140] =	vst v63  }
0x21: {  	_ =	swait.ge [sflag:s18], $0x7D00  }
0x22: {  	[sflag:s18] =	ssyncset.done $0x0  }
0x23: {  	s19 =	simm.s32 $0x3;
	[sflag:s18] =	ssyncadd.s32 $0xFFFF8300  }
0x24: {  	[spmem:s2] =	stream.indirect.scatter.add.f32 [tilespmem:s13], [sflag:$0x3], $0x10, s10, s12, $0xb8;
	[tilespmem:$0x14140] =	vst v63  }
0x25: {  	_ =	swait.ge [sflag:s19], $0x7D00  }
0x26: {  	[sflag:s19] =	ssyncset.done $0x0  }
0x27: {  	s20 =	sadd.s32 $0x2FF4, s28;
	[sflag:s19] =	ssyncadd.s32 $0xFFFF8300  }
0x28: {  	[tilespmem:s3], [sflag:$0x5] =	stream.linear.gather [hbm4b:s20+s3], $0x7D0, $0x38;
	[tilespmem:$0x14140] =	vst v63  }
0x29: {  	_ =	swait.ge [sflag:s6], $0x7D0  }
0x2a: {  	[sflag:s6] =	ssyncset.done $0x0  }
0x2b: {  	s21 =	sadd.s32 $0xCC34, s28;
	[sflag:s6] =	ssyncadd.s32 $0xFFFFF830  }
0x2c: {  	[tilespmem:s10], [sflag:$0x5] =	stream.linear.gather [hbm4b:s21+s3], $0x7D0, $0x38;
	[tilespmem:$0x14140] =	vst v63  }
0x2d: {  	_ =	swait.ge [sflag:s6], $0x7D0  }
0x2e: {  	[sflag:s6] =	ssyncset.done $0x0  }
0x2f: {  	s22 =	simm.s32 $0x2;
	[sflag:s6] =	ssyncadd.s32 $0xFFFFF830  }
0x30: {  	[tilespmem:s13], [sflag:$0x1] =	stream.indirect.gather [hbm4b:s11+s12], $0x10, s3, s12, $0xb8;
	[tilespmem:$0x14140] =	vst v63  }
0x31: {  	_ =	swait.ge [sflag:s22], $0x7D00  }
0x32: {  	[sflag:s22] =	ssyncset.done $0x0  }
0x33: {  	s23 =	simm.s32 $0x4;
	[sflag:s22] =	ssyncadd.s32 $0xFFFF8300  }
0x34: {  	[spmem:s2] =	stream.indirect.scatter.add.f32 [tilespmem:s17], [sflag:$0x4], $0x10, s16, s12, $0xb8;
	[tilespmem:$0x14140] =	vst v63  }
0x35: {  	_ =	swait.ge [sflag:s23], $0x7D00  }
0x36: {  	[sflag:s23] =	ssyncset.done $0x0  }
0x37: {  	s24 =	sadd.s32 $0x30EE, s28;
	[sflag:s23] =	ssyncadd.s32 $0xFFFF8300  }
0x38: {  	[tilespmem:s12], [sflag:$0x5] =	stream.linear.gather [hbm4b:s24+s3], $0x7D0, $0x38;
	[tilespmem:$0x14140] =	vst v63  }
0x39: {  	_ =	swait.ge [sflag:s6], $0x7D0  }
0x3a: {  	[sflag:s6] =	ssyncset.done $0x0  }
0x3b: {  	s25 =	sadd.s32 $0xCD2E, s28;
	[sflag:s6] =	ssyncadd.s32 $0xFFFFF830  }
0x3c: {  	[tilespmem:s16], [sflag:$0x5] =	stream.linear.gather [hbm4b:s25+s3], $0x7D0, $0x38;
	[tilespmem:$0x14140] =	vst v63  }
0x3d: {  	_ =	swait.ge [sflag:s6], $0x7D0  }
0x3e: {  	[sflag:s6] =	ssyncset.done $0x0  }
0x3f: {  	[sflag:s6] =	ssyncadd.s32 $0xFFFFF830  }
0x40: {  	[tilespmem:s17], [sflag:$0x2] =	stream.indirect.gather [hbm4b:s11+s12], $0x10, s12, s12, $0xb8;
	[tilespmem:$0x14140] =	vst v63  }
0x41: {  	_ =	swait.ge [sflag:s18], $0x7D00  }
0x42: {  	[sflag:s18] =	ssyncset.done $0x0  }
0x43: {  	[sflag:s18] =	ssyncadd.s32 $0xFFFF8300  }
0x44: {  	[spmem:s2] =	stream.indirect.scatter.add.f32 [tilespmem:s13], [sflag:$0x3], $0x10, s10, s12, $0xb8;
	[tilespmem:$0x14140] =	vst v63  }
0x45: {  	_ =	swait.ge [sflag:s19], $0x7D00  }
0x46: {  	[sflag:s19] =	ssyncset.done $0x0  }
0x47: {  	s26 =	sadd.s32 $0x31E8, s28;
	[sflag:s19] =	ssyncadd.s32 $0xFFFF8300  }
0x48: {  	[tilespmem:s3], [sflag:$0x5] =	stream.linear.gather [hbm4b:s26+s3], $0x7D0, $0x38;
	[tilespmem:$0x14140] =	vst v63  }
0x49: {  	_ =	swait.ge [sflag:s6], $0x7D0  }
0x4a: {  	[sflag:s6] =	ssyncset.done $0x0  }
0x4b: {  	s28 =	sadd.s32 $0xCE28, s28;
	[sflag:s6] =	ssyncadd.s32 $0xFFFFF830  }
0x4c: {  	[tilespmem:s10], [sflag:$0x5] =	stream.linear.gather [hbm4b:s28+s3], $0x7D0, $0x38;
	[tilespmem:$0x14140] =	vst v63  }
0x4d: {  	_ =	swait.ge [sflag:s6], $0x7D0  }
0x4e: {  	[sflag:s6] =	ssyncset.done $0x0  }
0x4f: {  	[sflag:s6] =	ssyncadd.s32 $0xFFFFF830  }
0x50: {  	[tilespmem:s13], [sflag:$0x1] =	stream.indirect.gather [hbm4b:s11+s12], $0x10, s3, s12, $0xb8;
	[tilespmem:$0x14140] =	vst v63  }
0x51: {  	_ =	swait.ge [sflag:s22], $0x7D00  }
0x52: {  	[sflag:s22] =	ssyncset.done $0x0  }
0x53: {  	[sflag:s22] =	ssyncadd.s32 $0xFFFF8300  }
0x54: {  	[spmem:s2] =	stream.indirect.scatter.add.f32 [tilespmem:s17], [sflag:$0x4], $0x10, s16, s12, $0xb8;
	[tilespmem:$0x14140] =	vst v63  }
0x55: {  	_ =	swait.ge [sflag:s18], $0x7D00  }
0x56: {  	[sflag:s18] =	ssyncset.done $0x0  }
0x57: {  	s0 =	smul.u32 $0x28000, s31;
	[sflag:s18] =	ssyncadd.s32 $0xFFFF8300  }
0x58: {  	[spmem:s2] =	stream.indirect.scatter.add.f32 [tilespmem:s13], [sflag:$0x3], $0x10, s10, s12, $0xb8;
	[tilespmem:$0x14140] =	vst v63  }
0x59: {  	s0 =	sadd.s32 s30, s0;
	s30 =	ssub.s32 $0x2, s31;
	_ =	swait.ge [sflag:s19], $0x7D00  }
0x5a: {  	s31 =	sshrl.u32 s30, $0x1;
	[sflag:s19] =	ssyncset.done $0x0  }
0x5b: {  	s30 =	ssub.s32 s30, s31;
	[sflag:s19] =	ssyncadd.s32 $0xFFFF8300  }
0x5c: {  	s31 =	smax.u32 s30, $0x1;
	_ =	swait.ge [sflag:s23], $0x7D00  }
0x5d: {  	s0 =	sshrl.u32 s0, $0x3;
	p0 =	sne.s32 s31, $0x1;
	[sflag:s23] =	ssyncset.done $0x0  }
.Ltmp0:
0x5e: {  	s0 =	sadd.s32 s0, s29;
	[sflag:s23] =	ssyncadd.s32 $0xFFFF8300;
	(pc) =	sbr.rel @!p0 .LBB2_2-.Ltmp0, $4  }
0x5f: {  	s29 =	sadd.s32 $0x20800, s0;
	[bflag:$0x0] =	sbarrier.arrive $0xFFFF  }
0x60: {  	[hbm:s29], [sflag:s5] =	dma.local [spmem:s7], $0x500  }
0x61: {  	_ =	swait.ge [sflag:s6], $0x500  }
0x62: {  	s30 =	sadd.s32 $0xFFFFFFFF, s31;
	[sflag:s6] =	ssyncset.done $0x0  }
.LBB2_1:
0x63: {  	p0 =	sne.s32 s30, $0x1;
	s30 =	sadd.s32 $0xFFFFFFFF, s30;
	[sflag:s6] =	ssyncadd.s32 $0xFFFFFB00  }
0x64: {  	[spmem:s7], [sflag:s5] =	dma.local [hbm:s4], $0x500  }
0x65: {  	_ =	swait.ge [sflag:s6], $0x500  }
0x66: {  	[sflag:s6] =	ssyncset.done $0x0  }
0x67: {  	[sflag:s6] =	ssyncadd.s32 $0xFFFFFB00  }
0x68: {  	[bflag:$0x0] =	sbarrier.arrive $0xFFFF  }
0x69: {  	[tilespmem:s3], [sflag:$0x5] =	stream.linear.gather [hbm4b:s8+s3], $0x7D0, $0x38;
	[tilespmem:$0x14140] =	vst v63  }
0x6a: {  	_ =	swait.ge [sflag:s6], $0x7D0  }
0x6b: {  	[sflag:s6] =	ssyncset.done $0x0  }
0x6c: {  	[sflag:s6] =	ssyncadd.s32 $0xFFFFF830  }
0x6d: {  	[tilespmem:s10], [sflag:$0x5] =	stream.linear.gather [hbm4b:s9+s3], $0x7D0, $0x38;
	[tilespmem:$0x14140] =	vst v63  }
0x6e: {  	_ =	swait.ge [sflag:s6], $0x7D0  }
0x6f: {  	[sflag:s6] =	ssyncset.done $0x0  }
0x70: {  	[sflag:s6] =	ssyncadd.s32 $0xFFFFF830  }
0x71: {  	[tilespmem:s13], [sflag:$0x1] =	stream.indirect.gather [hbm4b:s11+s12], $0x10, s3, s12, $0xb8;
	[tilespmem:$0x14140] =	vst v63  }
0x72: {  	_ = 	snop  }
0x73: {  	[tilespmem:s12], [sflag:$0x5] =	stream.linear.gather [hbm4b:s14+s3], $0x7D0, $0x38;
	[tilespmem:$0x14140] =	vst v63  }
0x74: {  	_ =	swait.ge [sflag:s6], $0x7D0  }
0x75: {  	[sflag:s6] =	ssyncset.done $0x0  }
0x76: {  	[sflag:s6] =	ssyncadd.s32 $0xFFFFF830  }
0x77: {  	[tilespmem:s16], [sflag:$0x5] =	stream.linear.gather [hbm4b:s15+s3], $0x7D0, $0x38;
	[tilespmem:$0x14140] =	vst v63  }
0x78: {  	_ =	swait.ge [sflag:s6], $0x7D0  }
0x79: {  	[sflag:s6] =	ssyncset.done $0x0  }
0x7a: {  	[sflag:s6] =	ssyncadd.s32 $0xFFFFF830  }
0x7b: {  	[tilespmem:s17], [sflag:$0x2] =	stream.indirect.gather [hbm4b:s11+s12], $0x10, s12, s12, $0xb8;
	[tilespmem:$0x14140] =	vst v63  }
0x7c: {  	_ =	swait.ge [sflag:s18], $0x7D00  }
0x7d: {  	[sflag:s18] =	ssyncset.done $0x0  }
0x7e: {  	[sflag:s18] =	ssyncadd.s32 $0xFFFF8300  }
0x7f: {  	[spmem:s2] =	stream.indirect.scatter.add.f32 [tilespmem:s13], [sflag:$0x3], $0x10, s10, s12, $0xb8;
	[tilespmem:$0x14140] =	vst v63  }
0x80: {  	_ =	swait.ge [sflag:s19], $0x7D00  }
0x81: {  	[sflag:s19] =	ssyncset.done $0x0  }
0x82: {  	[sflag:s19] =	ssyncadd.s32 $0xFFFF8300  }
0x83: {  	[tilespmem:s3], [sflag:$0x5] =	stream.linear.gather [hbm4b:s20+s3], $0x7D0, $0x38;
	[tilespmem:$0x14140] =	vst v63  }
0x84: {  	_ =	swait.ge [sflag:s6], $0x7D0  }
0x85: {  	[sflag:s6] =	ssyncset.done $0x0  }
0x86: {  	[sflag:s6] =	ssyncadd.s32 $0xFFFFF830  }
0x87: {  	[tilespmem:s10], [sflag:$0x5] =	stream.linear.gather [hbm4b:s21+s3], $0x7D0, $0x38;
	[tilespmem:$0x14140] =	vst v63  }
0x88: {  	_ =	swait.ge [sflag:s6], $0x7D0  }
0x89: {  	[sflag:s6] =	ssyncset.done $0x0  }
0x8a: {  	[sflag:s6] =	ssyncadd.s32 $0xFFFFF830  }
0x8b: {  	[tilespmem:s13], [sflag:$0x1] =	stream.indirect.gather [hbm4b:s11+s12], $0x10, s3, s12, $0xb8;
	[tilespmem:$0x14140] =	vst v63  }
0x8c: {  	_ =	swait.ge [sflag:s22], $0x7D00  }
0x8d: {  	[sflag:s22] =	ssyncset.done $0x0  }
0x8e: {  	[sflag:s22] =	ssyncadd.s32 $0xFFFF8300  }
0x8f: {  	[spmem:s2] =	stream.indirect.scatter.add.f32 [tilespmem:s17], [sflag:$0x4], $0x10, s16, s12, $0xb8;
	[tilespmem:$0x14140] =	vst v63  }
0x90: {  	_ =	swait.ge [sflag:s23], $0x7D00  }
0x91: {  	[sflag:s23] =	ssyncset.done $0x0  }
0x92: {  	[sflag:s23] =	ssyncadd.s32 $0xFFFF8300  }
0x93: {  	[tilespmem:s12], [sflag:$0x5] =	stream.linear.gather [hbm4b:s24+s3], $0x7D0, $0x38;
	[tilespmem:$0x14140] =	vst v63  }
0x94: {  	_ =	swait.ge [sflag:s6], $0x7D0  }
0x95: {  	[sflag:s6] =	ssyncset.done $0x0  }
0x96: {  	[sflag:s6] =	ssyncadd.s32 $0xFFFFF830  }
0x97: {  	[tilespmem:s16], [sflag:$0x5] =	stream.linear.gather [hbm4b:s25+s3], $0x7D0, $0x38;
	[tilespmem:$0x14140] =	vst v63  }
0x98: {  	_ =	swait.ge [sflag:s6], $0x7D0  }
0x99: {  	[sflag:s6] =	ssyncset.done $0x0  }
0x9a: {  	[sflag:s6] =	ssyncadd.s32 $0xFFFFF830  }
0x9b: {  	[tilespmem:s17], [sflag:$0x2] =	stream.indirect.gather [hbm4b:s11+s12], $0x10, s12, s12, $0xb8;
	[tilespmem:$0x14140] =	vst v63  }
0x9c: {  	_ =	swait.ge [sflag:s18], $0x7D00  }
0x9d: {  	[sflag:s18] =	ssyncset.done $0x0  }
0x9e: {  	[sflag:s18] =	ssyncadd.s32 $0xFFFF8300  }
0x9f: {  	[spmem:s2] =	stream.indirect.scatter.add.f32 [tilespmem:s13], [sflag:$0x3], $0x10, s10, s12, $0xb8;
	[tilespmem:$0x14140] =	vst v63  }
0xa0: {  	_ =	swait.ge [sflag:s19], $0x7D00  }
0xa1: {  	[sflag:s19] =	ssyncset.done $0x0  }
0xa2: {  	[sflag:s19] =	ssyncadd.s32 $0xFFFF8300  }
0xa3: {  	[tilespmem:s3], [sflag:$0x5] =	stream.linear.gather [hbm4b:s26+s3], $0x7D0, $0x38;
	[tilespmem:$0x14140] =	vst v63  }
0xa4: {  	_ =	swait.ge [sflag:s6], $0x7D0  }
0xa5: {  	[sflag:s6] =	ssyncset.done $0x0  }
0xa6: {  	[sflag:s6] =	ssyncadd.s32 $0xFFFFF830  }
0xa7: {  	[tilespmem:s10], [sflag:$0x5] =	stream.linear.gather [hbm4b:s28+s3], $0x7D0, $0x38;
	[tilespmem:$0x14140] =	vst v63  }
0xa8: {  	_ =	swait.ge [sflag:s6], $0x7D0  }
0xa9: {  	[sflag:s6] =	ssyncset.done $0x0  }
0xaa: {  	[sflag:s6] =	ssyncadd.s32 $0xFFFFF830  }
0xab: {  	[tilespmem:s13], [sflag:$0x1] =	stream.indirect.gather [hbm4b:s11+s12], $0x10, s3, s12, $0xb8;
	[tilespmem:$0x14140] =	vst v63  }
0xac: {  	_ =	swait.ge [sflag:s22], $0x7D00  }
0xad: {  	[sflag:s22] =	ssyncset.done $0x0  }
0xae: {  	[sflag:s22] =	ssyncadd.s32 $0xFFFF8300  }
0xaf: {  	[spmem:s2] =	stream.indirect.scatter.add.f32 [tilespmem:s17], [sflag:$0x4], $0x10, s16, s12, $0xb8;
	[tilespmem:$0x14140] =	vst v63  }
0xb0: {  	_ =	swait.ge [sflag:s18], $0x7D00  }
0xb1: {  	[sflag:s18] =	ssyncset.done $0x0  }
0xb2: {  	[sflag:s18] =	ssyncadd.s32 $0xFFFF8300  }
0xb3: {  	[spmem:s2] =	stream.indirect.scatter.add.f32 [tilespmem:s13], [sflag:$0x3], $0x10, s10, s12, $0xb8;
	[tilespmem:$0x14140] =	vst v63  }
0xb4: {  	_ =	swait.ge [sflag:s19], $0x7D00  }
0xb5: {  	[sflag:s19] =	ssyncset.done $0x0  }
0xb6: {  	[sflag:s19] =	ssyncadd.s32 $0xFFFF8300  }
0xb7: {  	_ =	swait.ge [sflag:s23], $0x7D00  }
0xb8: {  	[sflag:s23] =	ssyncset.done $0x0  }
.Ltmp1:
0xb9: {  	[sflag:s23] =	ssyncadd.s32 $0xFFFF8300;
	(pc) =	sbr.rel @p0 .LBB2_1-.Ltmp1, $4  }
0xba: {  	[bflag:$0x0] =	sbarrier.arrive $0xFFFF  }
0xbb: {  	[hbm:s29], [sflag:s5] =	dma.local [spmem:s7], $0x500  }
0xbc: {  	_ =	swait.ge [sflag:s6], $0x500  }
0xbd: {  	[sflag:s6] =	ssyncset.done $0x0  }
.LBB2_2:
0xbe: {  	[sflag:s6] =	ssyncadd.s32 $0xFFFFFB00  }
0xbf: {  	_ =	sfence.sel $0x180000  }
0xc0: {  	[bflag:$0x0] =	sbarrier.arrive $0xFFFF  }
0xc1: {  	_ =	strace $0x9000004D  }
0xc2: {  	[bflag:$0x2] =	sbarrier.arrive $0xFFFF  }
0xc3: {  	p0 =	sne.s32 s1, $0x0;
	s0 =	rddreg [dreg:$0x2]  }
0xc4: {  	s0 =	sadd.s32 @!p0 $0x100000, s0  }
0xc5: {  	[sflag:s0] =	ssyncadd.tile.s32 @!p0 $0x1;
	_ =	shalt  }
.Lfunc_end2:
_tile_overlayer_lowered:
.L_overlay_start_2:
0xc6: {  	(tag) =	ssettag $0x2  }
0xc7: {  	s0 =	rddreg [dreg:$0x0];
	s2 =	stileid.u32  }
0xc8: {  	s1 =	rddreg [dreg:$0x1];
	p0 =	sne.s32 s2, $0x0  }
0xc9: {  	s3 =	rddreg [dreg:$0x2];
	[bflag:$0x3] =	sbarrier.arrive $0xFFFF;
	s2 =	simm.s32 @!p0 $0x1C05  }
0xca: {  	[timem:s3], [sflag:s2] =	dma.local @!p0 [hbm:s0], s1  }
0xcb: {  	s0 =	simm.s32 @!p0 $0x5  }
0xcc: {  	_ =	swait.ge @!p0 [sflag:s0], s1  }
0xcd: {  	s1 =	ssub.s32 @!p0 $0x0, s1;
	[sflag:s0] =	ssyncset.done @!p0 $0x0  }
0xce: {  	[sflag:s0] =	ssyncadd.s32 @!p0 s1  }
0xcf: {  	[bflag:$0x3] =	sbarrier.arrive $0xFFFF  }
0xd0: {  	_ =	shalt  }

// kernel: kernel.9.cloned.1.call-start
scs
__scs_entry_jumppad:
0x0: {  	(pc) =	sbr.rel $0x88, $3  }
0x1: {  	(tag) =	ssettag $0x0;
	lr =	simm.s32 $0x1  }
0x2: {  	[smem:$0x3F99] =	sst lr;
	_ =	strace $0xD0000000  }
0x3: {  	_ = 	snop  }
0x4: {  	_ = 	snop  }
0x5: {  	_ = 	snop  }
0x6: {  	_ = 	snop  }
0x7: {  	_ = 	snop  }
__scs_overlays_trampoline_lowered:
0x8: {  	[smem:$0x3FA8] =	sst s0  }
0x9: {  	[smem:$0x3FA9] =	sst s1  }
0xa: {  	[smem:$0x3FAA] =	sst s2  }
0xb: {  	[smem:$0x3FAB] =	sst s3  }
0xc: {  	[smem:$0x3FAC] =	sst s4  }
0xd: {  	[smem:$0x3FAD] =	sst s5  }
0xe: {  	[smem:$0x3FAE] =	sst s6  }
0xf: {  	[smem:$0x3FAF] =	sst s7  }
0x10: {  	[smem:$0x3FB0] =	sst s8  }
0x11: {  	[smem:$0x3FB1] =	sst s9;
	s0 =	simm.s32 @!p0 $0x0  }
0x12: {  	s1 =	sld [smem:$0x3F97];
	s0 =	simm.s32 @p0 $0x1  }
0x13: {  	[smem:$0x3FB2] =	sst s0;
	s0 =	simm.s32 @!p1 $0x0  }
0x14: {  	s2 =	sld [smem:$0x3F96];
	s0 =	simm.s32 @p1 $0x1  }
0x15: {  	[smem:$0x3FB3] =	sst s0;
	s0 =	simm.s32 @!p2 $0x0  }
0x16: {  	s3 =	sld [smem:$0x3FDB];
	s0 =	simm.s32 @p2 $0x1  }
0x17: {  	s4 =	simm.s32 $0x1BF5;
	[smem:$0x3FB5] =	sst s0  }
0x18: {  	s0 =	sld [smem:$0x3F98];
	_ =	swait.ge [sflag:s4], $0x0  }
0x19: {  	s7 =	sld [smem:$0x3F99]  }
0x1a: {  	s8 =	sadd.s32 $0xFFFFE003, lr  }
0x1b: {  	s9 =	sadd.s32 $0xFFFFFEF7, lr;
	s5 =	simm.s32 $0xFFFFFFFF;
	p2 =	slt.u32 s8, $0xFFFFF086  }
0x1c: {  	p1 =	slt.u32 s9, $0xF7A;
	s5 =	simm.s32 @!p2 $0x0  }
0x1d: {  	s5 =	simm.s32 @p1 $0x1;
	p0 =	seq.s32 s7, s2  }
0x1e: {  	s7 =	smul.u32 @!p0 $0xF7A, s2;
	p2 =	seq.s32 @!p0 s5, $0x0  }
0x1f: {  	s9 =	smul.u32 $0xF7A, s1;
	s8 =	simm.s32 @!p0 $0x1BF5;
	p2 =	por !p2, p0  }
0x20: {  	[sflag:s8] =	ssyncset.s32 @!p0 $0xFFFFF086;
	s6 =	sadd.s32 @!p0 s3, s7;
	s7 =	simm.s32 @!p0 $0x108  }
0x21: {  	s3 =	sadd.s32 s3, s9;
	s6 =	sadd.s32 @!p0 $0x88, s6;
	s7 =	simm.s32 @p2 $0x1082  }
0x22: {  	[simem:s7], [sflag:s8] =	dma.local @!p0 [hbm:s6], $0xF7A  }
0x23: {  	s9 =	sor.u32 $0xD0000000, s2;
	s6 =	simm.s32 $0x108;
	_ =	swait.ge @!p0 [sflag:s8], $0x0  }
0x24: {  	s3 =	sadd.s32 $0x88, s3;
	s6 =	simm.s32 @!p1 $0x1082;
	[sflag:s4] =	ssyncset.s32 $0xFFFFF086  }
0x25: {  	[simem:s6], [sflag:s4] =	dma.local [hbm:s3], $0xF7A  }
0x26: {  	[smem:$0x3F99] =	sst s1;
	(tag) =	ssettag s2;
	_ =	strace s9  }
0x27: {  	s1 =	sld [smem:$0x3FA9]  }
0x28: {  	s2 =	sld [smem:$0x3FAA]  }
0x29: {  	s4 =	sld [smem:$0x3FAC]  }
0x2a: {  	p0 =	seq.s32 s5, $0x0;
	s5 =	sld [smem:$0x3FAD]  }
0x2b: {  	s6 =	sld [smem:$0x3FAE]  }
0x2c: {  	s7 =	sld [smem:$0x3FAF]  }
0x2d: {  	s3 =	simm.s32 $0x108;
	s8 =	sld [smem:$0x3FB0]  }
0x2e: {  	s3 =	simm.s32 @!p0 $0x1082;
	s9 =	sld [smem:$0x3FB1]  }
0x2f: {  	lr =	sadd.s32 s0, s3;
	s0 =	sld [smem:$0x3FA8]  }
0x30: {  	s3 =	sld [smem:$0x3FAB]  }
0x31: {  	[smem:$0x3FB4] =	sst s10  }
0x32: {  	s10 =	sld [smem:$0x3FB2];
	_ =	sdelay $0x3  }
0x33: {  	p0 =	seq.s32 s10, $0x1;
	s10 =	sld [smem:$0x3FB4];
	_ =	sdelay $0x3  }
0x34: {  	[smem:$0x3FB4] =	sst s10  }
0x35: {  	s10 =	sld [smem:$0x3FB3];
	_ =	sdelay $0x3  }
0x36: {  	p1 =	seq.s32 s10, $0x1;
	s10 =	sld [smem:$0x3FB4];
	_ =	sdelay $0x3  }
0x37: {  	[smem:$0x3FB4] =	sst s10  }
0x38: {  	s10 =	sld [smem:$0x3FB5]  }
0x39: {  	_ = 	snop;
	(pc) =	sbr.ind lr, $3  }
0x3a: {  	_ = 	snop  }
0x3b: {  	_ = 	snop  }
0x3c: {  	p2 =	seq.s32 s10, $0x1;
	s10 =	sld [smem:$0x3FB4]  }
0x3d: {  	_ =	shalt  }
0x3e: {  	_ =	shalt  }
0x3f: {  	_ =	shalt  }
0x40: {  	_ =	shalt  }
0x41: {  	_ =	shalt  }
0x42: {  	_ =	shalt  }
0x43: {  	_ =	shalt  }
0x44: {  	_ =	shalt  }
0x45: {  	_ =	shalt  }
0x46: {  	_ =	shalt  }
0x47: {  	_ =	shalt  }
0x48: {  	_ =	shalt  }
0x49: {  	_ =	shalt  }
0x4a: {  	_ =	shalt  }
0x4b: {  	_ =	shalt  }
0x4c: {  	_ =	shalt  }
0x4d: {  	_ =	shalt  }
0x4e: {  	_ =	shalt  }
0x4f: {  	_ =	shalt  }
0x50: {  	_ =	shalt  }
0x51: {  	_ =	shalt  }
0x52: {  	_ =	shalt  }
0x53: {  	_ =	shalt  }
0x54: {  	_ =	shalt  }
0x55: {  	_ =	shalt  }
0x56: {  	_ =	shalt  }
0x57: {  	_ =	shalt  }
0x58: {  	_ =	shalt  }
0x59: {  	_ =	shalt  }
0x5a: {  	_ =	shalt  }
0x5b: {  	_ =	shalt  }
0x5c: {  	_ =	shalt  }
0x5d: {  	_ =	shalt  }
0x5e: {  	_ =	shalt  }
0x5f: {  	_ =	shalt  }
0x60: {  	_ =	shalt  }
0x61: {  	_ =	shalt  }
0x62: {  	_ =	shalt  }
0x63: {  	_ =	shalt  }
0x64: {  	_ =	shalt  }
0x65: {  	_ =	shalt  }
0x66: {  	_ =	shalt  }
0x67: {  	_ =	shalt  }
0x68: {  	_ =	shalt  }
0x69: {  	_ =	shalt  }
0x6a: {  	_ =	shalt  }
0x6b: {  	_ =	shalt  }
0x6c: {  	_ =	shalt  }
0x6d: {  	_ =	shalt  }
0x6e: {  	_ =	shalt  }
0x6f: {  	_ =	shalt  }
0x70: {  	_ =	shalt  }
0x71: {  	_ =	shalt  }
0x72: {  	_ =	shalt  }
0x73: {  	_ =	shalt  }
0x74: {  	_ =	shalt  }
0x75: {  	_ =	shalt  }
0x76: {  	_ =	shalt  }
0x77: {  	_ =	shalt  }
0x78: {  	_ =	shalt  }
0x79: {  	_ =	shalt  }
0x7a: {  	_ =	shalt  }
0x7b: {  	_ =	shalt  }
0x7c: {  	_ =	shalt  }
0x7d: {  	_ =	shalt  }
0x7e: {  	_ =	shalt  }
0x7f: {  	_ =	shalt  }
0x80: {  	_ =	shalt  }
0x81: {  	_ =	shalt  }
0x82: {  	_ =	shalt  }
0x83: {  	_ =	shalt  }
0x84: {  	_ =	shalt  }
0x85: {  	_ =	shalt  }
0x86: {  	_ =	shalt  }
0x87: {  	_ =	shalt  }
.Lfunc_end0:
.L_simem_size_0:
called_computation_lowered:
.L_overlay_start_0:
0x88: {  	s2 =	sld [smem:$0x3FD9]  }
0x89: {  	s3 =	sld [smem:$0x3FFE];
	_ =	sdelay $0x1  }
0x8a: {  	s1 =	srdreg.scid  }
0x8b: {  	s0 =	sand.u32 $0x1, s1  }
0x8c: {  	s16 =	sshll.u32 s0, $0xA;
	s2 =	sadd.s32 s3, s2  }
0x8d: {  	s2 =	sadd.s32 s2, s16  }
0x8e: {  	[smem:$0x3FC0] =	sst s2  }
0x8f: {  	_ = 	snop  }
0x90: {  	(tm) =	ssettm $0x1  }
0x91: {  	s17 =	sld [smem:$0x3FFB];
	_ =	sdelay $0x3  }
0x92: {  	_ =	strace s17  }
0x93: {  	s2 =	sld [smem:$0x3FFC];
	_ =	sdelay $0x3  }
0x94: {  	_ =	strace s2  }
0x95: {  	s2 =	sld [smem:$0x3FFD];
	_ =	sdelay $0x3  }
0x96: {  	_ =	strace s2  }
0x97: {  	_ =	strace $0x8FFFFFFF  }
0x98: {  	s18 =	sld [smem:$0x3FDB];
	_ =	sdelay $0x1  }
0x99: {  	s19 =	simm.s32 $_scs_section_size  }
0x9a: {  	s4 =	simm.s32 $_size__tile_overlayer_lowered;
	s5 =	simm.s32 $_tile_overlayer_lowered  }
0x9b: {  	s22 =	simm.s32 $0x1BFF;
	s21 =	sshll.u32 s5, $0x1;
	s2 =	sadd.s32 s19, s18  }
0x9c: {  	s6 =	simm.s32 $0x0;
	s20 =	sshll.u32 s4, $0x1;
	s4 =	sadd.s32 s21, s2  }
0x9d: {  	[timem:s6], [sflag:s22] =	dma.local [hbm:s4], s20  }
0x9e: {  	_ =	swait.ge [sflag:s22], s20  }
0x9f: {  	s3 =	ssub.s32 $0x0, s20;
	[sflag:s22] =	ssyncset.done $0x0  }
0xa0: {  	[sflag:s22] =	ssyncadd.s32 s3;
	_ =	sdelay $0x1  }
0xa1: {  	s23 =	simm.s32 $0x1B8B  }
0xa2: {  	_ =	swait.ge [sflag:s23], $0x1  }
0xa3: {  	[sflag:s23] =	ssyncset.done $0x0  }
0xa4: {  	s25 =	simm.s32 $0x1B8E;
	s24 =	sld [smem:$0x3FFE];
	[sflag:s23] =	ssyncadd.s32 $0xFFFFFFFF  }
0xa5: {  	s26 =	simm.s32 $execute0_lowered;
	[smem:$0x3FD2] =	sst s25  }
0xa6: {  	s4 =	sshll.u32 s26, $0x1;
	_ =	strace $0x80000046;
	[dreg:$0x1] =	wrdreg $0xFFFFFFFF  }
0xa7: {  	s28 =	simm.s32 $_size_execute0_lowered;
	s2 =	sadd.s32 s2, s4;
	[dreg:$0x0] =	wrdreg $0x0  }
0xa8: {  	s4 =	sshll.u32 s28, $0x1;
	[dreg:$0x2] =	wrdreg s2  }
0xa9: {  	[dreg:$0x3] =	wrdreg s4  }
0xaa: {  	[dreg:$0x4] =	wrdreg $0xC0  }
0xab: {  	_ =	task [dreg:s6], $0x5FFFF  }
0xac: {  	[dreg:$0x1] =	wrdreg $0xFFFFFFFF  }
0xad: {  	[dreg:$0x0] =	wrdreg $0x60  }
0xae: {  	[dreg:$0x2] =	wrdreg s24  }
0xaf: {  	[dreg:$0x3] =	wrdreg $0x46500  }
0xb0: {  	[dreg:$0x4] =	wrdreg $0x9  }
0xb1: {  	_ =	task.clear_ibuf [dreg:s6], $0x5FFFF;
	_ =	strace $0x90000046  }
0xb2: {  	s29 =	simm.s32 $0x9;
	_ =	strace $0x80000048  }
0xb3: {  	_ =	swait.ge [sflag:s29], $0x1  }
0xb4: {  	[sflag:s29] =	ssyncadd.s32 $0xFFFFFFFF  }
0xb5: {  	_ =	strace $0x90000048  }
0xb6: {  	_ =	sfence  }
0xb7: {  	s30 =	sld [smem:$0x0];
	_ =	sdelay $0x2  }
0xb8: {  	s31 =	sshll.u32 s1, $0xD;
	s1 =	sshrl.u32 s1, $0x2  }
0xb9: {  	s3 =	sand.u32 $0x4000, s31;
	s1 =	sadd.s32 s1, s30  }
0xba: {  	s0 =	sor.u32 s3, s0;
	s1 =	sshll.u32 s1, $0x11  }
0xbb: {  	s0 =	sor.u32 s1, s0  }
0xbc: {  	s0 =	sadd.s32 $0x8F2B, s0  }
0xbd: {  	[sflag:s0] =	ssyncadd.remote.s32 $0x1  }
0xbe: {  	_ =	sfence.sel $0xFFFF  }
0xbf: {  	[dreg:$0x0] =	wrdreg $0xFFFFFFFF;
	(pc) =	sbr.abs _section_cstart, $3  }
0xc0: {  	[dreg:$0x1] =	wrdreg $0xFFFFFFFF  }
0xc1: {  	_ =	task.clear_ibuf [dreg:s6], $0x2FFFF;
	_ =	strace $0x9FFFFFFF  }
0xc2: {  	(tm) =	ssettm $0x7FFFFFFF  }
0xc3: {  	_ =	shalt  }
tec
execute0_lowered:
.L_overlay_start_1:
0x0: {  	(tag) =	ssettag $0x1  }
0x1: {  	s23 =	rddreg [dreg:$0x0]  }
0x2: {  	s0 =	stileid.u32;
	s2 =	rddreg [dreg:$0x1]  }
0x3: {  	s1 =	rddreg [dreg:$0x2];
	s3 =	simm.s32 $0x0;
	s24 =	smul.u32 $0x2800, s0  }
0x4: {  	s8 =	srdreg.scid;
	[smem:$0x7FF] =	sst s3  }
0x5: {  	s5 =	sshll.u32 s0, $0x6;
	_ =	strace $0x80000047;
	s4 =	sshrl.u32 s24, $0x3  }
0x6: {  	s5 =	sor.u32 $0x1C03, s5;
	s6 =	sadd.s32 s24, s2;
	s4 =	sadd.s32 s4, s23  }
0x7: {  	s7 =	sshrl.u32 s6, $0x3;
	s6 =	simm.s32 $0x3;
	s4 =	sadd.s32 $0x16800, s4  }
0x8: {  	[spmem:s7], [sflag:s5] =	dma.local [hbm:s4], $0x500  }
0x9: {  	s25 =	sand.u32 $0x1, s8;
	s9 =	sshll.u32 s0, $0x1;
	_ =	swait.ge [sflag:s6], $0x500  }
0xa: {  	s8 =	sadd.s32 $0x1B800, s23;
	s9 =	sor.u32 s25, s9;
	[sflag:s6] =	ssyncset.done $0x0  }
0xb: {  	s22 =	smul.u32 $0x2710, s9;
	s9 =	simm.s32 $0x7D0;
	[sflag:s6] =	ssyncadd.s32 $0xFFFFFB00  }
0xc: {  	[tilespmem:s9], [sflag:$0x3] =	stream.linear.gather [hbm4b:s8+s3], $0x3E80, $0x38;
	[tilespmem:$0x6E50] =	vst v63  }
0xd: {  	_ =	swait.ge [sflag:s6], $0x3E80  }
0xe: {  	s26 =	sadd.s32 $0x2E00, s23;
	s10 =	sshrl.u32 s22, $0x3;
	[sflag:s6] =	ssyncset.done $0x0  }
0xf: {  	s21 =	sadd.s32 s26, s10;
	[sflag:s6] =	ssyncadd.s32 $0xFFFFC180  }
0x10: {  	s10 =	sadd.s32 $0x9C40, s21;
	[bflag:$0x0] =	sbarrier.arrive $0xFFFF  }
0x11: {  	[tilespmem:s3], [sflag:$0x3] =	stream.linear.gather [hbm4b:s10+s3], $0x3E8, $0x38;
	[tilespmem:$0x6E50] =	vst v63  }
0x12: {  	s11 =	sadd.s32 $0x4E5E8, s22;
	_ =	swait.ge [sflag:s6], $0x3E8  }
0x13: {  	s11 =	sshrl.u32 s11, $0x3;
	[sflag:s6] =	ssyncset.done $0x0  }
0x14: {  	s12 =	simm.s32 $0x3E8;
	s11 =	sadd.s32 s26, s11;
	[sflag:s6] =	ssyncadd.s32 $0xFFFFFC18  }
0x15: {  	[tilespmem:s12], [sflag:$0x3] =	stream.linear.gather [hbm4b:s11+s3], $0x3E8, $0x38;
	[tilespmem:$0x6E50] =	vst v63  }
0x16: {  	_ =	swait.ge [sflag:s6], $0x3E8  }
0x17: {  	[sflag:s6] =	ssyncset.done $0x0  }
0x18: {  	s13 =	simm.s32 $0x1;
	[sflag:s6] =	ssyncadd.s32 $0xFFFFFC18  }
0x19: {  	[spmem:s2] =	stream.indirect.scatter.add.f32 [tilespmem:s9], [sflag:$0x1], $0x10, s3, s12, $0xb8;
	[tilespmem:$0x6E50] =	vst v63  }
0x1a: {  	_ =	swait.ge [sflag:s13], $0x3E80  }
0x1b: {  	[sflag:s13] =	ssyncset.done $0x0  }
0x1c: {  	s14 =	sadd.s32 $0x9D3A, s21;
	[sflag:s13] =	ssyncadd.s32 $0xFFFFC180  }
0x1d: {  	[tilespmem:s3], [sflag:$0x3] =	stream.linear.gather [hbm4b:s14+s3], $0x3E8, $0x38;
	[tilespmem:$0x6E50] =	vst v63  }
0x1e: {  	_ =	swait.ge [sflag:s6], $0x3E8  }
0x1f: {  	[sflag:s6] =	ssyncset.done $0x0  }
0x20: {  	s15 =	simm.s32 $0x2;
	[sflag:s6] =	ssyncadd.s32 $0xFFFFFC18  }
0x21: {  	[spmem:s2] =	stream.indirect.scatter.add.f32 [tilespmem:s9], [sflag:$0x2], $0x10, s12, s12, $0xb8;
	[tilespmem:$0x6E50] =	vst v63  }
0x22: {  	s16 =	sadd.s32 $0x4EDB8, s22;
	_ =	swait.ge [sflag:s15], $0x3E80  }
0x23: {  	s16 =	sshrl.u32 s16, $0x3;
	[sflag:s15] =	ssyncset.done $0x0  }
0x24: {  	s16 =	sadd.s32 s26, s16;
	[sflag:s15] =	ssyncadd.s32 $0xFFFFC180  }
0x25: {  	[tilespmem:s12], [sflag:$0x3] =	stream.linear.gather [hbm4b:s16+s3], $0x3E8, $0x38;
	[tilespmem:$0x6E50] =	vst v63  }
0x26: {  	_ =	swait.ge [sflag:s6], $0x3E8  }
0x27: {  	[sflag:s6] =	ssyncset.done $0x0  }
0x28: {  	[sflag:s6] =	ssyncadd.s32 $0xFFFFFC18  }
0x29: {  	[spmem:s2] =	stream.indirect.scatter.add.f32 [tilespmem:s9], [sflag:$0x1], $0x10, s3, s12, $0xb8;
	[tilespmem:$0x6E50] =	vst v63  }
0x2a: {  	_ =	swait.ge [sflag:s13], $0x3E80  }
0x2b: {  	[sflag:s13] =	ssyncset.done $0x0  }
0x2c: {  	s17 =	sadd.s32 $0x9E34, s21;
	[sflag:s13] =	ssyncadd.s32 $0xFFFFC180  }
0x2d: {  	[tilespmem:s3], [sflag:$0x3] =	stream.linear.gather [hbm4b:s17+s3], $0x3E8, $0x38;
	[tilespmem:$0x6E50] =	vst v63  }
0x2e: {  	_ =	swait.ge [sflag:s6], $0x3E8  }
0x2f: {  	[sflag:s6] =	ssyncset.done $0x0  }
0x30: {  	[sflag:s6] =	ssyncadd.s32 $0xFFFFFC18  }
0x31: {  	[spmem:s2] =	stream.indirect.scatter.add.f32 [tilespmem:s9], [sflag:$0x2], $0x10, s12, s12, $0xb8;
	[tilespmem:$0x6E50] =	vst v63  }
0x32: {  	s18 =	sadd.s32 $0x4F588, s22;
	_ =	swait.ge [sflag:s15], $0x3E80  }
0x33: {  	s18 =	sshrl.u32 s18, $0x3;
	[sflag:s15] =	ssyncset.done $0x0  }
0x34: {  	s18 =	sadd.s32 s26, s18;
	[sflag:s15] =	ssyncadd.s32 $0xFFFFC180  }
0x35: {  	[tilespmem:s12], [sflag:$0x3] =	stream.linear.gather [hbm4b:s18+s3], $0x3E8, $0x38;
	[tilespmem:$0x6E50] =	vst v63  }
0x36: {  	_ =	swait.ge [sflag:s6], $0x3E8  }
0x37: {  	[sflag:s6] =	ssyncset.done $0x0  }
0x38: {  	[sflag:s6] =	ssyncadd.s32 $0xFFFFFC18  }
0x39: {  	[spmem:s2] =	stream.indirect.scatter.add.f32 [tilespmem:s9], [sflag:$0x1], $0x10, s3, s12, $0xb8;
	[tilespmem:$0x6E50] =	vst v63  }
0x3a: {  	_ =	swait.ge [sflag:s13], $0x3E80  }
0x3b: {  	[sflag:s13] =	ssyncset.done $0x0  }
0x3c: {  	s19 =	sadd.s32 $0x9F2E, s21;
	[sflag:s13] =	ssyncadd.s32 $0xFFFFC180  }
0x3d: {  	[tilespmem:s3], [sflag:$0x3] =	stream.linear.gather [hbm4b:s19+s3], $0x3E8, $0x38;
	[tilespmem:$0x6E50] =	vst v63  }
0x3e: {  	_ =	swait.ge [sflag:s6], $0x3E8  }
0x3f: {  	[sflag:s6] =	ssyncset.done $0x0  }
0x40: {  	[sflag:s6] =	ssyncadd.s32 $0xFFFFFC18  }
0x41: {  	[spmem:s2] =	stream.indirect.scatter.add.f32 [tilespmem:s9], [sflag:$0x2], $0x10, s12, s12, $0xb8;
	[tilespmem:$0x6E50] =	vst v63  }
0x42: {  	s20 =	sadd.s32 $0x4FD58, s22;
	_ =	swait.ge [sflag:s15], $0x3E80  }
0x43: {  	s20 =	sshrl.u32 s20, $0x3;
	[sflag:s15] =	ssyncset.done $0x0  }
0x44: {  	s20 =	sadd.s32 s26, s20;
	[sflag:s15] =	ssyncadd.s32 $0xFFFFC180  }
0x45: {  	[tilespmem:s12], [sflag:$0x3] =	stream.linear.gather [hbm4b:s20+s3], $0x3E8, $0x38;
	[tilespmem:$0x6E50] =	vst v63  }
0x46: {  	_ =	swait.ge [sflag:s6], $0x3E8  }
0x47: {  	[sflag:s6] =	ssyncset.done $0x0  }
0x48: {  	[sflag:s6] =	ssyncadd.s32 $0xFFFFFC18  }
0x49: {  	[spmem:s2] =	stream.indirect.scatter.add.f32 [tilespmem:s9], [sflag:$0x1], $0x10, s3, s12, $0xb8;
	[tilespmem:$0x6E50] =	vst v63  }
0x4a: {  	_ =	swait.ge [sflag:s13], $0x3E80  }
0x4b: {  	[sflag:s13] =	ssyncset.done $0x0  }
0x4c: {  	s21 =	sadd.s32 $0xA028, s21;
	[sflag:s13] =	ssyncadd.s32 $0xFFFFC180  }
0x4d: {  	[tilespmem:s3], [sflag:$0x3] =	stream.linear.gather [hbm4b:s21+s3], $0x3E8, $0x38;
	[tilespmem:$0x6E50] =	vst v63  }
0x4e: {  	_ =	swait.ge [sflag:s6], $0x3E8  }
0x4f: {  	[sflag:s6] =	ssyncset.done $0x0  }
0x50: {  	[sflag:s6] =	ssyncadd.s32 $0xFFFFFC18  }
0x51: {  	[spmem:s2] =	stream.indirect.scatter.add.f32 [tilespmem:s9], [sflag:$0x2], $0x10, s12, s12, $0xb8;
	[tilespmem:$0x6E50] =	vst v63  }
0x52: {  	s22 =	sadd.s32 $0x50528, s22;
	_ =	swait.ge [sflag:s15], $0x3E80  }
0x53: {  	s22 =	sshrl.u32 s22, $0x3;
	[sflag:s15] =	ssyncset.done $0x0  }
0x54: {  	s22 =	sadd.s32 s26, s22;
	[sflag:s15] =	ssyncadd.s32 $0xFFFFC180  }
0x55: {  	[tilespmem:s12], [sflag:$0x3] =	stream.linear.gather [hbm4b:s22+s3], $0x3E8, $0x38;
	[tilespmem:$0x6E50] =	vst v63  }
0x56: {  	_ =	swait.ge [sflag:s6], $0x3E8  }
0x57: {  	[sflag:s6] =	ssyncset.done $0x0  }
0x58: {  	[sflag:s6] =	ssyncadd.s32 $0xFFFFFC18  }
0x59: {  	[spmem:s2] =	stream.indirect.scatter.add.f32 [tilespmem:s9], [sflag:$0x1], $0x10, s3, s12, $0xb8;
	[tilespmem:$0x6E50] =	vst v63  }
0x5a: {  	s29 =	smul.u32 $0x28000, s25  }
0x5b: {  	[spmem:s2] =	stream.indirect.scatter.add.f32 [tilespmem:s9], [sflag:$0x2], $0x10, s12, s12, $0xb8;
	[tilespmem:$0x6E50] =	vst v63  }
0x5c: {  	s25 =	ssub.s32 $0x2, s25;
	_ =	swait.ge [sflag:s13], $0x3E80  }
0x5d: {  	s30 =	sshrl.u32 s25, $0x1;
	s24 =	sadd.s32 s24, s29;
	[sflag:s13] =	ssyncset.done $0x0  }
0x5e: {  	s31 =	ssub.s32 s25, s30;
	s24 =	sshrl.u32 s24, $0x3;
	[sflag:s13] =	ssyncadd.s32 $0xFFFFC180  }
0x5f: {  	s23 =	sadd.s32 s24, s23;
	s24 =	smax.u32 s31, $0x1;
	_ =	swait.ge [sflag:s15], $0x3E80  }
0x60: {  	p0 =	sne.s32 s24, $0x1;
	[sflag:s15] =	ssyncset.done $0x0  }
.Ltmp0:
0x61: {  	[sflag:s15] =	ssyncadd.s32 $0xFFFFC180;
	(pc) =	sbr.rel @!p0 .LBB2_2-.Ltmp0, $4  }
0x62: {  	s23 =	sadd.s32 $0x1C000, s23;
	[bflag:$0x0] =	sbarrier.arrive $0xFFFF  }
0x63: {  	[hbm:s23], [sflag:s5] =	dma.local [spmem:s7], $0x500  }
0x64: {  	_ =	swait.ge [sflag:s6], $0x500  }
0x65: {  	s24 =	sadd.s32 $0xFFFFFFFF, s24;
	[sflag:s6] =	ssyncset.done $0x0  }
.LBB2_1:
0x66: {  	p0 =	sne.s32 s24, $0x1;
	s24 =	sadd.s32 $0xFFFFFFFF, s24;
	[sflag:s6] =	ssyncadd.s32 $0xFFFFFB00  }
0x67: {  	[spmem:s7], [sflag:s5] =	dma.local [hbm:s4], $0x500  }
0x68: {  	_ =	swait.ge [sflag:s6], $0x500  }
0x69: {  	[sflag:s6] =	ssyncset.done $0x0  }
0x6a: {  	[sflag:s6] =	ssyncadd.s32 $0xFFFFFB00  }
0x6b: {  	[tilespmem:s9], [sflag:$0x3] =	stream.linear.gather [hbm4b:s8+s3], $0x3E80, $0x38;
	[tilespmem:$0x6E50] =	vst v63  }
0x6c: {  	_ =	swait.ge [sflag:s6], $0x3E80  }
0x6d: {  	[sflag:s6] =	ssyncset.done $0x0  }
0x6e: {  	[sflag:s6] =	ssyncadd.s32 $0xFFFFC180  }
0x6f: {  	[bflag:$0x0] =	sbarrier.arrive $0xFFFF  }
0x70: {  	[tilespmem:s3], [sflag:$0x3] =	stream.linear.gather [hbm4b:s10+s3], $0x3E8, $0x38;
	[tilespmem:$0x6E50] =	vst v63  }
0x71: {  	_ =	swait.ge [sflag:s6], $0x3E8  }
0x72: {  	[sflag:s6] =	ssyncset.done $0x0  }
0x73: {  	[sflag:s6] =	ssyncadd.s32 $0xFFFFFC18  }
0x74: {  	[tilespmem:s12], [sflag:$0x3] =	stream.linear.gather [hbm4b:s11+s3], $0x3E8, $0x38;
	[tilespmem:$0x6E50] =	vst v63  }
0x75: {  	_ =	swait.ge [sflag:s6], $0x3E8  }
0x76: {  	[sflag:s6] =	ssyncset.done $0x0  }
0x77: {  	[sflag:s6] =	ssyncadd.s32 $0xFFFFFC18  }
0x78: {  	[spmem:s2] =	stream.indirect.scatter.add.f32 [tilespmem:s9], [sflag:$0x1], $0x10, s3, s12, $0xb8;
	[tilespmem:$0x6E50] =	vst v63  }
0x79: {  	_ =	swait.ge [sflag:s13], $0x3E80  }
0x7a: {  	[sflag:s13] =	ssyncset.done $0x0  }
0x7b: {  	[sflag:s13] =	ssyncadd.s32 $0xFFFFC180  }
0x7c: {  	[tilespmem:s3], [sflag:$0x3] =	stream.linear.gather [hbm4b:s14+s3], $0x3E8, $0x38;
	[tilespmem:$0x6E50] =	vst v63  }
0x7d: {  	_ =	swait.ge [sflag:s6], $0x3E8  }
0x7e: {  	[sflag:s6] =	ssyncset.done $0x0  }
0x7f: {  	[sflag:s6] =	ssyncadd.s32 $0xFFFFFC18  }
0x80: {  	[spmem:s2] =	stream.indirect.scatter.add.f32 [tilespmem:s9], [sflag:$0x2], $0x10, s12, s12, $0xb8;
	[tilespmem:$0x6E50] =	vst v63  }
0x81: {  	_ =	swait.ge [sflag:s15], $0x3E80  }
0x82: {  	[sflag:s15] =	ssyncset.done $0x0  }
0x83: {  	[sflag:s15] =	ssyncadd.s32 $0xFFFFC180  }
0x84: {  	[tilespmem:s12], [sflag:$0x3] =	stream.linear.gather [hbm4b:s16+s3], $0x3E8, $0x38;
	[tilespmem:$0x6E50] =	vst v63  }
0x85: {  	_ =	swait.ge [sflag:s6], $0x3E8  }
0x86: {  	[sflag:s6] =	ssyncset.done $0x0  }
0x87: {  	[sflag:s6] =	ssyncadd.s32 $0xFFFFFC18  }
0x88: {  	[spmem:s2] =	stream.indirect.scatter.add.f32 [tilespmem:s9], [sflag:$0x1], $0x10, s3, s12, $0xb8;
	[tilespmem:$0x6E50] =	vst v63  }
0x89: {  	_ =	swait.ge [sflag:s13], $0x3E80  }
0x8a: {  	[sflag:s13] =	ssyncset.done $0x0  }
0x8b: {  	[sflag:s13] =	ssyncadd.s32 $0xFFFFC180  }
0x8c: {  	[tilespmem:s3], [sflag:$0x3] =	stream.linear.gather [hbm4b:s17+s3], $0x3E8, $0x38;
	[tilespmem:$0x6E50] =	vst v63  }
0x8d: {  	_ =	swait.ge [sflag:s6], $0x3E8  }
0x8e: {  	[sflag:s6] =	ssyncset.done $0x0  }
0x8f: {  	[sflag:s6] =	ssyncadd.s32 $0xFFFFFC18  }
0x90: {  	[spmem:s2] =	stream.indirect.scatter.add.f32 [tilespmem:s9], [sflag:$0x2], $0x10, s12, s12, $0xb8;
	[tilespmem:$0x6E50] =	vst v63  }
0x91: {  	_ =	swait.ge [sflag:s15], $0x3E80  }
0x92: {  	[sflag:s15] =	ssyncset.done $0x0  }
0x93: {  	[sflag:s15] =	ssyncadd.s32 $0xFFFFC180  }
0x94: {  	[tilespmem:s12], [sflag:$0x3] =	stream.linear.gather [hbm4b:s18+s3], $0x3E8, $0x38;
	[tilespmem:$0x6E50] =	vst v63  }
0x95: {  	_ =	swait.ge [sflag:s6], $0x3E8  }
0x96: {  	[sflag:s6] =	ssyncset.done $0x0  }
0x97: {  	[sflag:s6] =	ssyncadd.s32 $0xFFFFFC18  }
0x98: {  	[spmem:s2] =	stream.indirect.scatter.add.f32 [tilespmem:s9], [sflag:$0x1], $0x10, s3, s12, $0xb8;
	[tilespmem:$0x6E50] =	vst v63  }
0x99: {  	_ =	swait.ge [sflag:s13], $0x3E80  }
0x9a: {  	[sflag:s13] =	ssyncset.done $0x0  }
0x9b: {  	[sflag:s13] =	ssyncadd.s32 $0xFFFFC180  }
0x9c: {  	[tilespmem:s3], [sflag:$0x3] =	stream.linear.gather [hbm4b:s19+s3], $0x3E8, $0x38;
	[tilespmem:$0x6E50] =	vst v63  }
0x9d: {  	_ =	swait.ge [sflag:s6], $0x3E8  }
0x9e: {  	[sflag:s6] =	ssyncset.done $0x0  }
0x9f: {  	[sflag:s6] =	ssyncadd.s32 $0xFFFFFC18  }
0xa0: {  	[spmem:s2] =	stream.indirect.scatter.add.f32 [tilespmem:s9], [sflag:$0x2], $0x10, s12, s12, $0xb8;
	[tilespmem:$0x6E50] =	vst v63  }
0xa1: {  	_ =	swait.ge [sflag:s15], $0x3E80  }
0xa2: {  	[sflag:s15] =	ssyncset.done $0x0  }
0xa3: {  	[sflag:s15] =	ssyncadd.s32 $0xFFFFC180  }
0xa4: {  	[tilespmem:s12], [sflag:$0x3] =	stream.linear.gather [hbm4b:s20+s3], $0x3E8, $0x38;
	[tilespmem:$0x6E50] =	vst v63  }
0xa5: {  	_ =	swait.ge [sflag:s6], $0x3E8  }
0xa6: {  	[sflag:s6] =	ssyncset.done $0x0  }
0xa7: {  	[sflag:s6] =	ssyncadd.s32 $0xFFFFFC18  }
0xa8: {  	[spmem:s2] =	stream.indirect.scatter.add.f32 [tilespmem:s9], [sflag:$0x1], $0x10, s3, s12, $0xb8;
	[tilespmem:$0x6E50] =	vst v63  }
0xa9: {  	_ =	swait.ge [sflag:s13], $0x3E80  }
0xaa: {  	[sflag:s13] =	ssyncset.done $0x0  }
0xab: {  	[sflag:s13] =	ssyncadd.s32 $0xFFFFC180  }
0xac: {  	[tilespmem:s3], [sflag:$0x3] =	stream.linear.gather [hbm4b:s21+s3], $0x3E8, $0x38;
	[tilespmem:$0x6E50] =	vst v63  }
0xad: {  	_ =	swait.ge [sflag:s6], $0x3E8  }
0xae: {  	[sflag:s6] =	ssyncset.done $0x0  }
0xaf: {  	[sflag:s6] =	ssyncadd.s32 $0xFFFFFC18  }
0xb0: {  	[spmem:s2] =	stream.indirect.scatter.add.f32 [tilespmem:s9], [sflag:$0x2], $0x10, s12, s12, $0xb8;
	[tilespmem:$0x6E50] =	vst v63  }
0xb1: {  	_ =	swait.ge [sflag:s15], $0x3E80  }
0xb2: {  	[sflag:s15] =	ssyncset.done $0x0  }
0xb3: {  	[sflag:s15] =	ssyncadd.s32 $0xFFFFC180  }
0xb4: {  	[tilespmem:s12], [sflag:$0x3] =	stream.linear.gather [hbm4b:s22+s3], $0x3E8, $0x38;
	[tilespmem:$0x6E50] =	vst v63  }
0xb5: {  	_ =	swait.ge [sflag:s6], $0x3E8  }
0xb6: {  	[sflag:s6] =	ssyncset.done $0x0  }
0xb7: {  	[sflag:s6] =	ssyncadd.s32 $0xFFFFFC18  }
0xb8: {  	[spmem:s2] =	stream.indirect.scatter.add.f32 [tilespmem:s9], [sflag:$0x1], $0x10, s3, s12, $0xb8;
	[tilespmem:$0x6E50] =	vst v63  }
0xb9: {  	_ = 	snop  }
0xba: {  	[spmem:s2] =	stream.indirect.scatter.add.f32 [tilespmem:s9], [sflag:$0x2], $0x10, s12, s12, $0xb8;
	[tilespmem:$0x6E50] =	vst v63  }
0xbb: {  	_ =	swait.ge [sflag:s13], $0x3E80  }
0xbc: {  	[sflag:s13] =	ssyncset.done $0x0  }
0xbd: {  	[sflag:s13] =	ssyncadd.s32 $0xFFFFC180  }
0xbe: {  	_ =	swait.ge [sflag:s15], $0x3E80  }
0xbf: {  	[sflag:s15] =	ssyncset.done $0x0  }
.Ltmp1:
0xc0: {  	[sflag:s15] =	ssyncadd.s32 $0xFFFFC180;
	(pc) =	sbr.rel @p0 .LBB2_1-.Ltmp1, $4  }
0xc1: {  	[bflag:$0x0] =	sbarrier.arrive $0xFFFF  }
0xc2: {  	[hbm:s23], [sflag:s5] =	dma.local [spmem:s7], $0x500  }
0xc3: {  	_ =	swait.ge [sflag:s6], $0x500  }
0xc4: {  	[sflag:s6] =	ssyncset.done $0x0  }
.LBB2_2:
0xc5: {  	[sflag:s6] =	ssyncadd.s32 $0xFFFFFB00  }
0xc6: {  	_ =	sfence.sel $0x180000  }
0xc7: {  	[bflag:$0x0] =	sbarrier.arrive $0xFFFF  }
0xc8: {  	p0 =	sne.s32 s0, $0x0;
	_ =	strace $0x90000047  }
0xc9: {  	s0 =	sadd.s32 @!p0 $0x100000, s1;
	[bflag:$0x2] =	sbarrier.arrive $0xFFFF  }
0xca: {  	[sflag:s0] =	ssyncadd.tile.s32 @!p0 $0x1;
	_ =	shalt  }
.Lfunc_end2:
_tile_overlayer_lowered:
.L_overlay_start_2:
0xcb: {  	(tag) =	ssettag $0x2  }
0xcc: {  	s0 =	rddreg [dreg:$0x0];
	s2 =	stileid.u32  }
0xcd: {  	s1 =	rddreg [dreg:$0x1];
	p0 =	sne.s32 s2, $0x0  }
0xce: {  	s3 =	rddreg [dreg:$0x2];
	[bflag:$0x3] =	sbarrier.arrive $0xFFFF;
	s2 =	simm.s32 @!p0 $0x1C03  }
0xcf: {  	[timem:s3], [sflag:s2] =	dma.local @!p0 [hbm:s0], s1  }
0xd0: {  	s0 =	simm.s32 @!p0 $0x3  }
0xd1: {  	_ =	swait.ge @!p0 [sflag:s0], s1  }
0xd2: {  	s1 =	ssub.s32 @!p0 $0x0, s1;
	[sflag:s0] =	ssyncset.done @!p0 $0x0  }
0xd3: {  	[sflag:s0] =	ssyncadd.s32 @!p0 s1  }
0xd4: {  	[bflag:$0x3] =	sbarrier.arrive $0xFFFF  }
0xd5: {  	_ =	shalt  }

</sc_bundles>
